<compile_context>
chip_gen: v7x
topology: tpu7x:2x2x1
jax: 0.10.2.dev20260603
libtpu: 0.0.44.dev20260713+nightly
codegen_flags: <defaults>
</compile_context>

<pallas_src>
import functools

import jax
import jax.numpy as jnp
from jax import lax
from jax.experimental import pallas as pl
from jax.experimental.pallas import tpu as pltpu
from jax.experimental.pallas import tpu_sc as plsc

N_EMB = 8192
DIM = 256
N_BATCH = 8
N_TOK = 8192
BETA_C = 0.25

NT = 512
CH = 8192
NZ = N_TOK // NT
NM = N_EMB // CH


def _argmin_body(z_ref, w_ref, z2_ref, w2_ref, enc_ref, vq_ref, com_ref,
                 col_ref, wt_ref, m_ref, acc_ref):
    i = pl.program_id(0)
    j = pl.program_id(1)
    js = pl.ds(j * CH, CH)
    z = z_ref[...]

    @pl.when(i == 0)
    def _():
        wblk = w_ref[js, :]
        wt_ref[:, js] = wblk.T
        col_ref[0, js] = (
            lax.broadcasted_iota(jnp.int32, (1, CH), 1) + j * CH
        ).astype(jnp.float32)[0]

    dot = lax.dot_general(z, wt_ref[:, js], (((1,), (0,)), ((), ())),
                          precision=lax.Precision.DEFAULT,
                          preferred_element_type=jnp.float32)
    z2 = z2_ref[pl.ds(i * NT, NT)]
    sq = (z2[:, None] + w2_ref[0, js][None, :]) - 2.0 * dot
    m_ref[:, js] = jnp.sqrt(jnp.maximum(sq, 0.0))

    @pl.when(j == NM - 1)
    def _():
        m = m_ref[...]
        minv = jnp.min(m, axis=1, keepdims=True)
        masked = jnp.where(m_ref[...] == minv, col_ref[0, :][None, :],
                           jnp.float32(3e38))
        enc = jnp.min(masked, axis=1).astype(jnp.int32)
        enc_ref[pl.ds(i * NT, NT)] = enc
        part = jnp.sum(minv[:, 0] * minv[:, 0])
        prev = jnp.where(i == 0, 0.0, acc_ref[0, 0])
        acc_ref[0, 0] = prev + part

        @pl.when(i == NZ - 1)
        def _():
            vq = acc_ref[0, 0] / jnp.float32(N_TOK * DIM)
            vq_ref[0, 0] = vq
            com_ref[0, 0] = BETA_C * vq


_argmin_call = pl.pallas_call(
    _argmin_body,
    grid=(NZ, NM),
    in_specs=[
        pl.BlockSpec((NT, DIM), lambda i, j: (i, 0)),
        pl.BlockSpec((N_EMB, DIM), lambda i, j: (0, 0)),
        pl.BlockSpec((N_TOK,), lambda i, j: (0,)),
        pl.BlockSpec((1, N_EMB), lambda i, j: (0, 0)),
    ],
    out_specs=[
        pl.BlockSpec((N_TOK,), lambda i, j: (0,)),
        pl.BlockSpec(memory_space=pltpu.SMEM),
        pl.BlockSpec(memory_space=pltpu.SMEM),
    ],
    out_shape=[
        jax.ShapeDtypeStruct((N_TOK,), jnp.int32),
        jax.ShapeDtypeStruct((1, 1), jnp.float32),
        jax.ShapeDtypeStruct((1, 1), jnp.float32),
    ],
    scratch_shapes=[
        pltpu.VMEM((1, N_EMB), jnp.float32),
        pltpu.VMEM((DIM, N_EMB), jnp.float32),
        pltpu.VMEM((NT, N_EMB), jnp.float32),
        pltpu.SMEM((1, 1), jnp.float32),
    ],
)

NC, NS = 2, 16
NW = NC * NS
TOK_PER = N_TOK // NW
HIST = N_BATCH * N_EMB
HIST_PER = HIST // NS
IDXW = 128
NIDX = TOK_PER // IDXW

def _sc_gather_hist_body(enc_hbm, bids_hbm, w_hbm, quant_hbm, counts_hbm,
                         idx_v, bid_v, flat_v, ones_v, rows_v, buf_v,
                         hist_sh, sem):
    c = lax.axis_index("c")
    s = lax.axis_index("s")
    wid = s * NC + c
    base = wid * TOK_PER

    pltpu.sync_copy(enc_hbm.at[pl.ds(wid * NIDX, NIDX)], idx_v)
    pltpu.sync_copy(bids_hbm.at[pl.ds(wid * NIDX, NIDX)], bid_v)

    gathers = [
        pltpu.async_copy(w_hbm.at[idx_v.at[k]],
                         rows_v.at[pl.ds(k * IDXW, IDXW)], sem)
        for k in range(NIDX)
    ]

    for k in range(NIDX):
        for t in range(IDXW // 16):
            sl = pl.ds(t * 16, 16)
            flat_v[k, sl] = bid_v[k, sl] * N_EMB + idx_v[k, sl]
    for t in range(IDXW // 16):
        ones_v[pl.ds(t * 16, 16)] = jnp.full((16,), 1.0, jnp.float32)

    for t in range(HIST_PER // 16):
        buf_v[pl.ds(t * 16, 16)] = jnp.zeros((16,), jnp.float32)
    pltpu.sync_copy(buf_v, hist_sh.at[pl.ds(s * HIST_PER, HIST_PER)])
    plsc.subcore_barrier()

    for k in range(NIDX):
        pltpu.sync_copy(ones_v, hist_sh.at[flat_v.at[k]], add=True)

    for g in gathers:
        g.wait()
    pltpu.sync_copy(rows_v, quant_hbm.at[pl.ds(base, TOK_PER)])
    plsc.subcore_barrier()

    pltpu.sync_copy(hist_sh.at[pl.ds(s * HIST_PER, HIST_PER)], buf_v)
    pltpu.sync_copy(buf_v, counts_hbm.at[c, pl.ds(s * HIST_PER, HIST_PER)])


@functools.lru_cache(maxsize=1)
def _sc_call():
    mesh = plsc.VectorSubcoreMesh(core_axis_name="c", subcore_axis_name="s",
                                  num_cores=NC, num_subcores=NS)
    return functools.partial(
        pl.kernel,
        out_type=[
            jax.ShapeDtypeStruct((N_TOK, DIM), jnp.float32),
            jax.ShapeDtypeStruct((NC, HIST), jnp.float32),
        ],
        mesh=mesh,
        scratch_types=[
            pltpu.VMEM((NIDX, IDXW), jnp.int32),
            pltpu.VMEM((NIDX, IDXW), jnp.int32),
            pltpu.VMEM((NIDX, IDXW), jnp.int32),
            pltpu.VMEM((IDXW,), jnp.float32),
            pltpu.VMEM((TOK_PER, DIM), jnp.float32),
            pltpu.VMEM((HIST_PER,), jnp.float32),
            pltpu.VMEM_SHARED((HIST,), jnp.float32),
            pltpu.SemaphoreType.DMA,
        ],
    )(_sc_gather_hist_body)


def _stats_body(counts_ref, perp_ref, ent_ref, uniq_ref, util_ref, buniq_ref):
    c = counts_ref[0] + counts_ref[1]
    totals = jnp.sum(c, axis=1, keepdims=True)
    probs = c / jnp.maximum(totals, 1.0)
    ent = -jnp.sum(probs * jnp.log(probs + 1e-10), axis=1)
    perp = jnp.exp(ent)
    uniq = jnp.sum((c > 0).astype(jnp.float32), axis=1)
    avg_perp = jnp.sum(perp) / N_BATCH
    avg_ent = jnp.sum(ent) / N_BATCH
    avg_uniq = jnp.sum(uniq) / N_BATCH
    perp_ref[0, 0] = avg_perp
    ent_ref[0, 0] = avg_ent
    uniq_ref[0, 0] = avg_uniq
    util_ref[0, 0] = avg_uniq / N_EMB * 100.0
    per_code = jnp.sum(c, axis=0)
    buniq_ref[0, 0] = jnp.sum((per_code > 0).astype(jnp.int32))


_stats_call = pl.pallas_call(
    _stats_body,
    out_specs=[pl.BlockSpec(memory_space=pltpu.SMEM)] * 5,
    out_shape=[jax.ShapeDtypeStruct((1, 1), jnp.float32)] * 4
    + [jax.ShapeDtypeStruct((1, 1), jnp.int32)],
)


def kernel(z_feats, batch_ids, W):
    z2 = jnp.sum(z_feats * z_feats, axis=1)
    w2 = jnp.sum(W * W, axis=1)
    enc, vq2d, com2d = _argmin_call(z_feats, W, z2, w2[None, :])
    enc2d = enc.reshape(N_TOK // IDXW, IDXW)
    bids2d = batch_ids.reshape(N_TOK // IDXW, IDXW)
    quant, counts = _sc_call()(enc2d, bids2d, W)
    perp2d, ent2d, uniq2d, util2d, buniq2d = _stats_call(
        counts.reshape(NC, N_BATCH, N_EMB))
    return (quant, vq2d[0, 0], com2d[0, 0], enc,
            perp2d[0, 0], ent2d[0, 0], uniq2d[0, 0], util2d[0, 0],
            buniq2d[0, 0])

# --- scband reference (transcript-rebuilt; emitter-appended) ---
"""Pipeline reference for scband-sparse-vector-quantizer-10711648436602 (READ-ONLY COPY).

The authoritative reference and input builder live on the scoring server;
editing this copy changes nothing except your own understanding.
"""

import jax, jax.numpy as jnp
import numpy as np

NUM_EMBEDDINGS = 8192
EMBEDDING_DIM = 256
BETA = 0.25
NUM_BATCH = 8
N_TOKENS = 8192


def setup_inputs(seed: int = 0) -> dict:
    key = jax.random.key(seed)
    k1, k2, k3 = jax.random.split(key, 3)
    z_feats = jax.random.normal(k1, (N_TOKENS, EMBEDDING_DIM), dtype=jnp.float32)
    batch_ids = jnp.sort(jax.random.randint(k2, (N_TOKENS,), 0, NUM_BATCH, dtype=jnp.int32))
    # learned codebook (nn.Embedding weight, init normal(0,1))
    W = jax.random.normal(k3, (NUM_EMBEDDINGS, EMBEDDING_DIM), dtype=jnp.float32)
    return {"z_feats": z_feats, "batch_ids": batch_ids, "W": W}


def reference(z_feats, batch_ids, W):
    # distances = torch.cdist(z, W)  (euclidean)
    z2 = jnp.sum(z_feats * z_feats, axis=1, keepdims=True)
    w2 = jnp.sum(W * W, axis=1)[None, :]
    sq = z2 + w2 - 2.0 * (z_feats @ W.T)
    distances = jnp.sqrt(jnp.maximum(sq, 0.0))
    encoding_indices = jnp.argmin(distances, axis=1)
    quantized = jnp.take(W, encoding_indices, axis=0)
    # standard VQ losses (gradient-update mode, use_ema_update=False)
    vq_loss = jnp.mean((quantized - jax.lax.stop_gradient(z_feats)) ** 2)
    commitment_loss = BETA * jnp.mean((jax.lax.stop_gradient(quantized) - z_feats) ** 2)
    # straight-through estimator
    quantized_st = z_feats + jax.lax.stop_gradient(quantized - z_feats)
    # per-sample codebook stats (vectorized equivalent of the per-batch-id loop)
    counts = jnp.zeros((NUM_BATCH, NUM_EMBEDDINGS), jnp.float32).at[batch_ids, encoding_indices].add(1.0)
    totals = jnp.sum(counts, axis=1, keepdims=True)
    probs = counts / jnp.maximum(totals, 1.0)
    eps = 1e-10
    entropies = -jnp.sum(probs * jnp.log(probs + eps), axis=1)
    perplexities = jnp.exp(entropies)
    unique_counts = jnp.sum((counts > 0).astype(jnp.float32), axis=1)
    avg_perplexity = jnp.mean(perplexities)
    avg_entropy = jnp.mean(entropies)
    avg_unique = jnp.mean(unique_counts)
    utilization_ratio = avg_unique / NUM_EMBEDDINGS * 100.0
    batch_unique = jnp.sum((jnp.bincount(encoding_indices, length=NUM_EMBEDDINGS) > 0).astype(jnp.int32))
    return (quantized_st, vq_loss, commitment_loss, encoding_indices,
            avg_perplexity, avg_entropy, avg_unique, utilization_ratio, batch_unique)

if __name__ == "__main__":
    import jax
    _d = setup_inputs()
    print(jax.jit(kernel)(*tuple(_d.values())))

</pallas_src>

<mosaic_0001>
#map = affine_map<(d0, d1) -> (0, 0)>
module attributes {stable_mosaic.version = 14 : i64} {
  func.func @_sc_gather_hist_body(%arg0: i32, %arg1: i32, %arg2: memref<64x128xi32, #tpu.memory_space<hbm>>, %arg3: memref<64x128xi32, #tpu.memory_space<hbm>>, %arg4: memref<8192x256xf32, #tpu.memory_space<hbm>>, %arg5: memref<8192x256xf32, #tpu.memory_space<hbm>>, %arg6: memref<2x65536xf32, #tpu.memory_space<hbm>>, %arg7: memref<2x128xi32, #tpu.memory_space<vmem>>, %arg8: memref<2x128xi32, #tpu.memory_space<vmem>>, %arg9: memref<2x128xi32, #tpu.memory_space<vmem>>, %arg10: memref<128xf32, #tpu.memory_space<vmem>>, %arg11: memref<256x256xf32, #tpu.memory_space<vmem>>, %arg12: memref<4096xf32, #tpu.memory_space<vmem>>, %arg13: memref<65536xf32, #tpu.memory_space<vmem_shared>>, %arg14: memref<!tpu.dma_semaphore, #tpu.memory_space<semaphore_mem>>) attributes {dimension_semantics = [#tpu.dimension_semantics<core_parallel>, #tpu.dimension_semantics<subcore_parallel>], iteration_bounds = array<i64: 2, 16>, scalar_prefetch = 0 : i64, scratch_operands = 8 : i64, tpu.core_type = #tpu.core_type<sc_vector_subcore>, window_params = [{transform_indices = #map}, {transform_indices = #map}, {transform_indices = #map}, {transform_indices = #map}, {transform_indices = #map}]} {
    %mul3A = arith.constant 2 : i32
    %mul3A_0 = arith.muli %arg1, %mul3A : i32
    %add3A = arith.addi %mul3A_0, %arg0 : i32
    %mul3A_1 = arith.constant 256 : i32
    %mul3A_2 = arith.muli %add3A, %mul3A_1 : i32
    %mul3A_3 = arith.constant 2 : i32
    %mul3A_4 = arith.muli %add3A, %mul3A_3 : i32
    "tpu.region"() ({
      %run_scoped3A_1954 = tpu.sem_alloc : memref<!tpu.dma_semaphore, #tpu.memory_space<semaphore_mem>>
      %dma_start3A_1955 = arith.constant 0 : i32
      %dma_start3A_1956 = tpu.memref_slice %arg2[%mul3A_4, %dma_start3A_1955] : memref<64x128xi32, #tpu.memory_space<hbm>> -> memref<2x128xi32, #tpu.memory_space<hbm>>
      %dma_start3A_1957 = arith.constant 0 : i32
      %dma_start3A_1958 = tpu.memref_slice %arg2[%mul3A_4, %dma_start3A_1957] : memref<64x128xi32, #tpu.memory_space<hbm>> -> memref<2x128xi32, #tpu.memory_space<hbm>>
      tpu.enqueue_dma source(%dma_start3A_1958 : memref<2x128xi32, #tpu.memory_space<hbm>>) target(%arg7 : memref<2x128xi32, #tpu.memory_space<vmem>>) target_semaphore(%run_scoped3A_1954 : memref<!tpu.dma_semaphore, #tpu.memory_space<semaphore_mem>>)
      %dma_wait3A_1959 = arith.constant 0 : i32
      %dma_wait3A_1960 = tpu.memref_slice %arg2[%mul3A_4, %dma_wait3A_1959] : memref<64x128xi32, #tpu.memory_space<hbm>> -> memref<2x128xi32, #tpu.memory_space<hbm>>
      %dma_wait3A_1961 = arith.constant 0 : i32
      %dma_wait3A_1962 = tpu.memref_slice %arg2[%mul3A_4, %dma_wait3A_1961] : memref<64x128xi32, #tpu.memory_space<hbm>> -> memref<2x128xi32, #tpu.memory_space<hbm>>
      tpu.wait_dma2 semaphore(%run_scoped3A_1954 : memref<!tpu.dma_semaphore, #tpu.memory_space<semaphore_mem>>) src(%dma_wait3A_1962 : memref<2x128xi32, #tpu.memory_space<hbm>>) dst(%arg7 : memref<2x128xi32, #tpu.memory_space<vmem>>)
      tpu.yield
    }) : () -> ()
    %mul3A_5 = arith.constant 2 : i32
    %mul3A_6 = arith.muli %add3A, %mul3A_5 : i32
    "tpu.region"() ({
      %run_scoped3A_1954 = tpu.sem_alloc : memref<!tpu.dma_semaphore, #tpu.memory_space<semaphore_mem>>
      %dma_start3A_1955 = arith.constant 0 : i32
      %dma_start3A_1956 = tpu.memref_slice %arg3[%mul3A_6, %dma_start3A_1955] : memref<64x128xi32, #tpu.memory_space<hbm>> -> memref<2x128xi32, #tpu.memory_space<hbm>>
      %dma_start3A_1957 = arith.constant 0 : i32
      %dma_start3A_1958 = tpu.memref_slice %arg3[%mul3A_6, %dma_start3A_1957] : memref<64x128xi32, #tpu.memory_space<hbm>> -> memref<2x128xi32, #tpu.memory_space<hbm>>
      tpu.enqueue_dma source(%dma_start3A_1958 : memref<2x128xi32, #tpu.memory_space<hbm>>) target(%arg8 : memref<2x128xi32, #tpu.memory_space<vmem>>) target_semaphore(%run_scoped3A_1954 : memref<!tpu.dma_semaphore, #tpu.memory_space<semaphore_mem>>)
      %dma_wait3A_1959 = arith.constant 0 : i32
      %dma_wait3A_1960 = tpu.memref_slice %arg3[%mul3A_6, %dma_wait3A_1959] : memref<64x128xi32, #tpu.memory_space<hbm>> -> memref<2x128xi32, #tpu.memory_space<hbm>>
      %dma_wait3A_1961 = arith.constant 0 : i32
      %dma_wait3A_1962 = tpu.memref_slice %arg3[%mul3A_6, %dma_wait3A_1961] : memref<64x128xi32, #tpu.memory_space<hbm>> -> memref<2x128xi32, #tpu.memory_space<hbm>>
      tpu.wait_dma2 semaphore(%run_scoped3A_1954 : memref<!tpu.dma_semaphore, #tpu.memory_space<semaphore_mem>>) src(%dma_wait3A_1962 : memref<2x128xi32, #tpu.memory_space<hbm>>) dst(%arg8 : memref<2x128xi32, #tpu.memory_space<vmem>>)
      tpu.yield
    }) : () -> ()
    %dma_start3A = arith.constant 0 : i32
    %dma_start3A_7 = arith.constant 0 : i32
    %dma_start3A_8 = arith.constant 0 : i32
    %dma_start3A_9 = tpu.memref_slice %arg11[%dma_start3A_7, %dma_start3A_8] : memref<256x256xf32, #tpu.memory_space<vmem>> -> memref<128x256xf32, #tpu.memory_space<vmem>>
    %dma_start3A_10 = arith.constant 0 : i32
    %dma_start3A_11 = tpu.memref_slice %arg7[%dma_start3A, %dma_start3A_10] : memref<2x128xi32, #tpu.memory_space<vmem>> -> memref<1x128xi32, #tpu.memory_space<vmem>>
    %dma_start3A_12 = tpu.memref_squeeze %dma_start3A_11 : memref<1x128xi32, #tpu.memory_space<vmem>> -> memref<128xi32, #tpu.memory_space<vmem>>
    %dma_start3A_13 = arith.constant 0 : i32
    %dma_start3A_14 = arith.constant 0 : i32
    %dma_start3A_15 = tpu.memref_slice %arg4[%dma_start3A_13, %dma_start3A_14] : memref<8192x256xf32, #tpu.memory_space<hbm>> -> memref<8192x256xf32, #tpu.memory_space<hbm>>
    tpu.enqueue_indirect_dma source(%dma_start3A_15 : memref<8192x256xf32, #tpu.memory_space<hbm>>) target(%dma_start3A_9 : memref<128x256xf32, #tpu.memory_space<vmem>>) offsets(%dma_start3A_12 : memref<128xi32, #tpu.memory_space<vmem>>) semaphore(%arg14 : memref<!tpu.dma_semaphore, #tpu.memory_space<semaphore_mem>>)
    %dma_start3A_16 = arith.constant 1 : i32
    %dma_start3A_17 = arith.constant 128 : i32
    %dma_start3A_18 = arith.constant 0 : i32
    %dma_start3A_19 = tpu.memref_slice %arg11[%dma_start3A_17, %dma_start3A_18] : memref<256x256xf32, #tpu.memory_space<vmem>> -> memref<128x256xf32, #tpu.memory_space<vmem>>
    %dma_start3A_20 = arith.constant 0 : i32
    %dma_start3A_21 = tpu.memref_slice %arg7[%dma_start3A_16, %dma_start3A_20] : memref<2x128xi32, #tpu.memory_space<vmem>> -> memref<1x128xi32, #tpu.memory_space<vmem>>
    %dma_start3A_22 = tpu.memref_squeeze %dma_start3A_21 : memref<1x128xi32, #tpu.memory_space<vmem>> -> memref<128xi32, #tpu.memory_space<vmem>>
    %dma_start3A_23 = arith.constant 0 : i32
    %dma_start3A_24 = arith.constant 0 : i32
    %dma_start3A_25 = tpu.memref_slice %arg4[%dma_start3A_23, %dma_start3A_24] : memref<8192x256xf32, #tpu.memory_space<hbm>> -> memref<8192x256xf32, #tpu.memory_space<hbm>>
    tpu.enqueue_indirect_dma source(%dma_start3A_25 : memref<8192x256xf32, #tpu.memory_space<hbm>>) target(%dma_start3A_19 : memref<128x256xf32, #tpu.memory_space<vmem>>) offsets(%dma_start3A_22 : memref<128xi32, #tpu.memory_space<vmem>>) semaphore(%arg14 : memref<!tpu.dma_semaphore, #tpu.memory_space<semaphore_mem>>)
    %get3A = arith.constant 0 : i32
    %get3A_26 = arith.index_cast %get3A : i32 to index
    %get3A_27 = arith.constant 0 : index
    %get3A_28 = tpu.vector_load %arg8[%get3A_26, %get3A_27] {strides = array<i32>} : memref<2x128xi32, #tpu.memory_space<vmem>>, vector<1x16xi32>,
    %get3A_29 = vector.shape_cast %get3A_28 : vector<1x16xi32> to vector<16xi32>
    %mul3A_30 = arith.constant 8192 : i32
    %mul3A_31 = vector.broadcast %mul3A_30 : i32 to vector<16xi32>
    %mul3A_32 = arith.muli %get3A_29, %mul3A_31 : vector<16xi32>
    %get3A_33 = arith.constant 0 : i32
    %get3A_34 = arith.index_cast %get3A_33 : i32 to index
    %get3A_35 = arith.constant 0 : index
    %get3A_36 = tpu.vector_load %arg7[%get3A_34, %get3A_35] {strides = array<i32>} : memref<2x128xi32, #tpu.memory_space<vmem>>, vector<1x16xi32>,
    %get3A_37 = vector.shape_cast %get3A_36 : vector<1x16xi32> to vector<16xi32>
    %add3A_38 = arith.addi %mul3A_32, %get3A_37 : vector<16xi32>
    %swap3A = arith.constant 0 : i32
    %swap3A_39 = arith.index_cast %swap3A : i32 to index
    %swap3A_40 = arith.constant 0 : index
    %swap3A_41 = tpu.vector_load %arg9[%swap3A_39, %swap3A_40] {strides = array<i32>} : memref<2x128xi32, #tpu.memory_space<vmem>>, vector<1x16xi32>,
    %swap3A_42 = vector.shape_cast %swap3A_41 : vector<1x16xi32> to vector<16xi32>
    %swap3A_43 = vector.shape_cast %add3A_38 : vector<16xi32> to vector<1x16xi32>
    tpu.vector_store %arg9[%swap3A_39, %swap3A_40], %swap3A_43 {strides = array<i32>} : memref<2x128xi32, #tpu.memory_space<vmem>>, vector<1x16xi32>,
    %get3A_44 = arith.constant 0 : i32
    %get3A_45 = arith.index_cast %get3A_44 : i32 to index
    %get3A_46 = arith.constant 16 : index
    %get3A_47 = tpu.vector_load %arg8[%get3A_45, %get3A_46] {strides = array<i32>} : memref<2x128xi32, #tpu.memory_space<vmem>>, vector<1x16xi32>,
    %get3A_48 = vector.shape_cast %get3A_47 : vector<1x16xi32> to vector<16xi32>
    %mul3A_49 = arith.constant 8192 : i32
    %mul3A_50 = vector.broadcast %mul3A_49 : i32 to vector<16xi32>
    %mul3A_51 = arith.muli %get3A_48, %mul3A_50 : vector<16xi32>
    %get3A_52 = arith.constant 0 : i32
    %get3A_53 = arith.index_cast %get3A_52 : i32 to index
    %get3A_54 = arith.constant 16 : index
    %get3A_55 = tpu.vector_load %arg7[%get3A_53, %get3A_54] {strides = array<i32>} : memref<2x128xi32, #tpu.memory_space<vmem>>, vector<1x16xi32>,
    %get3A_56 = vector.shape_cast %get3A_55 : vector<1x16xi32> to vector<16xi32>
    %add3A_57 = arith.addi %mul3A_51, %get3A_56 : vector<16xi32>
    %swap3A_58 = arith.constant 0 : i32
    %swap3A_59 = arith.index_cast %swap3A_58 : i32 to index
    %swap3A_60 = arith.constant 16 : index
    %swap3A_61 = tpu.vector_load %arg9[%swap3A_59, %swap3A_60] {strides = array<i32>} : memref<2x128xi32, #tpu.memory_space<vmem>>, vector<1x16xi32>,
    %swap3A_62 = vector.shape_cast %swap3A_61 : vector<1x16xi32> to vector<16xi32>
    %swap3A_63 = vector.shape_cast %add3A_57 : vector<16xi32> to vector<1x16xi32>
    tpu.vector_store %arg9[%swap3A_59, %swap3A_60], %swap3A_63 {strides = array<i32>} : memref<2x128xi32, #tpu.memory_space<vmem>>, vector<1x16xi32>,
    %get3A_64 = arith.constant 0 : i32
    %get3A_65 = arith.index_cast %get3A_64 : i32 to index
    %get3A_66 = arith.constant 32 : index
    %get3A_67 = tpu.vector_load %arg8[%get3A_65, %get3A_66] {strides = array<i32>} : memref<2x128xi32, #tpu.memory_space<vmem>>, vector<1x16xi32>,
    %get3A_68 = vector.shape_cast %get3A_67 : vector<1x16xi32> to vector<16xi32>
    %mul3A_69 = arith.constant 8192 : i32
    %mul3A_70 = vector.broadcast %mul3A_69 : i32 to vector<16xi32>
    %mul3A_71 = arith.muli %get3A_68, %mul3A_70 : vector<16xi32>
    %get3A_72 = arith.constant 0 : i32
    %get3A_73 = arith.index_cast %get3A_72 : i32 to index
    %get3A_74 = arith.constant 32 : index
    %get3A_75 = tpu.vector_load %arg7[%get3A_73, %get3A_74] {strides = array<i32>} : memref<2x128xi32, #tpu.memory_space<vmem>>, vector<1x16xi32>,
    %get3A_76 = vector.shape_cast %get3A_75 : vector<1x16xi32> to vector<16xi32>
    %add3A_77 = arith.addi %mul3A_71, %get3A_76 : vector<16xi32>
    %swap3A_78 = arith.constant 0 : i32
    %swap3A_79 = arith.index_cast %swap3A_78 : i32 to index
    %swap3A_80 = arith.constant 32 : index
    %swap3A_81 = tpu.vector_load %arg9[%swap3A_79, %swap3A_80] {strides = array<i32>} : memref<2x128xi32, #tpu.memory_space<vmem>>, vector<1x16xi32>,
    %swap3A_82 = vector.shape_cast %swap3A_81 : vector<1x16xi32> to vector<16xi32>
    %swap3A_83 = vector.shape_cast %add3A_77 : vector<16xi32> to vector<1x16xi32>
    tpu.vector_store %arg9[%swap3A_79, %swap3A_80], %swap3A_83 {strides = array<i32>} : memref<2x128xi32, #tpu.memory_space<vmem>>, vector<1x16xi32>,
    %get3A_84 = arith.constant 0 : i32
    %get3A_85 = arith.index_cast %get3A_84 : i32 to index
    %get3A_86 = arith.constant 48 : index
    %get3A_87 = tpu.vector_load %arg8[%get3A_85, %get3A_86] {strides = array<i32>} : memref<2x128xi32, #tpu.memory_space<vmem>>, vector<1x16xi32>,
    %get3A_88 = vector.shape_cast %get3A_87 : vector<1x16xi32> to vector<16xi32>
    %mul3A_89 = arith.constant 8192 : i32
    %mul3A_90 = vector.broadcast %mul3A_89 : i32 to vector<16xi32>
    %mul3A_91 = arith.muli %get3A_88, %mul3A_90 : vector<16xi32>
    %get3A_92 = arith.constant 0 : i32
    %get3A_93 = arith.index_cast %get3A_92 : i32 to index
    %get3A_94 = arith.constant 48 : index
    %get3A_95 = tpu.vector_load %arg7[%get3A_93, %get3A_94] {strides = array<i32>} : memref<2x128xi32, #tpu.memory_space<vmem>>, vector<1x16xi32>,
    %get3A_96 = vector.shape_cast %get3A_95 : vector<1x16xi32> to vector<16xi32>
    %add3A_97 = arith.addi %mul3A_91, %get3A_96 : vector<16xi32>
    %swap3A_98 = arith.constant 0 : i32
    %swap3A_99 = arith.index_cast %swap3A_98 : i32 to index
    %swap3A_100 = arith.constant 48 : index
    %swap3A_101 = tpu.vector_load %arg9[%swap3A_99, %swap3A_100] {strides = array<i32>} : memref<2x128xi32, #tpu.memory_space<vmem>>, vector<1x16xi32>,
    %swap3A_102 = vector.shape_cast %swap3A_101 : vector<1x16xi32> to vector<16xi32>
    %swap3A_103 = vector.shape_cast %add3A_97 : vector<16xi32> to vector<1x16xi32>
    tpu.vector_store %arg9[%swap3A_99, %swap3A_100], %swap3A_103 {strides = array<i32>} : memref<2x128xi32, #tpu.memory_space<vmem>>, vector<1x16xi32>,
    %get3A_104 = arith.constant 0 : i32
    %get3A_105 = arith.index_cast %get3A_104 : i32 to index
    %get3A_106 = arith.constant 64 : index
    %get3A_107 = tpu.vector_load %arg8[%get3A_105, %get3A_106] {strides = array<i32>} : memref<2x128xi32, #tpu.memory_space<vmem>>, vector<1x16xi32>,
    %get3A_108 = vector.shape_cast %get3A_107 : vector<1x16xi32> to vector<16xi32>
    %mul3A_109 = arith.constant 8192 : i32
    %mul3A_110 = vector.broadcast %mul3A_109 : i32 to vector<16xi32>
    %mul3A_111 = arith.muli %get3A_108, %mul3A_110 : vector<16xi32>
    %get3A_112 = arith.constant 0 : i32
    %get3A_113 = arith.index_cast %get3A_112 : i32 to index
    %get3A_114 = arith.constant 64 : index
    %get3A_115 = tpu.vector_load %arg7[%get3A_113, %get3A_114] {strides = array<i32>} : memref<2x128xi32, #tpu.memory_space<vmem>>, vector<1x16xi32>,
    %get3A_116 = vector.shape_cast %get3A_115 : vector<1x16xi32> to vector<16xi32>
    %add3A_117 = arith.addi %mul3A_111, %get3A_116 : vector<16xi32>
    %swap3A_118 = arith.constant 0 : i32
    %swap3A_119 = arith.index_cast %swap3A_118 : i32 to index
    %swap3A_120 = arith.constant 64 : index
    %swap3A_121 = tpu.vector_load %arg9[%swap3A_119, %swap3A_120] {strides = array<i32>} : memref<2x128xi32, #tpu.memory_space<vmem>>, vector<1x16xi32>,
    %swap3A_122 = vector.shape_cast %swap3A_121 : vector<1x16xi32> to vector<16xi32>
    %swap3A_123 = vector.shape_cast %add3A_117 : vector<16xi32> to vector<1x16xi32>
    tpu.vector_store %arg9[%swap3A_119, %swap3A_120], %swap3A_123 {strides = array<i32>} : memref<2x128xi32, #tpu.memory_space<vmem>>, vector<1x16xi32>,
    %get3A_124 = arith.constant 0 : i32
    %get3A_125 = arith.index_cast %get3A_124 : i32 to index
    %get3A_126 = arith.constant 80 : index
    %get3A_127 = tpu.vector_load %arg8[%get3A_125, %get3A_126] {strides = array<i32>} : memref<2x128xi32, #tpu.memory_space<vmem>>, vector<1x16xi32>,
    %get3A_128 = vector.shape_cast %get3A_127 : vector<1x16xi32> to vector<16xi32>
    %mul3A_129 = arith.constant 8192 : i32
    %mul3A_130 = vector.broadcast %mul3A_129 : i32 to vector<16xi32>
    %mul3A_131 = arith.muli %get3A_128, %mul3A_130 : vector<16xi32>
    %get3A_132 = arith.constant 0 : i32
    %get3A_133 = arith.index_cast %get3A_132 : i32 to index
    %get3A_134 = arith.constant 80 : index
    %get3A_135 = tpu.vector_load %arg7[%get3A_133, %get3A_134] {strides = array<i32>} : memref<2x128xi32, #tpu.memory_space<vmem>>, vector<1x16xi32>,
    %get3A_136 = vector.shape_cast %get3A_135 : vector<1x16xi32> to vector<16xi32>
    %add3A_137 = arith.addi %mul3A_131, %get3A_136 : vector<16xi32>
    %swap3A_138 = arith.constant 0 : i32
    %swap3A_139 = arith.index_cast %swap3A_138 : i32 to index
    %swap3A_140 = arith.constant 80 : index
    %swap3A_141 = tpu.vector_load %arg9[%swap3A_139, %swap3A_140] {strides = array<i32>} : memref<2x128xi32, #tpu.memory_space<vmem>>, vector<1x16xi32>,
    %swap3A_142 = vector.shape_cast %swap3A_141 : vector<1x16xi32> to vector<16xi32>
    %swap3A_143 = vector.shape_cast %add3A_137 : vector<16xi32> to vector<1x16xi32>
    tpu.vector_store %arg9[%swap3A_139, %swap3A_140], %swap3A_143 {strides = array<i32>} : memref<2x128xi32, #tpu.memory_space<vmem>>, vector<1x16xi32>,
    %get3A_144 = arith.constant 0 : i32
    %get3A_145 = arith.index_cast %get3A_144 : i32 to index
    %get3A_146 = arith.constant 96 : index
    %get3A_147 = tpu.vector_load %arg8[%get3A_145, %get3A_146] {strides = array<i32>} : memref<2x128xi32, #tpu.memory_space<vmem>>, vector<1x16xi32>,
    %get3A_148 = vector.shape_cast %get3A_147 : vector<1x16xi32> to vector<16xi32>
    %mul3A_149 = arith.constant 8192 : i32
    %mul3A_150 = vector.broadcast %mul3A_149 : i32 to vector<16xi32>
    %mul3A_151 = arith.muli %get3A_148, %mul3A_150 : vector<16xi32>
    %get3A_152 = arith.constant 0 : i32
    %get3A_153 = arith.index_cast %get3A_152 : i32 to index
    %get3A_154 = arith.constant 96 : index
    %get3A_155 = tpu.vector_load %arg7[%get3A_153, %get3A_154] {strides = array<i32>} : memref<2x128xi32, #tpu.memory_space<vmem>>, vector<1x16xi32>,
    %get3A_156 = vector.shape_cast %get3A_155 : vector<1x16xi32> to vector<16xi32>
    %add3A_157 = arith.addi %mul3A_151, %get3A_156 : vector<16xi32>
    %swap3A_158 = arith.constant 0 : i32
    %swap3A_159 = arith.index_cast %swap3A_158 : i32 to index
    %swap3A_160 = arith.constant 96 : index
    %swap3A_161 = tpu.vector_load %arg9[%swap3A_159, %swap3A_160] {strides = array<i32>} : memref<2x128xi32, #tpu.memory_space<vmem>>, vector<1x16xi32>,
    %swap3A_162 = vector.shape_cast %swap3A_161 : vector<1x16xi32> to vector<16xi32>
    %swap3A_163 = vector.shape_cast %add3A_157 : vector<16xi32> to vector<1x16xi32>
    tpu.vector_store %arg9[%swap3A_159, %swap3A_160], %swap3A_163 {strides = array<i32>} : memref<2x128xi32, #tpu.memory_space<vmem>>, vector<1x16xi32>,
    %get3A_164 = arith.constant 0 : i32
    %get3A_165 = arith.index_cast %get3A_164 : i32 to index
    %get3A_166 = arith.constant 112 : index
    %get3A_167 = tpu.vector_load %arg8[%get3A_165, %get3A_166] {strides = array<i32>} : memref<2x128xi32, #tpu.memory_space<vmem>>, vector<1x16xi32>,
    %get3A_168 = vector.shape_cast %get3A_167 : vector<1x16xi32> to vector<16xi32>
    %mul3A_169 = arith.constant 8192 : i32
    %mul3A_170 = vector.broadcast %mul3A_169 : i32 to vector<16xi32>
    %mul3A_171 = arith.muli %get3A_168, %mul3A_170 : vector<16xi32>
    %get3A_172 = arith.constant 0 : i32
    %get3A_173 = arith.index_cast %get3A_172 : i32 to index
    %get3A_174 = arith.constant 112 : index
    %get3A_175 = tpu.vector_load %arg7[%get3A_173, %get3A_174] {strides = array<i32>} : memref<2x128xi32, #tpu.memory_space<vmem>>, vector<1x16xi32>,
    %get3A_176 = vector.shape_cast %get3A_175 : vector<1x16xi32> to vector<16xi32>
    %add3A_177 = arith.addi %mul3A_171, %get3A_176 : vector<16xi32>
    %swap3A_178 = arith.constant 0 : i32
    %swap3A_179 = arith.index_cast %swap3A_178 : i32 to index
    %swap3A_180 = arith.constant 112 : index
    %swap3A_181 = tpu.vector_load %arg9[%swap3A_179, %swap3A_180] {strides = array<i32>} : memref<2x128xi32, #tpu.memory_space<vmem>>, vector<1x16xi32>,
    %swap3A_182 = vector.shape_cast %swap3A_181 : vector<1x16xi32> to vector<16xi32>
    %swap3A_183 = vector.shape_cast %add3A_177 : vector<16xi32> to vector<1x16xi32>
    tpu.vector_store %arg9[%swap3A_179, %swap3A_180], %swap3A_183 {strides = array<i32>} : memref<2x128xi32, #tpu.memory_space<vmem>>, vector<1x16xi32>,
    %get3A_184 = arith.constant 1 : i32
    %get3A_185 = arith.index_cast %get3A_184 : i32 to index
    %get3A_186 = arith.constant 0 : index
    %get3A_187 = tpu.vector_load %arg8[%get3A_185, %get3A_186] {strides = array<i32>} : memref<2x128xi32, #tpu.memory_space<vmem>>, vector<1x16xi32>,
    %get3A_188 = vector.shape_cast %get3A_187 : vector<1x16xi32> to vector<16xi32>
    %mul3A_189 = arith.constant 8192 : i32
    %mul3A_190 = vector.broadcast %mul3A_189 : i32 to vector<16xi32>
    %mul3A_191 = arith.muli %get3A_188, %mul3A_190 : vector<16xi32>
    %get3A_192 = arith.constant 1 : i32
    %get3A_193 = arith.index_cast %get3A_192 : i32 to index
    %get3A_194 = arith.constant 0 : index
    %get3A_195 = tpu.vector_load %arg7[%get3A_193, %get3A_194] {strides = array<i32>} : memref<2x128xi32, #tpu.memory_space<vmem>>, vector<1x16xi32>,
    %get3A_196 = vector.shape_cast %get3A_195 : vector<1x16xi32> to vector<16xi32>
    %add3A_197 = arith.addi %mul3A_191, %get3A_196 : vector<16xi32>
    %swap3A_198 = arith.constant 1 : i32
    %swap3A_199 = arith.index_cast %swap3A_198 : i32 to index
    %swap3A_200 = arith.constant 0 : index
    %swap3A_201 = tpu.vector_load %arg9[%swap3A_199, %swap3A_200] {strides = array<i32>} : memref<2x128xi32, #tpu.memory_space<vmem>>, vector<1x16xi32>,
    %swap3A_202 = vector.shape_cast %swap3A_201 : vector<1x16xi32> to vector<16xi32>
    %swap3A_203 = vector.shape_cast %add3A_197 : vector<16xi32> to vector<1x16xi32>
    tpu.vector_store %arg9[%swap3A_199, %swap3A_200], %swap3A_203 {strides = array<i32>} : memref<2x128xi32, #tpu.memory_space<vmem>>, vector<1x16xi32>,
    %get3A_204 = arith.constant 1 : i32
    %get3A_205 = arith.index_cast %get3A_204 : i32 to index
    %get3A_206 = arith.constant 16 : index
    %get3A_207 = tpu.vector_load %arg8[%get3A_205, %get3A_206] {strides = array<i32>} : memref<2x128xi32, #tpu.memory_space<vmem>>, vector<1x16xi32>,
    %get3A_208 = vector.shape_cast %get3A_207 : vector<1x16xi32> to vector<16xi32>
    %mul3A_209 = arith.constant 8192 : i32
    %mul3A_210 = vector.broadcast %mul3A_209 : i32 to vector<16xi32>
    %mul3A_211 = arith.muli %get3A_208, %mul3A_210 : vector<16xi32>
    %get3A_212 = arith.constant 1 : i32
    %get3A_213 = arith.index_cast %get3A_212 : i32 to index
    %get3A_214 = arith.constant 16 : index
    %get3A_215 = tpu.vector_load %arg7[%get3A_213, %get3A_214] {strides = array<i32>} : memref<2x128xi32, #tpu.memory_space<vmem>>, vector<1x16xi32>,
    %get3A_216 = vector.shape_cast %get3A_215 : vector<1x16xi32> to vector<16xi32>
    %add3A_217 = arith.addi %mul3A_211, %get3A_216 : vector<16xi32>
    %swap3A_218 = arith.constant 1 : i32
    %swap3A_219 = arith.index_cast %swap3A_218 : i32 to index
    %swap3A_220 = arith.constant 16 : index
    %swap3A_221 = tpu.vector_load %arg9[%swap3A_219, %swap3A_220] {strides = array<i32>} : memref<2x128xi32, #tpu.memory_space<vmem>>, vector<1x16xi32>,
    %swap3A_222 = vector.shape_cast %swap3A_221 : vector<1x16xi32> to vector<16xi32>
    %swap3A_223 = vector.shape_cast %add3A_217 : vector<16xi32> to vector<1x16xi32>
    tpu.vector_store %arg9[%swap3A_219, %swap3A_220], %swap3A_223 {strides = array<i32>} : memref<2x128xi32, #tpu.memory_space<vmem>>, vector<1x16xi32>,
    %get3A_224 = arith.constant 1 : i32
    %get3A_225 = arith.index_cast %get3A_224 : i32 to index
    %get3A_226 = arith.constant 32 : index
    %get3A_227 = tpu.vector_load %arg8[%get3A_225, %get3A_226] {strides = array<i32>} : memref<2x128xi32, #tpu.memory_space<vmem>>, vector<1x16xi32>,
    %get3A_228 = vector.shape_cast %get3A_227 : vector<1x16xi32> to vector<16xi32>
    %mul3A_229 = arith.constant 8192 : i32
    %mul3A_230 = vector.broadcast %mul3A_229 : i32 to vector<16xi32>
    %mul3A_231 = arith.muli %get3A_228, %mul3A_230 : vector<16xi32>
    %get3A_232 = arith.constant 1 : i32
    %get3A_233 = arith.index_cast %get3A_232 : i32 to index
    %get3A_234 = arith.constant 32 : index
    %get3A_235 = tpu.vector_load %arg7[%get3A_233, %get3A_234] {strides = array<i32>} : memref<2x128xi32, #tpu.memory_space<vmem>>, vector<1x16xi32>,
    %get3A_236 = vector.shape_cast %get3A_235 : vector<1x16xi32> to vector<16xi32>
    %add3A_237 = arith.addi %mul3A_231, %get3A_236 : vector<16xi32>
    %swap3A_238 = arith.constant 1 : i32
    %swap3A_239 = arith.index_cast %swap3A_238 : i32 to index
    %swap3A_240 = arith.constant 32 : index
    %swap3A_241 = tpu.vector_load %arg9[%swap3A_239, %swap3A_240] {strides = array<i32>} : memref<2x128xi32, #tpu.memory_space<vmem>>, vector<1x16xi32>,
    %swap3A_242 = vector.shape_cast %swap3A_241 : vector<1x16xi32> to vector<16xi32>
    %swap3A_243 = vector.shape_cast %add3A_237 : vector<16xi32> to vector<1x16xi32>
    tpu.vector_store %arg9[%swap3A_239, %swap3A_240], %swap3A_243 {strides = array<i32>} : memref<2x128xi32, #tpu.memory_space<vmem>>, vector<1x16xi32>,
    %get3A_244 = arith.constant 1 : i32
    %get3A_245 = arith.index_cast %get3A_244 : i32 to index
    %get3A_246 = arith.constant 48 : index
    %get3A_247 = tpu.vector_load %arg8[%get3A_245, %get3A_246] {strides = array<i32>} : memref<2x128xi32, #tpu.memory_space<vmem>>, vector<1x16xi32>,
    %get3A_248 = vector.shape_cast %get3A_247 : vector<1x16xi32> to vector<16xi32>
    %mul3A_249 = arith.constant 8192 : i32
    %mul3A_250 = vector.broadcast %mul3A_249 : i32 to vector<16xi32>
    %mul3A_251 = arith.muli %get3A_248, %mul3A_250 : vector<16xi32>
    %get3A_252 = arith.constant 1 : i32
    %get3A_253 = arith.index_cast %get3A_252 : i32 to index
    %get3A_254 = arith.constant 48 : index
    %get3A_255 = tpu.vector_load %arg7[%get3A_253, %get3A_254] {strides = array<i32>} : memref<2x128xi32, #tpu.memory_space<vmem>>, vector<1x16xi32>,
    %get3A_256 = vector.shape_cast %get3A_255 : vector<1x16xi32> to vector<16xi32>
    %add3A_257 = arith.addi %mul3A_251, %get3A_256 : vector<16xi32>
    %swap3A_258 = arith.constant 1 : i32
    %swap3A_259 = arith.index_cast %swap3A_258 : i32 to index
    %swap3A_260 = arith.constant 48 : index
    %swap3A_261 = tpu.vector_load %arg9[%swap3A_259, %swap3A_260] {strides = array<i32>} : memref<2x128xi32, #tpu.memory_space<vmem>>, vector<1x16xi32>,
    %swap3A_262 = vector.shape_cast %swap3A_261 : vector<1x16xi32> to vector<16xi32>
    %swap3A_263 = vector.shape_cast %add3A_257 : vector<16xi32> to vector<1x16xi32>
    tpu.vector_store %arg9[%swap3A_259, %swap3A_260], %swap3A_263 {strides = array<i32>} : memref<2x128xi32, #tpu.memory_space<vmem>>, vector<1x16xi32>,
    %get3A_264 = arith.constant 1 : i32
    %get3A_265 = arith.index_cast %get3A_264 : i32 to index
    %get3A_266 = arith.constant 64 : index
    %get3A_267 = tpu.vector_load %arg8[%get3A_265, %get3A_266] {strides = array<i32>} : memref<2x128xi32, #tpu.memory_space<vmem>>, vector<1x16xi32>,
    %get3A_268 = vector.shape_cast %get3A_267 : vector<1x16xi32> to vector<16xi32>
    %mul3A_269 = arith.constant 8192 : i32
    %mul3A_270 = vector.broadcast %mul3A_269 : i32 to vector<16xi32>
    %mul3A_271 = arith.muli %get3A_268, %mul3A_270 : vector<16xi32>
    %get3A_272 = arith.constant 1 : i32
    %get3A_273 = arith.index_cast %get3A_272 : i32 to index
    %get3A_274 = arith.constant 64 : index
    %get3A_275 = tpu.vector_load %arg7[%get3A_273, %get3A_274] {strides = array<i32>} : memref<2x128xi32, #tpu.memory_space<vmem>>, vector<1x16xi32>,
    %get3A_276 = vector.shape_cast %get3A_275 : vector<1x16xi32> to vector<16xi32>
    %add3A_277 = arith.addi %mul3A_271, %get3A_276 : vector<16xi32>
    %swap3A_278 = arith.constant 1 : i32
    %swap3A_279 = arith.index_cast %swap3A_278 : i32 to index
    %swap3A_280 = arith.constant 64 : index
    %swap3A_281 = tpu.vector_load %arg9[%swap3A_279, %swap3A_280] {strides = array<i32>} : memref<2x128xi32, #tpu.memory_space<vmem>>, vector<1x16xi32>,
    %swap3A_282 = vector.shape_cast %swap3A_281 : vector<1x16xi32> to vector<16xi32>
    %swap3A_283 = vector.shape_cast %add3A_277 : vector<16xi32> to vector<1x16xi32>
    tpu.vector_store %arg9[%swap3A_279, %swap3A_280], %swap3A_283 {strides = array<i32>} : memref<2x128xi32, #tpu.memory_space<vmem>>, vector<1x16xi32>,
    %get3A_284 = arith.constant 1 : i32
    %get3A_285 = arith.index_cast %get3A_284 : i32 to index
    %get3A_286 = arith.constant 80 : index
    %get3A_287 = tpu.vector_load %arg8[%get3A_285, %get3A_286] {strides = array<i32>} : memref<2x128xi32, #tpu.memory_space<vmem>>, vector<1x16xi32>,
    %get3A_288 = vector.shape_cast %get3A_287 : vector<1x16xi32> to vector<16xi32>
    %mul3A_289 = arith.constant 8192 : i32
    %mul3A_290 = vector.broadcast %mul3A_289 : i32 to vector<16xi32>
    %mul3A_291 = arith.muli %get3A_288, %mul3A_290 : vector<16xi32>
    %get3A_292 = arith.constant 1 : i32
    %get3A_293 = arith.index_cast %get3A_292 : i32 to index
    %get3A_294 = arith.constant 80 : index
    %get3A_295 = tpu.vector_load %arg7[%get3A_293, %get3A_294] {strides = array<i32>} : memref<2x128xi32, #tpu.memory_space<vmem>>, vector<1x16xi32>,
    %get3A_296 = vector.shape_cast %get3A_295 : vector<1x16xi32> to vector<16xi32>
    %add3A_297 = arith.addi %mul3A_291, %get3A_296 : vector<16xi32>
    %swap3A_298 = arith.constant 1 : i32
    %swap3A_299 = arith.index_cast %swap3A_298 : i32 to index
    %swap3A_300 = arith.constant 80 : index
    %swap3A_301 = tpu.vector_load %arg9[%swap3A_299, %swap3A_300] {strides = array<i32>} : memref<2x128xi32, #tpu.memory_space<vmem>>, vector<1x16xi32>,
    %swap3A_302 = vector.shape_cast %swap3A_301 : vector<1x16xi32> to vector<16xi32>
    %swap3A_303 = vector.shape_cast %add3A_297 : vector<16xi32> to vector<1x16xi32>
    tpu.vector_store %arg9[%swap3A_299, %swap3A_300], %swap3A_303 {strides = array<i32>} : memref<2x128xi32, #tpu.memory_space<vmem>>, vector<1x16xi32>,
    %get3A_304 = arith.constant 1 : i32
    %get3A_305 = arith.index_cast %get3A_304 : i32 to index
    %get3A_306 = arith.constant 96 : index
    %get3A_307 = tpu.vector_load %arg8[%get3A_305, %get3A_306] {strides = array<i32>} : memref<2x128xi32, #tpu.memory_space<vmem>>, vector<1x16xi32>,
    %get3A_308 = vector.shape_cast %get3A_307 : vector<1x16xi32> to vector<16xi32>
    %mul3A_309 = arith.constant 8192 : i32
    %mul3A_310 = vector.broadcast %mul3A_309 : i32 to vector<16xi32>
    %mul3A_311 = arith.muli %get3A_308, %mul3A_310 : vector<16xi32>
    %get3A_312 = arith.constant 1 : i32
    %get3A_313 = arith.index_cast %get3A_312 : i32 to index
    %get3A_314 = arith.constant 96 : index
    %get3A_315 = tpu.vector_load %arg7[%get3A_313, %get3A_314] {strides = array<i32>} : memref<2x128xi32, #tpu.memory_space<vmem>>, vector<1x16xi32>,
    %get3A_316 = vector.shape_cast %get3A_315 : vector<1x16xi32> to vector<16xi32>
    %add3A_317 = arith.addi %mul3A_311, %get3A_316 : vector<16xi32>
    %swap3A_318 = arith.constant 1 : i32
    %swap3A_319 = arith.index_cast %swap3A_318 : i32 to index
    %swap3A_320 = arith.constant 96 : index
    %swap3A_321 = tpu.vector_load %arg9[%swap3A_319, %swap3A_320] {strides = array<i32>} : memref<2x128xi32, #tpu.memory_space<vmem>>, vector<1x16xi32>,
    %swap3A_322 = vector.shape_cast %swap3A_321 : vector<1x16xi32> to vector<16xi32>
    %swap3A_323 = vector.shape_cast %add3A_317 : vector<16xi32> to vector<1x16xi32>
    tpu.vector_store %arg9[%swap3A_319, %swap3A_320], %swap3A_323 {strides = array<i32>} : memref<2x128xi32, #tpu.memory_space<vmem>>, vector<1x16xi32>,
    %get3A_324 = arith.constant 1 : i32
    %get3A_325 = arith.index_cast %get3A_324 : i32 to index
    %get3A_326 = arith.constant 112 : index
    %get3A_327 = tpu.vector_load %arg8[%get3A_325, %get3A_326] {strides = array<i32>} : memref<2x128xi32, #tpu.memory_space<vmem>>, vector<1x16xi32>,
    %get3A_328 = vector.shape_cast %get3A_327 : vector<1x16xi32> to vector<16xi32>
    %mul3A_329 = arith.constant 8192 : i32
    %mul3A_330 = vector.broadcast %mul3A_329 : i32 to vector<16xi32>
    %mul3A_331 = arith.muli %get3A_328, %mul3A_330 : vector<16xi32>
    %get3A_332 = arith.constant 1 : i32
    %get3A_333 = arith.index_cast %get3A_332 : i32 to index
    %get3A_334 = arith.constant 112 : index
    %get3A_335 = tpu.vector_load %arg7[%get3A_333, %get3A_334] {strides = array<i32>} : memref<2x128xi32, #tpu.memory_space<vmem>>, vector<1x16xi32>,
    %get3A_336 = vector.shape_cast %get3A_335 : vector<1x16xi32> to vector<16xi32>
    %add3A_337 = arith.addi %mul3A_331, %get3A_336 : vector<16xi32>
    %swap3A_338 = arith.constant 1 : i32
    %swap3A_339 = arith.index_cast %swap3A_338 : i32 to index
    %swap3A_340 = arith.constant 112 : index
    %swap3A_341 = tpu.vector_load %arg9[%swap3A_339, %swap3A_340] {strides = array<i32>} : memref<2x128xi32, #tpu.memory_space<vmem>>, vector<1x16xi32>,
    %swap3A_342 = vector.shape_cast %swap3A_341 : vector<1x16xi32> to vector<16xi32>
    %swap3A_343 = vector.shape_cast %add3A_337 : vector<16xi32> to vector<1x16xi32>
    tpu.vector_store %arg9[%swap3A_339, %swap3A_340], %swap3A_343 {strides = array<i32>} : memref<2x128xi32, #tpu.memory_space<vmem>>, vector<1x16xi32>,
    %broadcast_in_dim3A = arith.constant 1.000000e+00 : f32
    %broadcast_in_dim3A_344 = vector.broadcast %broadcast_in_dim3A : f32 to vector<16xf32>
    %swap3A_345 = arith.constant 0 : index
    %swap3A_346 = tpu.vector_load %arg10[%swap3A_345] {strides = array<i32>} : memref<128xf32, #tpu.memory_space<vmem>>, vector<16xf32>,
    %swap3A_347 = vector.shape_cast %swap3A_346 : vector<16xf32> to vector<16xf32>
    %swap3A_348 = vector.shape_cast %broadcast_in_dim3A_344 : vector<16xf32> to vector<16xf32>
    tpu.vector_store %arg10[%swap3A_345], %swap3A_348 {strides = array<i32>} : memref<128xf32, #tpu.memory_space<vmem>>, vector<16xf32>,
    %broadcast_in_dim3A_349 = arith.constant 1.000000e+00 : f32
    %broadcast_in_dim3A_350 = vector.broadcast %broadcast_in_dim3A_349 : f32 to vector<16xf32>
    %swap3A_351 = arith.constant 16 : index
    %swap3A_352 = tpu.vector_load %arg10[%swap3A_351] {strides = array<i32>} : memref<128xf32, #tpu.memory_space<vmem>>, vector<16xf32>,
    %swap3A_353 = vector.shape_cast %swap3A_352 : vector<16xf32> to vector<16xf32>
    %swap3A_354 = vector.shape_cast %broadcast_in_dim3A_350 : vector<16xf32> to vector<16xf32>
    tpu.vector_store %arg10[%swap3A_351], %swap3A_354 {strides = array<i32>} : memref<128xf32, #tpu.memory_space<vmem>>, vector<16xf32>,
    %broadcast_in_dim3A_355 = arith.constant 1.000000e+00 : f32
    %broadcast_in_dim3A_356 = vector.broadcast %broadcast_in_dim3A_355 : f32 to vector<16xf32>
    %swap3A_357 = arith.constant 32 : index
    %swap3A_358 = tpu.vector_load %arg10[%swap3A_357] {strides = array<i32>} : memref<128xf32, #tpu.memory_space<vmem>>, vector<16xf32>,
    %swap3A_359 = vector.shape_cast %swap3A_358 : vector<16xf32> to vector<16xf32>
    %swap3A_360 = vector.shape_cast %broadcast_in_dim3A_356 : vector<16xf32> to vector<16xf32>
    tpu.vector_store %arg10[%swap3A_357], %swap3A_360 {strides = array<i32>} : memref<128xf32, #tpu.memory_space<vmem>>, vector<16xf32>,
    %broadcast_in_dim3A_361 = arith.constant 1.000000e+00 : f32
    %broadcast_in_dim3A_362 = vector.broadcast %broadcast_in_dim3A_361 : f32 to vector<16xf32>
    %swap3A_363 = arith.constant 48 : index
    %swap3A_364 = tpu.vector_load %arg10[%swap3A_363] {strides = array<i32>} : memref<128xf32, #tpu.memory_space<vmem>>, vector<16xf32>,
    %swap3A_365 = vector.shape_cast %swap3A_364 : vector<16xf32> to vector<16xf32>
    %swap3A_366 = vector.shape_cast %broadcast_in_dim3A_362 : vector<16xf32> to vector<16xf32>
    tpu.vector_store %arg10[%swap3A_363], %swap3A_366 {strides = array<i32>} : memref<128xf32, #tpu.memory_space<vmem>>, vector<16xf32>,
    %broadcast_in_dim3A_367 = arith.constant 1.000000e+00 : f32
    %broadcast_in_dim3A_368 = vector.broadcast %broadcast_in_dim3A_367 : f32 to vector<16xf32>
    %swap3A_369 = arith.constant 64 : index
    %swap3A_370 = tpu.vector_load %arg10[%swap3A_369] {strides = array<i32>} : memref<128xf32, #tpu.memory_space<vmem>>, vector<16xf32>,
    %swap3A_371 = vector.shape_cast %swap3A_370 : vector<16xf32> to vector<16xf32>
    %swap3A_372 = vector.shape_cast %broadcast_in_dim3A_368 : vector<16xf32> to vector<16xf32>
    tpu.vector_store %arg10[%swap3A_369], %swap3A_372 {strides = array<i32>} : memref<128xf32, #tpu.memory_space<vmem>>, vector<16xf32>,
    %broadcast_in_dim3A_373 = arith.constant 1.000000e+00 : f32
    %broadcast_in_dim3A_374 = vector.broadcast %broadcast_in_dim3A_373 : f32 to vector<16xf32>
    %swap3A_375 = arith.constant 80 : index
    %swap3A_376 = tpu.vector_load %arg10[%swap3A_375] {strides = array<i32>} : memref<128xf32, #tpu.memory_space<vmem>>, vector<16xf32>,
    %swap3A_377 = vector.shape_cast %swap3A_376 : vector<16xf32> to vector<16xf32>
    %swap3A_378 = vector.shape_cast %broadcast_in_dim3A_374 : vector<16xf32> to vector<16xf32>
    tpu.vector_store %arg10[%swap3A_375], %swap3A_378 {strides = array<i32>} : memref<128xf32, #tpu.memory_space<vmem>>, vector<16xf32>,
    %broadcast_in_dim3A_379 = arith.constant 1.000000e+00 : f32
    %broadcast_in_dim3A_380 = vector.broadcast %broadcast_in_dim3A_379 : f32 to vector<16xf32>
    %swap3A_381 = arith.constant 96 : index
    %swap3A_382 = tpu.vector_load %arg10[%swap3A_381] {strides = array<i32>} : memref<128xf32, #tpu.memory_space<vmem>>, vector<16xf32>,
    %swap3A_383 = vector.shape_cast %swap3A_382 : vector<16xf32> to vector<16xf32>
    %swap3A_384 = vector.shape_cast %broadcast_in_dim3A_380 : vector<16xf32> to vector<16xf32>
    tpu.vector_store %arg10[%swap3A_381], %swap3A_384 {strides = array<i32>} : memref<128xf32, #tpu.memory_space<vmem>>, vector<16xf32>,
    %broadcast_in_dim3A_385 = arith.constant 1.000000e+00 : f32
    %broadcast_in_dim3A_386 = vector.broadcast %broadcast_in_dim3A_385 : f32 to vector<16xf32>
    %swap3A_387 = arith.constant 112 : index
    %swap3A_388 = tpu.vector_load %arg10[%swap3A_387] {strides = array<i32>} : memref<128xf32, #tpu.memory_space<vmem>>, vector<16xf32>,
    %swap3A_389 = vector.shape_cast %swap3A_388 : vector<16xf32> to vector<16xf32>
    %swap3A_390 = vector.shape_cast %broadcast_in_dim3A_386 : vector<16xf32> to vector<16xf32>
    tpu.vector_store %arg10[%swap3A_387], %swap3A_390 {strides = array<i32>} : memref<128xf32, #tpu.memory_space<vmem>>, vector<16xf32>,
    %broadcast_in_dim3A_391 = arith.constant 0.000000e+00 : f32
    %broadcast_in_dim3A_392 = vector.broadcast %broadcast_in_dim3A_391 : f32 to vector<16xf32>
    %swap3A_393 = arith.constant 0 : index
    %swap3A_394 = tpu.vector_load %arg12[%swap3A_393] {strides = array<i32>} : memref<4096xf32, #tpu.memory_space<vmem>>, vector<16xf32>,
    %swap3A_395 = vector.shape_cast %swap3A_394 : vector<16xf32> to vector<16xf32>
    %swap3A_396 = vector.shape_cast %broadcast_in_dim3A_392 : vector<16xf32> to vector<16xf32>
    tpu.vector_store %arg12[%swap3A_393], %swap3A_396 {strides = array<i32>} : memref<4096xf32, #tpu.memory_space<vmem>>, vector<16xf32>,
    %broadcast_in_dim3A_397 = arith.constant 0.000000e+00 : f32
    %broadcast_in_dim3A_398 = vector.broadcast %broadcast_in_dim3A_397 : f32 to vector<16xf32>
    %swap3A_399 = arith.constant 16 : index
    %swap3A_400 = tpu.vector_load %arg12[%swap3A_399] {strides = array<i32>} : memref<4096xf32, #tpu.memory_space<vmem>>, vector<16xf32>,
    %swap3A_401 = vector.shape_cast %swap3A_400 : vector<16xf32> to vector<16xf32>
    %swap3A_402 = vector.shape_cast %broadcast_in_dim3A_398 : vector<16xf32> to vector<16xf32>
    tpu.vector_store %arg12[%swap3A_399], %swap3A_402 {strides = array<i32>} : memref<4096xf32, #tpu.memory_space<vmem>>, vector<16xf32>,
    %broadcast_in_dim3A_403 = arith.constant 0.000000e+00 : f32
    %broadcast_in_dim3A_404 = vector.broadcast %broadcast_in_dim3A_403 : f32 to vector<16xf32>
    %swap3A_405 = arith.constant 32 : index
    %swap3A_406 = tpu.vector_load %arg12[%swap3A_405] {strides = array<i32>} : memref<4096xf32, #tpu.memory_space<vmem>>, vector<16xf32>,
    %swap3A_407 = vector.shape_cast %swap3A_406 : vector<16xf32> to vector<16xf32>
    %swap3A_408 = vector.shape_cast %broadcast_in_dim3A_404 : vector<16xf32> to vector<16xf32>
    tpu.vector_store %arg12[%swap3A_405], %swap3A_408 {strides = array<i32>} : memref<4096xf32, #tpu.memory_space<vmem>>, vector<16xf32>,
    %broadcast_in_dim3A_409 = arith.constant 0.000000e+00 : f32
    %broadcast_in_dim3A_410 = vector.broadcast %broadcast_in_dim3A_409 : f32 to vector<16xf32>
    %swap3A_411 = arith.constant 48 : index
    %swap3A_412 = tpu.vector_load %arg12[%swap3A_411] {strides = array<i32>} : memref<4096xf32, #tpu.memory_space<vmem>>, vector<16xf32>,
    %swap3A_413 = vector.shape_cast %swap3A_412 : vector<16xf32> to vector<16xf32>
    %swap3A_414 = vector.shape_cast %broadcast_in_dim3A_410 : vector<16xf32> to vector<16xf32>
    tpu.vector_store %arg12[%swap3A_411], %swap3A_414 {strides = array<i32>} : memref<4096xf32, #tpu.memory_space<vmem>>, vector<16xf32>,
    %broadcast_in_dim3A_415 = arith.constant 0.000000e+00 : f32
    %broadcast_in_dim3A_416 = vector.broadcast %broadcast_in_dim3A_415 : f32 to vector<16xf32>
    %swap3A_417 = arith.constant 64 : index
    %swap3A_418 = tpu.vector_load %arg12[%swap3A_417] {strides = array<i32>} : memref<4096xf32, #tpu.memory_space<vmem>>, vector<16xf32>,
    %swap3A_419 = vector.shape_cast %swap3A_418 : vector<16xf32> to vector<16xf32>
    %swap3A_420 = vector.shape_cast %broadcast_in_dim3A_416 : vector<16xf32> to vector<16xf32>
    tpu.vector_store %arg12[%swap3A_417], %swap3A_420 {strides = array<i32>} : memref<4096xf32, #tpu.memory_space<vmem>>, vector<16xf32>,
    %broadcast_in_dim3A_421 = arith.constant 0.000000e+00 : f32
    %broadcast_in_dim3A_422 = vector.broadcast %broadcast_in_dim3A_421 : f32 to vector<16xf32>
    %swap3A_423 = arith.constant 80 : index
    %swap3A_424 = tpu.vector_load %arg12[%swap3A_423] {strides = array<i32>} : memref<4096xf32, #tpu.memory_space<vmem>>, vector<16xf32>,
    %swap3A_425 = vector.shape_cast %swap3A_424 : vector<16xf32> to vector<16xf32>
    %swap3A_426 = vector.shape_cast %broadcast_in_dim3A_422 : vector<16xf32> to vector<16xf32>
    tpu.vector_store %arg12[%swap3A_423], %swap3A_426 {strides = array<i32>} : memref<4096xf32, #tpu.memory_space<vmem>>, vector<16xf32>,
    %broadcast_in_dim3A_427 = arith.constant 0.000000e+00 : f32
    %broadcast_in_dim3A_428 = vector.broadcast %broadcast_in_dim3A_427 : f32 to vector<16xf32>
    %swap3A_429 = arith.constant 96 : index
    %swap3A_430 = tpu.vector_load %arg12[%swap3A_429] {strides = array<i32>} : memref<4096xf32, #tpu.memory_space<vmem>>, vector<16xf32>,
    %swap3A_431 = vector.shape_cast %swap3A_430 : vector<16xf32> to vector<16xf32>
    %swap3A_432 = vector.shape_cast %broadcast_in_dim3A_428 : vector<16xf32> to vector<16xf32>
    tpu.vector_store %arg12[%swap3A_429], %swap3A_432 {strides = array<i32>} : memref<4096xf32, #tpu.memory_space<vmem>>, vector<16xf32>,
    %broadcast_in_dim3A_433 = arith.constant 0.000000e+00 : f32
    %broadcast_in_dim3A_434 = vector.broadcast %broadcast_in_dim3A_433 : f32 to vector<16xf32>
    %swap3A_435 = arith.constant 112 : index
    %swap3A_436 = tpu.vector_load %arg12[%swap3A_435] {strides = array<i32>} : memref<4096xf32, #tpu.memory_space<vmem>>, vector<16xf32>,
    %swap3A_437 = vector.shape_cast %swap3A_436 : vector<16xf32> to vector<16xf32>
    %swap3A_438 = vector.shape_cast %broadcast_in_dim3A_434 : vector<16xf32> to vector<16xf32>
    tpu.vector_store %arg12[%swap3A_435], %swap3A_438 {strides = array<i32>} : memref<4096xf32, #tpu.memory_space<vmem>>, vector<16xf32>,
    %broadcast_in_dim3A_439 = arith.constant 0.000000e+00 : f32
    %broadcast_in_dim3A_440 = vector.broadcast %broadcast_in_dim3A_439 : f32 to vector<16xf32>
    %swap3A_441 = arith.constant 128 : index
    %swap3A_442 = tpu.vector_load %arg12[%swap3A_441] {strides = array<i32>} : memref<4096xf32, #tpu.memory_space<vmem>>, vector<16xf32>,
    %swap3A_443 = vector.shape_cast %swap3A_442 : vector<16xf32> to vector<16xf32>
    %swap3A_444 = vector.shape_cast %broadcast_in_dim3A_440 : vector<16xf32> to vector<16xf32>
    tpu.vector_store %arg12[%swap3A_441], %swap3A_444 {strides = array<i32>} : memref<4096xf32, #tpu.memory_space<vmem>>, vector<16xf32>,
    %broadcast_in_dim3A_445 = arith.constant 0.000000e+00 : f32
    %broadcast_in_dim3A_446 = vector.broadcast %broadcast_in_dim3A_445 : f32 to vector<16xf32>
    %swap3A_447 = arith.constant 144 : index
    %swap3A_448 = tpu.vector_load %arg12[%swap3A_447] {strides = array<i32>} : memref<4096xf32, #tpu.memory_space<vmem>>, vector<16xf32>,
    %swap3A_449 = vector.shape_cast %swap3A_448 : vector<16xf32> to vector<16xf32>
    %swap3A_450 = vector.shape_cast %broadcast_in_dim3A_446 : vector<16xf32> to vector<16xf32>
    tpu.vector_store %arg12[%swap3A_447], %swap3A_450 {strides = array<i32>} : memref<4096xf32, #tpu.memory_space<vmem>>, vector<16xf32>,
    %broadcast_in_dim3A_451 = arith.constant 0.000000e+00 : f32
    %broadcast_in_dim3A_452 = vector.broadcast %broadcast_in_dim3A_451 : f32 to vector<16xf32>
    %swap3A_453 = arith.constant 160 : index
    %swap3A_454 = tpu.vector_load %arg12[%swap3A_453] {strides = array<i32>} : memref<4096xf32, #tpu.memory_space<vmem>>, vector<16xf32>,
    %swap3A_455 = vector.shape_cast %swap3A_454 : vector<16xf32> to vector<16xf32>
    %swap3A_456 = vector.shape_cast %broadcast_in_dim3A_452 : vector<16xf32> to vector<16xf32>
    tpu.vector_store %arg12[%swap3A_453], %swap3A_456 {strides = array<i32>} : memref<4096xf32, #tpu.memory_space<vmem>>, vector<16xf32>,
    %broadcast_in_dim3A_457 = arith.constant 0.000000e+00 : f32
    %broadcast_in_dim3A_458 = vector.broadcast %broadcast_in_dim3A_457 : f32 to vector<16xf32>
    %swap3A_459 = arith.constant 176 : index
    %swap3A_460 = tpu.vector_load %arg12[%swap3A_459] {strides = array<i32>} : memref<4096xf32, #tpu.memory_space<vmem>>, vector<16xf32>,
    %swap3A_461 = vector.shape_cast %swap3A_460 : vector<16xf32> to vector<16xf32>
    %swap3A_462 = vector.shape_cast %broadcast_in_dim3A_458 : vector<16xf32> to vector<16xf32>
    tpu.vector_store %arg12[%swap3A_459], %swap3A_462 {strides = array<i32>} : memref<4096xf32, #tpu.memory_space<vmem>>, vector<16xf32>,
    %broadcast_in_dim3A_463 = arith.constant 0.000000e+00 : f32
    %broadcast_in_dim3A_464 = vector.broadcast %broadcast_in_dim3A_463 : f32 to vector<16xf32>
    %swap3A_465 = arith.constant 192 : index
    %swap3A_466 = tpu.vector_load %arg12[%swap3A_465] {strides = array<i32>} : memref<4096xf32, #tpu.memory_space<vmem>>, vector<16xf32>,
    %swap3A_467 = vector.shape_cast %swap3A_466 : vector<16xf32> to vector<16xf32>
    %swap3A_468 = vector.shape_cast %broadcast_in_dim3A_464 : vector<16xf32> to vector<16xf32>
    tpu.vector_store %arg12[%swap3A_465], %swap3A_468 {strides = array<i32>} : memref<4096xf32, #tpu.memory_space<vmem>>, vector<16xf32>,
    %broadcast_in_dim3A_469 = arith.constant 0.000000e+00 : f32
    %broadcast_in_dim3A_470 = vector.broadcast %broadcast_in_dim3A_469 : f32 to vector<16xf32>
    %swap3A_471 = arith.constant 208 : index
    %swap3A_472 = tpu.vector_load %arg12[%swap3A_471] {strides = array<i32>} : memref<4096xf32, #tpu.memory_space<vmem>>, vector<16xf32>,
    %swap3A_473 = vector.shape_cast %swap3A_472 : vector<16xf32> to vector<16xf32>
    %swap3A_474 = vector.shape_cast %broadcast_in_dim3A_470 : vector<16xf32> to vector<16xf32>
    tpu.vector_store %arg12[%swap3A_471], %swap3A_474 {strides = array<i32>} : memref<4096xf32, #tpu.memory_space<vmem>>, vector<16xf32>,
    %broadcast_in_dim3A_475 = arith.constant 0.000000e+00 : f32
    %broadcast_in_dim3A_476 = vector.broadcast %broadcast_in_dim3A_475 : f32 to vector<16xf32>
    %swap3A_477 = arith.constant 224 : index
    %swap3A_478 = tpu.vector_load %arg12[%swap3A_477] {strides = array<i32>} : memref<4096xf32, #tpu.memory_space<vmem>>, vector<16xf32>,
    %swap3A_479 = vector.shape_cast %swap3A_478 : vector<16xf32> to vector<16xf32>
    %swap3A_480 = vector.shape_cast %broadcast_in_dim3A_476 : vector<16xf32> to vector<16xf32>
    tpu.vector_store %arg12[%swap3A_477], %swap3A_480 {strides = array<i32>} : memref<4096xf32, #tpu.memory_space<vmem>>, vector<16xf32>,
    %broadcast_in_dim3A_481 = arith.constant 0.000000e+00 : f32
    %broadcast_in_dim3A_482 = vector.broadcast %broadcast_in_dim3A_481 : f32 to vector<16xf32>
    %swap3A_483 = arith.constant 240 : index
    %swap3A_484 = tpu.vector_load %arg12[%swap3A_483] {strides = array<i32>} : memref<4096xf32, #tpu.memory_space<vmem>>, vector<16xf32>,
    %swap3A_485 = vector.shape_cast %swap3A_484 : vector<16xf32> to vector<16xf32>
    %swap3A_486 = vector.shape_cast %broadcast_in_dim3A_482 : vector<16xf32> to vector<16xf32>
    tpu.vector_store %arg12[%swap3A_483], %swap3A_486 {strides = array<i32>} : memref<4096xf32, #tpu.memory_space<vmem>>, vector<16xf32>,
    %broadcast_in_dim3A_487 = arith.constant 0.000000e+00 : f32
    %broadcast_in_dim3A_488 = vector.broadcast %broadcast_in_dim3A_487 : f32 to vector<16xf32>
    %swap3A_489 = arith.constant 256 : index
    %swap3A_490 = tpu.vector_load %arg12[%swap3A_489] {strides = array<i32>} : memref<4096xf32, #tpu.memory_space<vmem>>, vector<16xf32>,
    %swap3A_491 = vector.shape_cast %swap3A_490 : vector<16xf32> to vector<16xf32>
    %swap3A_492 = vector.shape_cast %broadcast_in_dim3A_488 : vector<16xf32> to vector<16xf32>
    tpu.vector_store %arg12[%swap3A_489], %swap3A_492 {strides = array<i32>} : memref<4096xf32, #tpu.memory_space<vmem>>, vector<16xf32>,
    %broadcast_in_dim3A_493 = arith.constant 0.000000e+00 : f32
    %broadcast_in_dim3A_494 = vector.broadcast %broadcast_in_dim3A_493 : f32 to vector<16xf32>
    %swap3A_495 = arith.constant 272 : index
    %swap3A_496 = tpu.vector_load %arg12[%swap3A_495] {strides = array<i32>} : memref<4096xf32, #tpu.memory_space<vmem>>, vector<16xf32>,
    %swap3A_497 = vector.shape_cast %swap3A_496 : vector<16xf32> to vector<16xf32>
    %swap3A_498 = vector.shape_cast %broadcast_in_dim3A_494 : vector<16xf32> to vector<16xf32>
    tpu.vector_store %arg12[%swap3A_495], %swap3A_498 {strides = array<i32>} : memref<4096xf32, #tpu.memory_space<vmem>>, vector<16xf32>,
    %broadcast_in_dim3A_499 = arith.constant 0.000000e+00 : f32
    %broadcast_in_dim3A_500 = vector.broadcast %broadcast_in_dim3A_499 : f32 to vector<16xf32>
    %swap3A_501 = arith.constant 288 : index
    %swap3A_502 = tpu.vector_load %arg12[%swap3A_501] {strides = array<i32>} : memref<4096xf32, #tpu.memory_space<vmem>>, vector<16xf32>,
    %swap3A_503 = vector.shape_cast %swap3A_502 : vector<16xf32> to vector<16xf32>
    %swap3A_504 = vector.shape_cast %broadcast_in_dim3A_500 : vector<16xf32> to vector<16xf32>
    tpu.vector_store %arg12[%swap3A_501], %swap3A_504 {strides = array<i32>} : memref<4096xf32, #tpu.memory_space<vmem>>, vector<16xf32>,
    %broadcast_in_dim3A_505 = arith.constant 0.000000e+00 : f32
    %broadcast_in_dim3A_506 = vector.broadcast %broadcast_in_dim3A_505 : f32 to vector<16xf32>
    %swap3A_507 = arith.constant 304 : index
    %swap3A_508 = tpu.vector_load %arg12[%swap3A_507] {strides = array<i32>} : memref<4096xf32, #tpu.memory_space<vmem>>, vector<16xf32>,
    %swap3A_509 = vector.shape_cast %swap3A_508 : vector<16xf32> to vector<16xf32>
    %swap3A_510 = vector.shape_cast %broadcast_in_dim3A_506 : vector<16xf32> to vector<16xf32>
    tpu.vector_store %arg12[%swap3A_507], %swap3A_510 {strides = array<i32>} : memref<4096xf32, #tpu.memory_space<vmem>>, vector<16xf32>,
    %broadcast_in_dim3A_511 = arith.constant 0.000000e+00 : f32
    %broadcast_in_dim3A_512 = vector.broadcast %broadcast_in_dim3A_511 : f32 to vector<16xf32>
    %swap3A_513 = arith.constant 320 : index
    %swap3A_514 = tpu.vector_load %arg12[%swap3A_513] {strides = array<i32>} : memref<4096xf32, #tpu.memory_space<vmem>>, vector<16xf32>,
    %swap3A_515 = vector.shape_cast %swap3A_514 : vector<16xf32> to vector<16xf32>
    %swap3A_516 = vector.shape_cast %broadcast_in_dim3A_512 : vector<16xf32> to vector<16xf32>
    tpu.vector_store %arg12[%swap3A_513], %swap3A_516 {strides = array<i32>} : memref<4096xf32, #tpu.memory_space<vmem>>, vector<16xf32>,
    %broadcast_in_dim3A_517 = arith.constant 0.000000e+00 : f32
    %broadcast_in_dim3A_518 = vector.broadcast %broadcast_in_dim3A_517 : f32 to vector<16xf32>
    %swap3A_519 = arith.constant 336 : index
    %swap3A_520 = tpu.vector_load %arg12[%swap3A_519] {strides = array<i32>} : memref<4096xf32, #tpu.memory_space<vmem>>, vector<16xf32>,
    %swap3A_521 = vector.shape_cast %swap3A_520 : vector<16xf32> to vector<16xf32>
    %swap3A_522 = vector.shape_cast %broadcast_in_dim3A_518 : vector<16xf32> to vector<16xf32>
    tpu.vector_store %arg12[%swap3A_519], %swap3A_522 {strides = array<i32>} : memref<4096xf32, #tpu.memory_space<vmem>>, vector<16xf32>,
    %broadcast_in_dim3A_523 = arith.constant 0.000000e+00 : f32
    %broadcast_in_dim3A_524 = vector.broadcast %broadcast_in_dim3A_523 : f32 to vector<16xf32>
    %swap3A_525 = arith.constant 352 : index
    %swap3A_526 = tpu.vector_load %arg12[%swap3A_525] {strides = array<i32>} : memref<4096xf32, #tpu.memory_space<vmem>>, vector<16xf32>,
    %swap3A_527 = vector.shape_cast %swap3A_526 : vector<16xf32> to vector<16xf32>
    %swap3A_528 = vector.shape_cast %broadcast_in_dim3A_524 : vector<16xf32> to vector<16xf32>
    tpu.vector_store %arg12[%swap3A_525], %swap3A_528 {strides = array<i32>} : memref<4096xf32, #tpu.memory_space<vmem>>, vector<16xf32>,
    %broadcast_in_dim3A_529 = arith.constant 0.000000e+00 : f32
    %broadcast_in_dim3A_530 = vector.broadcast %broadcast_in_dim3A_529 : f32 to vector<16xf32>
    %swap3A_531 = arith.constant 368 : index
    %swap3A_532 = tpu.vector_load %arg12[%swap3A_531] {strides = array<i32>} : memref<4096xf32, #tpu.memory_space<vmem>>, vector<16xf32>,
    %swap3A_533 = vector.shape_cast %swap3A_532 : vector<16xf32> to vector<16xf32>
    %swap3A_534 = vector.shape_cast %broadcast_in_dim3A_530 : vector<16xf32> to vector<16xf32>
    tpu.vector_store %arg12[%swap3A_531], %swap3A_534 {strides = array<i32>} : memref<4096xf32, #tpu.memory_space<vmem>>, vector<16xf32>,
    %broadcast_in_dim3A_535 = arith.constant 0.000000e+00 : f32
    %broadcast_in_dim3A_536 = vector.broadcast %broadcast_in_dim3A_535 : f32 to vector<16xf32>
    %swap3A_537 = arith.constant 384 : index
    %swap3A_538 = tpu.vector_load %arg12[%swap3A_537] {strides = array<i32>} : memref<4096xf32, #tpu.memory_space<vmem>>, vector<16xf32>,
    %swap3A_539 = vector.shape_cast %swap3A_538 : vector<16xf32> to vector<16xf32>
    %swap3A_540 = vector.shape_cast %broadcast_in_dim3A_536 : vector<16xf32> to vector<16xf32>
    tpu.vector_store %arg12[%swap3A_537], %swap3A_540 {strides = array<i32>} : memref<4096xf32, #tpu.memory_space<vmem>>, vector<16xf32>,
    %broadcast_in_dim3A_541 = arith.constant 0.000000e+00 : f32
    %broadcast_in_dim3A_542 = vector.broadcast %broadcast_in_dim3A_541 : f32 to vector<16xf32>
    %swap3A_543 = arith.constant 400 : index
    %swap3A_544 = tpu.vector_load %arg12[%swap3A_543] {strides = array<i32>} : memref<4096xf32, #tpu.memory_space<vmem>>, vector<16xf32>,
    %swap3A_545 = vector.shape_cast %swap3A_544 : vector<16xf32> to vector<16xf32>
    %swap3A_546 = vector.shape_cast %broadcast_in_dim3A_542 : vector<16xf32> to vector<16xf32>
    tpu.vector_store %arg12[%swap3A_543], %swap3A_546 {strides = array<i32>} : memref<4096xf32, #tpu.memory_space<vmem>>, vector<16xf32>,
    %broadcast_in_dim3A_547 = arith.constant 0.000000e+00 : f32
    %broadcast_in_dim3A_548 = vector.broadcast %broadcast_in_dim3A_547 : f32 to vector<16xf32>
    %swap3A_549 = arith.constant 416 : index
    %swap3A_550 = tpu.vector_load %arg12[%swap3A_549] {strides = array<i32>} : memref<4096xf32, #tpu.memory_space<vmem>>, vector<16xf32>,
    %swap3A_551 = vector.shape_cast %swap3A_550 : vector<16xf32> to vector<16xf32>
    %swap3A_552 = vector.shape_cast %broadcast_in_dim3A_548 : vector<16xf32> to vector<16xf32>
    tpu.vector_store %arg12[%swap3A_549], %swap3A_552 {strides = array<i32>} : memref<4096xf32, #tpu.memory_space<vmem>>, vector<16xf32>,
    %broadcast_in_dim3A_553 = arith.constant 0.000000e+00 : f32
    %broadcast_in_dim3A_554 = vector.broadcast %broadcast_in_dim3A_553 : f32 to vector<16xf32>
    %swap3A_555 = arith.constant 432 : index
    %swap3A_556 = tpu.vector_load %arg12[%swap3A_555] {strides = array<i32>} : memref<4096xf32, #tpu.memory_space<vmem>>, vector<16xf32>,
    %swap3A_557 = vector.shape_cast %swap3A_556 : vector<16xf32> to vector<16xf32>
    %swap3A_558 = vector.shape_cast %broadcast_in_dim3A_554 : vector<16xf32> to vector<16xf32>
    tpu.vector_store %arg12[%swap3A_555], %swap3A_558 {strides = array<i32>} : memref<4096xf32, #tpu.memory_space<vmem>>, vector<16xf32>,
    %broadcast_in_dim3A_559 = arith.constant 0.000000e+00 : f32
    %broadcast_in_dim3A_560 = vector.broadcast %broadcast_in_dim3A_559 : f32 to vector<16xf32>
    %swap3A_561 = arith.constant 448 : index
    %swap3A_562 = tpu.vector_load %arg12[%swap3A_561] {strides = array<i32>} : memref<4096xf32, #tpu.memory_space<vmem>>, vector<16xf32>,
    %swap3A_563 = vector.shape_cast %swap3A_562 : vector<16xf32> to vector<16xf32>
    %swap3A_564 = vector.shape_cast %broadcast_in_dim3A_560 : vector<16xf32> to vector<16xf32>
    tpu.vector_store %arg12[%swap3A_561], %swap3A_564 {strides = array<i32>} : memref<4096xf32, #tpu.memory_space<vmem>>, vector<16xf32>,
    %broadcast_in_dim3A_565 = arith.constant 0.000000e+00 : f32
    %broadcast_in_dim3A_566 = vector.broadcast %broadcast_in_dim3A_565 : f32 to vector<16xf32>
    %swap3A_567 = arith.constant 464 : index
    %swap3A_568 = tpu.vector_load %arg12[%swap3A_567] {strides = array<i32>} : memref<4096xf32, #tpu.memory_space<vmem>>, vector<16xf32>,
    %swap3A_569 = vector.shape_cast %swap3A_568 : vector<16xf32> to vector<16xf32>
    %swap3A_570 = vector.shape_cast %broadcast_in_dim3A_566 : vector<16xf32> to vector<16xf32>
    tpu.vector_store %arg12[%swap3A_567], %swap3A_570 {strides = array<i32>} : memref<4096xf32, #tpu.memory_space<vmem>>, vector<16xf32>,
    %broadcast_in_dim3A_571 = arith.constant 0.000000e+00 : f32
    %broadcast_in_dim3A_572 = vector.broadcast %broadcast_in_dim3A_571 : f32 to vector<16xf32>
    %swap3A_573 = arith.constant 480 : index
    %swap3A_574 = tpu.vector_load %arg12[%swap3A_573] {strides = array<i32>} : memref<4096xf32, #tpu.memory_space<vmem>>, vector<16xf32>,
    %swap3A_575 = vector.shape_cast %swap3A_574 : vector<16xf32> to vector<16xf32>
    %swap3A_576 = vector.shape_cast %broadcast_in_dim3A_572 : vector<16xf32> to vector<16xf32>
    tpu.vector_store %arg12[%swap3A_573], %swap3A_576 {strides = array<i32>} : memref<4096xf32, #tpu.memory_space<vmem>>, vector<16xf32>,
    %broadcast_in_dim3A_577 = arith.constant 0.000000e+00 : f32
    %broadcast_in_dim3A_578 = vector.broadcast %broadcast_in_dim3A_577 : f32 to vector<16xf32>
    %swap3A_579 = arith.constant 496 : index
    %swap3A_580 = tpu.vector_load %arg12[%swap3A_579] {strides = array<i32>} : memref<4096xf32, #tpu.memory_space<vmem>>, vector<16xf32>,
    %swap3A_581 = vector.shape_cast %swap3A_580 : vector<16xf32> to vector<16xf32>
    %swap3A_582 = vector.shape_cast %broadcast_in_dim3A_578 : vector<16xf32> to vector<16xf32>
    tpu.vector_store %arg12[%swap3A_579], %swap3A_582 {strides = array<i32>} : memref<4096xf32, #tpu.memory_space<vmem>>, vector<16xf32>,
    %broadcast_in_dim3A_583 = arith.constant 0.000000e+00 : f32
    %broadcast_in_dim3A_584 = vector.broadcast %broadcast_in_dim3A_583 : f32 to vector<16xf32>
    %swap3A_585 = arith.constant 512 : index
    %swap3A_586 = tpu.vector_load %arg12[%swap3A_585] {strides = array<i32>} : memref<4096xf32, #tpu.memory_space<vmem>>, vector<16xf32>,
    %swap3A_587 = vector.shape_cast %swap3A_586 : vector<16xf32> to vector<16xf32>
    %swap3A_588 = vector.shape_cast %broadcast_in_dim3A_584 : vector<16xf32> to vector<16xf32>
    tpu.vector_store %arg12[%swap3A_585], %swap3A_588 {strides = array<i32>} : memref<4096xf32, #tpu.memory_space<vmem>>, vector<16xf32>,
    %broadcast_in_dim3A_589 = arith.constant 0.000000e+00 : f32
    %broadcast_in_dim3A_590 = vector.broadcast %broadcast_in_dim3A_589 : f32 to vector<16xf32>
    %swap3A_591 = arith.constant 528 : index
    %swap3A_592 = tpu.vector_load %arg12[%swap3A_591] {strides = array<i32>} : memref<4096xf32, #tpu.memory_space<vmem>>, vector<16xf32>,
    %swap3A_593 = vector.shape_cast %swap3A_592 : vector<16xf32> to vector<16xf32>
    %swap3A_594 = vector.shape_cast %broadcast_in_dim3A_590 : vector<16xf32> to vector<16xf32>
    tpu.vector_store %arg12[%swap3A_591], %swap3A_594 {strides = array<i32>} : memref<4096xf32, #tpu.memory_space<vmem>>, vector<16xf32>,
    %broadcast_in_dim3A_595 = arith.constant 0.000000e+00 : f32
    %broadcast_in_dim3A_596 = vector.broadcast %broadcast_in_dim3A_595 : f32 to vector<16xf32>
    %swap3A_597 = arith.constant 544 : index
    %swap3A_598 = tpu.vector_load %arg12[%swap3A_597] {strides = array<i32>} : memref<4096xf32, #tpu.memory_space<vmem>>, vector<16xf32>,
    %swap3A_599 = vector.shape_cast %swap3A_598 : vector<16xf32> to vector<16xf32>
    %swap3A_600 = vector.shape_cast %broadcast_in_dim3A_596 : vector<16xf32> to vector<16xf32>
    tpu.vector_store %arg12[%swap3A_597], %swap3A_600 {strides = array<i32>} : memref<4096xf32, #tpu.memory_space<vmem>>, vector<16xf32>,
    %broadcast_in_dim3A_601 = arith.constant 0.000000e+00 : f32
    %broadcast_in_dim3A_602 = vector.broadcast %broadcast_in_dim3A_601 : f32 to vector<16xf32>
    %swap3A_603 = arith.constant 560 : index
    %swap3A_604 = tpu.vector_load %arg12[%swap3A_603] {strides = array<i32>} : memref<4096xf32, #tpu.memory_space<vmem>>, vector<16xf32>,
    %swap3A_605 = vector.shape_cast %swap3A_604 : vector<16xf32> to vector<16xf32>
    %swap3A_606 = vector.shape_cast %broadcast_in_dim3A_602 : vector<16xf32> to vector<16xf32>
    tpu.vector_store %arg12[%swap3A_603], %swap3A_606 {strides = array<i32>} : memref<4096xf32, #tpu.memory_space<vmem>>, vector<16xf32>,
    %broadcast_in_dim3A_607 = arith.constant 0.000000e+00 : f32
    %broadcast_in_dim3A_608 = vector.broadcast %broadcast_in_dim3A_607 : f32 to vector<16xf32>
    %swap3A_609 = arith.constant 576 : index
    %swap3A_610 = tpu.vector_load %arg12[%swap3A_609] {strides = array<i32>} : memref<4096xf32, #tpu.memory_space<vmem>>, vector<16xf32>,
    %swap3A_611 = vector.shape_cast %swap3A_610 : vector<16xf32> to vector<16xf32>
    %swap3A_612 = vector.shape_cast %broadcast_in_dim3A_608 : vector<16xf32> to vector<16xf32>
    tpu.vector_store %arg12[%swap3A_609], %swap3A_612 {strides = array<i32>} : memref<4096xf32, #tpu.memory_space<vmem>>, vector<16xf32>,
    %broadcast_in_dim3A_613 = arith.constant 0.000000e+00 : f32
    %broadcast_in_dim3A_614 = vector.broadcast %broadcast_in_dim3A_613 : f32 to vector<16xf32>
    %swap3A_615 = arith.constant 592 : index
    %swap3A_616 = tpu.vector_load %arg12[%swap3A_615] {strides = array<i32>} : memref<4096xf32, #tpu.memory_space<vmem>>, vector<16xf32>,
    %swap3A_617 = vector.shape_cast %swap3A_616 : vector<16xf32> to vector<16xf32>
    %swap3A_618 = vector.shape_cast %broadcast_in_dim3A_614 : vector<16xf32> to vector<16xf32>
    tpu.vector_store %arg12[%swap3A_615], %swap3A_618 {strides = array<i32>} : memref<4096xf32, #tpu.memory_space<vmem>>, vector<16xf32>,
    %broadcast_in_dim3A_619 = arith.constant 0.000000e+00 : f32
    %broadcast_in_dim3A_620 = vector.broadcast %broadcast_in_dim3A_619 : f32 to vector<16xf32>
    %swap3A_621 = arith.constant 608 : index
    %swap3A_622 = tpu.vector_load %arg12[%swap3A_621] {strides = array<i32>} : memref<4096xf32, #tpu.memory_space<vmem>>, vector<16xf32>,
    %swap3A_623 = vector.shape_cast %swap3A_622 : vector<16xf32> to vector<16xf32>
    %swap3A_624 = vector.shape_cast %broadcast_in_dim3A_620 : vector<16xf32> to vector<16xf32>
    tpu.vector_store %arg12[%swap3A_621], %swap3A_624 {strides = array<i32>} : memref<4096xf32, #tpu.memory_space<vmem>>, vector<16xf32>,
    %broadcast_in_dim3A_625 = arith.constant 0.000000e+00 : f32
    %broadcast_in_dim3A_626 = vector.broadcast %broadcast_in_dim3A_625 : f32 to vector<16xf32>
    %swap3A_627 = arith.constant 624 : index
    %swap3A_628 = tpu.vector_load %arg12[%swap3A_627] {strides = array<i32>} : memref<4096xf32, #tpu.memory_space<vmem>>, vector<16xf32>,
    %swap3A_629 = vector.shape_cast %swap3A_628 : vector<16xf32> to vector<16xf32>
    %swap3A_630 = vector.shape_cast %broadcast_in_dim3A_626 : vector<16xf32> to vector<16xf32>
    tpu.vector_store %arg12[%swap3A_627], %swap3A_630 {strides = array<i32>} : memref<4096xf32, #tpu.memory_space<vmem>>, vector<16xf32>,
    %broadcast_in_dim3A_631 = arith.constant 0.000000e+00 : f32
    %broadcast_in_dim3A_632 = vector.broadcast %broadcast_in_dim3A_631 : f32 to vector<16xf32>
    %swap3A_633 = arith.constant 640 : index
    %swap3A_634 = tpu.vector_load %arg12[%swap3A_633] {strides = array<i32>} : memref<4096xf32, #tpu.memory_space<vmem>>, vector<16xf32>,
    %swap3A_635 = vector.shape_cast %swap3A_634 : vector<16xf32> to vector<16xf32>
    %swap3A_636 = vector.shape_cast %broadcast_in_dim3A_632 : vector<16xf32> to vector<16xf32>
    tpu.vector_store %arg12[%swap3A_633], %swap3A_636 {strides = array<i32>} : memref<4096xf32, #tpu.memory_space<vmem>>, vector<16xf32>,
    %broadcast_in_dim3A_637 = arith.constant 0.000000e+00 : f32
    %broadcast_in_dim3A_638 = vector.broadcast %broadcast_in_dim3A_637 : f32 to vector<16xf32>
    %swap3A_639 = arith.constant 656 : index
    %swap3A_640 = tpu.vector_load %arg12[%swap3A_639] {strides = array<i32>} : memref<4096xf32, #tpu.memory_space<vmem>>, vector<16xf32>,
    %swap3A_641 = vector.shape_cast %swap3A_640 : vector<16xf32> to vector<16xf32>
    %swap3A_642 = vector.shape_cast %broadcast_in_dim3A_638 : vector<16xf32> to vector<16xf32>
    tpu.vector_store %arg12[%swap3A_639], %swap3A_642 {strides = array<i32>} : memref<4096xf32, #tpu.memory_space<vmem>>, vector<16xf32>,
    %broadcast_in_dim3A_643 = arith.constant 0.000000e+00 : f32
    %broadcast_in_dim3A_644 = vector.broadcast %broadcast_in_dim3A_643 : f32 to vector<16xf32>
    %swap3A_645 = arith.constant 672 : index
    %swap3A_646 = tpu.vector_load %arg12[%swap3A_645] {strides = array<i32>} : memref<4096xf32, #tpu.memory_space<vmem>>, vector<16xf32>,
    %swap3A_647 = vector.shape_cast %swap3A_646 : vector<16xf32> to vector<16xf32>
    %swap3A_648 = vector.shape_cast %broadcast_in_dim3A_644 : vector<16xf32> to vector<16xf32>
    tpu.vector_store %arg12[%swap3A_645], %swap3A_648 {strides = array<i32>} : memref<4096xf32, #tpu.memory_space<vmem>>, vector<16xf32>,
    %broadcast_in_dim3A_649 = arith.constant 0.000000e+00 : f32
    %broadcast_in_dim3A_650 = vector.broadcast %broadcast_in_dim3A_649 : f32 to vector<16xf32>
    %swap3A_651 = arith.constant 688 : index
    %swap3A_652 = tpu.vector_load %arg12[%swap3A_651] {strides = array<i32>} : memref<4096xf32, #tpu.memory_space<vmem>>, vector<16xf32>,
    %swap3A_653 = vector.shape_cast %swap3A_652 : vector<16xf32> to vector<16xf32>
    %swap3A_654 = vector.shape_cast %broadcast_in_dim3A_650 : vector<16xf32> to vector<16xf32>
    tpu.vector_store %arg12[%swap3A_651], %swap3A_654 {strides = array<i32>} : memref<4096xf32, #tpu.memory_space<vmem>>, vector<16xf32>,
    %broadcast_in_dim3A_655 = arith.constant 0.000000e+00 : f32
    %broadcast_in_dim3A_656 = vector.broadcast %broadcast_in_dim3A_655 : f32 to vector<16xf32>
    %swap3A_657 = arith.constant 704 : index
    %swap3A_658 = tpu.vector_load %arg12[%swap3A_657] {strides = array<i32>} : memref<4096xf32, #tpu.memory_space<vmem>>, vector<16xf32>,
    %swap3A_659 = vector.shape_cast %swap3A_658 : vector<16xf32> to vector<16xf32>
    %swap3A_660 = vector.shape_cast %broadcast_in_dim3A_656 : vector<16xf32> to vector<16xf32>
    tpu.vector_store %arg12[%swap3A_657], %swap3A_660 {strides = array<i32>} : memref<4096xf32, #tpu.memory_space<vmem>>, vector<16xf32>,
    %broadcast_in_dim3A_661 = arith.constant 0.000000e+00 : f32
    %broadcast_in_dim3A_662 = vector.broadcast %broadcast_in_dim3A_661 : f32 to vector<16xf32>
    %swap3A_663 = arith.constant 720 : index
    %swap3A_664 = tpu.vector_load %arg12[%swap3A_663] {strides = array<i32>} : memref<4096xf32, #tpu.memory_space<vmem>>, vector<16xf32>,
    %swap3A_665 = vector.shape_cast %swap3A_664 : vector<16xf32> to vector<16xf32>
    %swap3A_666 = vector.shape_cast %broadcast_in_dim3A_662 : vector<16xf32> to vector<16xf32>
    tpu.vector_store %arg12[%swap3A_663], %swap3A_666 {strides = array<i32>} : memref<4096xf32, #tpu.memory_space<vmem>>, vector<16xf32>,
    %broadcast_in_dim3A_667 = arith.constant 0.000000e+00 : f32
    %broadcast_in_dim3A_668 = vector.broadcast %broadcast_in_dim3A_667 : f32 to vector<16xf32>
    %swap3A_669 = arith.constant 736 : index
    %swap3A_670 = tpu.vector_load %arg12[%swap3A_669] {strides = array<i32>} : memref<4096xf32, #tpu.memory_space<vmem>>, vector<16xf32>,
    %swap3A_671 = vector.shape_cast %swap3A_670 : vector<16xf32> to vector<16xf32>
    %swap3A_672 = vector.shape_cast %broadcast_in_dim3A_668 : vector<16xf32> to vector<16xf32>
    tpu.vector_store %arg12[%swap3A_669], %swap3A_672 {strides = array<i32>} : memref<4096xf32, #tpu.memory_space<vmem>>, vector<16xf32>,
    %broadcast_in_dim3A_673 = arith.constant 0.000000e+00 : f32
    %broadcast_in_dim3A_674 = vector.broadcast %broadcast_in_dim3A_673 : f32 to vector<16xf32>
    %swap3A_675 = arith.constant 752 : index
    %swap3A_676 = tpu.vector_load %arg12[%swap3A_675] {strides = array<i32>} : memref<4096xf32, #tpu.memory_space<vmem>>, vector<16xf32>,
    %swap3A_677 = vector.shape_cast %swap3A_676 : vector<16xf32> to vector<16xf32>
    %swap3A_678 = vector.shape_cast %broadcast_in_dim3A_674 : vector<16xf32> to vector<16xf32>
    tpu.vector_store %arg12[%swap3A_675], %swap3A_678 {strides = array<i32>} : memref<4096xf32, #tpu.memory_space<vmem>>, vector<16xf32>,
    %broadcast_in_dim3A_679 = arith.constant 0.000000e+00 : f32
    %broadcast_in_dim3A_680 = vector.broadcast %broadcast_in_dim3A_679 : f32 to vector<16xf32>
    %swap3A_681 = arith.constant 768 : index
    %swap3A_682 = tpu.vector_load %arg12[%swap3A_681] {strides = array<i32>} : memref<4096xf32, #tpu.memory_space<vmem>>, vector<16xf32>,
    %swap3A_683 = vector.shape_cast %swap3A_682 : vector<16xf32> to vector<16xf32>
    %swap3A_684 = vector.shape_cast %broadcast_in_dim3A_680 : vector<16xf32> to vector<16xf32>
    tpu.vector_store %arg12[%swap3A_681], %swap3A_684 {strides = array<i32>} : memref<4096xf32, #tpu.memory_space<vmem>>, vector<16xf32>,
    %broadcast_in_dim3A_685 = arith.constant 0.000000e+00 : f32
    %broadcast_in_dim3A_686 = vector.broadcast %broadcast_in_dim3A_685 : f32 to vector<16xf32>
    %swap3A_687 = arith.constant 784 : index
    %swap3A_688 = tpu.vector_load %arg12[%swap3A_687] {strides = array<i32>} : memref<4096xf32, #tpu.memory_space<vmem>>, vector<16xf32>,
    %swap3A_689 = vector.shape_cast %swap3A_688 : vector<16xf32> to vector<16xf32>
    %swap3A_690 = vector.shape_cast %broadcast_in_dim3A_686 : vector<16xf32> to vector<16xf32>
    tpu.vector_store %arg12[%swap3A_687], %swap3A_690 {strides = array<i32>} : memref<4096xf32, #tpu.memory_space<vmem>>, vector<16xf32>,
    %broadcast_in_dim3A_691 = arith.constant 0.000000e+00 : f32
    %broadcast_in_dim3A_692 = vector.broadcast %broadcast_in_dim3A_691 : f32 to vector<16xf32>
    %swap3A_693 = arith.constant 800 : index
    %swap3A_694 = tpu.vector_load %arg12[%swap3A_693] {strides = array<i32>} : memref<4096xf32, #tpu.memory_space<vmem>>, vector<16xf32>,
    %swap3A_695 = vector.shape_cast %swap3A_694 : vector<16xf32> to vector<16xf32>
    %swap3A_696 = vector.shape_cast %broadcast_in_dim3A_692 : vector<16xf32> to vector<16xf32>
    tpu.vector_store %arg12[%swap3A_693], %swap3A_696 {strides = array<i32>} : memref<4096xf32, #tpu.memory_space<vmem>>, vector<16xf32>,
    %broadcast_in_dim3A_697 = arith.constant 0.000000e+00 : f32
    %broadcast_in_dim3A_698 = vector.broadcast %broadcast_in_dim3A_697 : f32 to vector<16xf32>
    %swap3A_699 = arith.constant 816 : index
    %swap3A_700 = tpu.vector_load %arg12[%swap3A_699] {strides = array<i32>} : memref<4096xf32, #tpu.memory_space<vmem>>, vector<16xf32>,
    %swap3A_701 = vector.shape_cast %swap3A_700 : vector<16xf32> to vector<16xf32>
    %swap3A_702 = vector.shape_cast %broadcast_in_dim3A_698 : vector<16xf32> to vector<16xf32>
    tpu.vector_store %arg12[%swap3A_699], %swap3A_702 {strides = array<i32>} : memref<4096xf32, #tpu.memory_space<vmem>>, vector<16xf32>,
    %broadcast_in_dim3A_703 = arith.constant 0.000000e+00 : f32
    %broadcast_in_dim3A_704 = vector.broadcast %broadcast_in_dim3A_703 : f32 to vector<16xf32>
    %swap3A_705 = arith.constant 832 : index
    %swap3A_706 = tpu.vector_load %arg12[%swap3A_705] {strides = array<i32>} : memref<4096xf32, #tpu.memory_space<vmem>>, vector<16xf32>,
    %swap3A_707 = vector.shape_cast %swap3A_706 : vector<16xf32> to vector<16xf32>
    %swap3A_708 = vector.shape_cast %broadcast_in_dim3A_704 : vector<16xf32> to vector<16xf32>
    tpu.vector_store %arg12[%swap3A_705], %swap3A_708 {strides = array<i32>} : memref<4096xf32, #tpu.memory_space<vmem>>, vector<16xf32>,
    %broadcast_in_dim3A_709 = arith.constant 0.000000e+00 : f32
    %broadcast_in_dim3A_710 = vector.broadcast %broadcast_in_dim3A_709 : f32 to vector<16xf32>
    %swap3A_711 = arith.constant 848 : index
    %swap3A_712 = tpu.vector_load %arg12[%swap3A_711] {strides = array<i32>} : memref<4096xf32, #tpu.memory_space<vmem>>, vector<16xf32>,
    %swap3A_713 = vector.shape_cast %swap3A_712 : vector<16xf32> to vector<16xf32>
    %swap3A_714 = vector.shape_cast %broadcast_in_dim3A_710 : vector<16xf32> to vector<16xf32>
    tpu.vector_store %arg12[%swap3A_711], %swap3A_714 {strides = array<i32>} : memref<4096xf32, #tpu.memory_space<vmem>>, vector<16xf32>,
    %broadcast_in_dim3A_715 = arith.constant 0.000000e+00 : f32
    %broadcast_in_dim3A_716 = vector.broadcast %broadcast_in_dim3A_715 : f32 to vector<16xf32>
    %swap3A_717 = arith.constant 864 : index
    %swap3A_718 = tpu.vector_load %arg12[%swap3A_717] {strides = array<i32>} : memref<4096xf32, #tpu.memory_space<vmem>>, vector<16xf32>,
    %swap3A_719 = vector.shape_cast %swap3A_718 : vector<16xf32> to vector<16xf32>
    %swap3A_720 = vector.shape_cast %broadcast_in_dim3A_716 : vector<16xf32> to vector<16xf32>
    tpu.vector_store %arg12[%swap3A_717], %swap3A_720 {strides = array<i32>} : memref<4096xf32, #tpu.memory_space<vmem>>, vector<16xf32>,
    %broadcast_in_dim3A_721 = arith.constant 0.000000e+00 : f32
    %broadcast_in_dim3A_722 = vector.broadcast %broadcast_in_dim3A_721 : f32 to vector<16xf32>
    %swap3A_723 = arith.constant 880 : index
    %swap3A_724 = tpu.vector_load %arg12[%swap3A_723] {strides = array<i32>} : memref<4096xf32, #tpu.memory_space<vmem>>, vector<16xf32>,
    %swap3A_725 = vector.shape_cast %swap3A_724 : vector<16xf32> to vector<16xf32>
    %swap3A_726 = vector.shape_cast %broadcast_in_dim3A_722 : vector<16xf32> to vector<16xf32>
    tpu.vector_store %arg12[%swap3A_723], %swap3A_726 {strides = array<i32>} : memref<4096xf32, #tpu.memory_space<vmem>>, vector<16xf32>,
    %broadcast_in_dim3A_727 = arith.constant 0.000000e+00 : f32
    %broadcast_in_dim3A_728 = vector.broadcast %broadcast_in_dim3A_727 : f32 to vector<16xf32>
    %swap3A_729 = arith.constant 896 : index
    %swap3A_730 = tpu.vector_load %arg12[%swap3A_729] {strides = array<i32>} : memref<4096xf32, #tpu.memory_space<vmem>>, vector<16xf32>,
    %swap3A_731 = vector.shape_cast %swap3A_730 : vector<16xf32> to vector<16xf32>
    %swap3A_732 = vector.shape_cast %broadcast_in_dim3A_728 : vector<16xf32> to vector<16xf32>
    tpu.vector_store %arg12[%swap3A_729], %swap3A_732 {strides = array<i32>} : memref<4096xf32, #tpu.memory_space<vmem>>, vector<16xf32>,
    %broadcast_in_dim3A_733 = arith.constant 0.000000e+00 : f32
    %broadcast_in_dim3A_734 = vector.broadcast %broadcast_in_dim3A_733 : f32 to vector<16xf32>
    %swap3A_735 = arith.constant 912 : index
    %swap3A_736 = tpu.vector_load %arg12[%swap3A_735] {strides = array<i32>} : memref<4096xf32, #tpu.memory_space<vmem>>, vector<16xf32>,
    %swap3A_737 = vector.shape_cast %swap3A_736 : vector<16xf32> to vector<16xf32>
    %swap3A_738 = vector.shape_cast %broadcast_in_dim3A_734 : vector<16xf32> to vector<16xf32>
    tpu.vector_store %arg12[%swap3A_735], %swap3A_738 {strides = array<i32>} : memref<4096xf32, #tpu.memory_space<vmem>>, vector<16xf32>,
    %broadcast_in_dim3A_739 = arith.constant 0.000000e+00 : f32
    %broadcast_in_dim3A_740 = vector.broadcast %broadcast_in_dim3A_739 : f32 to vector<16xf32>
    %swap3A_741 = arith.constant 928 : index
    %swap3A_742 = tpu.vector_load %arg12[%swap3A_741] {strides = array<i32>} : memref<4096xf32, #tpu.memory_space<vmem>>, vector<16xf32>,
    %swap3A_743 = vector.shape_cast %swap3A_742 : vector<16xf32> to vector<16xf32>
    %swap3A_744 = vector.shape_cast %broadcast_in_dim3A_740 : vector<16xf32> to vector<16xf32>
    tpu.vector_store %arg12[%swap3A_741], %swap3A_744 {strides = array<i32>} : memref<4096xf32, #tpu.memory_space<vmem>>, vector<16xf32>,
    %broadcast_in_dim3A_745 = arith.constant 0.000000e+00 : f32
    %broadcast_in_dim3A_746 = vector.broadcast %broadcast_in_dim3A_745 : f32 to vector<16xf32>
    %swap3A_747 = arith.constant 944 : index
    %swap3A_748 = tpu.vector_load %arg12[%swap3A_747] {strides = array<i32>} : memref<4096xf32, #tpu.memory_space<vmem>>, vector<16xf32>,
    %swap3A_749 = vector.shape_cast %swap3A_748 : vector<16xf32> to vector<16xf32>
    %swap3A_750 = vector.shape_cast %broadcast_in_dim3A_746 : vector<16xf32> to vector<16xf32>
    tpu.vector_store %arg12[%swap3A_747], %swap3A_750 {strides = array<i32>} : memref<4096xf32, #tpu.memory_space<vmem>>, vector<16xf32>,
    %broadcast_in_dim3A_751 = arith.constant 0.000000e+00 : f32
    %broadcast_in_dim3A_752 = vector.broadcast %broadcast_in_dim3A_751 : f32 to vector<16xf32>
    %swap3A_753 = arith.constant 960 : index
    %swap3A_754 = tpu.vector_load %arg12[%swap3A_753] {strides = array<i32>} : memref<4096xf32, #tpu.memory_space<vmem>>, vector<16xf32>,
    %swap3A_755 = vector.shape_cast %swap3A_754 : vector<16xf32> to vector<16xf32>
    %swap3A_756 = vector.shape_cast %broadcast_in_dim3A_752 : vector<16xf32> to vector<16xf32>
    tpu.vector_store %arg12[%swap3A_753], %swap3A_756 {strides = array<i32>} : memref<4096xf32, #tpu.memory_space<vmem>>, vector<16xf32>,
    %broadcast_in_dim3A_757 = arith.constant 0.000000e+00 : f32
    %broadcast_in_dim3A_758 = vector.broadcast %broadcast_in_dim3A_757 : f32 to vector<16xf32>
    %swap3A_759 = arith.constant 976 : index
    %swap3A_760 = tpu.vector_load %arg12[%swap3A_759] {strides = array<i32>} : memref<4096xf32, #tpu.memory_space<vmem>>, vector<16xf32>,
    %swap3A_761 = vector.shape_cast %swap3A_760 : vector<16xf32> to vector<16xf32>
    %swap3A_762 = vector.shape_cast %broadcast_in_dim3A_758 : vector<16xf32> to vector<16xf32>
    tpu.vector_store %arg12[%swap3A_759], %swap3A_762 {strides = array<i32>} : memref<4096xf32, #tpu.memory_space<vmem>>, vector<16xf32>,
    %broadcast_in_dim3A_763 = arith.constant 0.000000e+00 : f32
    %broadcast_in_dim3A_764 = vector.broadcast %broadcast_in_dim3A_763 : f32 to vector<16xf32>
    %swap3A_765 = arith.constant 992 : index
    %swap3A_766 = tpu.vector_load %arg12[%swap3A_765] {strides = array<i32>} : memref<4096xf32, #tpu.memory_space<vmem>>, vector<16xf32>,
    %swap3A_767 = vector.shape_cast %swap3A_766 : vector<16xf32> to vector<16xf32>
    %swap3A_768 = vector.shape_cast %broadcast_in_dim3A_764 : vector<16xf32> to vector<16xf32>
    tpu.vector_store %arg12[%swap3A_765], %swap3A_768 {strides = array<i32>} : memref<4096xf32, #tpu.memory_space<vmem>>, vector<16xf32>,
    %broadcast_in_dim3A_769 = arith.constant 0.000000e+00 : f32
    %broadcast_in_dim3A_770 = vector.broadcast %broadcast_in_dim3A_769 : f32 to vector<16xf32>
    %swap3A_771 = arith.constant 1008 : index
    %swap3A_772 = tpu.vector_load %arg12[%swap3A_771] {strides = array<i32>} : memref<4096xf32, #tpu.memory_space<vmem>>, vector<16xf32>,
    %swap3A_773 = vector.shape_cast %swap3A_772 : vector<16xf32> to vector<16xf32>
    %swap3A_774 = vector.shape_cast %broadcast_in_dim3A_770 : vector<16xf32> to vector<16xf32>
    tpu.vector_store %arg12[%swap3A_771], %swap3A_774 {strides = array<i32>} : memref<4096xf32, #tpu.memory_space<vmem>>, vector<16xf32>,
    %broadcast_in_dim3A_775 = arith.constant 0.000000e+00 : f32
    %broadcast_in_dim3A_776 = vector.broadcast %broadcast_in_dim3A_775 : f32 to vector<16xf32>
    %swap3A_777 = arith.constant 1024 : index
    %swap3A_778 = tpu.vector_load %arg12[%swap3A_777] {strides = array<i32>} : memref<4096xf32, #tpu.memory_space<vmem>>, vector<16xf32>,
    %swap3A_779 = vector.shape_cast %swap3A_778 : vector<16xf32> to vector<16xf32>
    %swap3A_780 = vector.shape_cast %broadcast_in_dim3A_776 : vector<16xf32> to vector<16xf32>
    tpu.vector_store %arg12[%swap3A_777], %swap3A_780 {strides = array<i32>} : memref<4096xf32, #tpu.memory_space<vmem>>, vector<16xf32>,
    %broadcast_in_dim3A_781 = arith.constant 0.000000e+00 : f32
    %broadcast_in_dim3A_782 = vector.broadcast %broadcast_in_dim3A_781 : f32 to vector<16xf32>
    %swap3A_783 = arith.constant 1040 : index
    %swap3A_784 = tpu.vector_load %arg12[%swap3A_783] {strides = array<i32>} : memref<4096xf32, #tpu.memory_space<vmem>>, vector<16xf32>,
    %swap3A_785 = vector.shape_cast %swap3A_784 : vector<16xf32> to vector<16xf32>
    %swap3A_786 = vector.shape_cast %broadcast_in_dim3A_782 : vector<16xf32> to vector<16xf32>
    tpu.vector_store %arg12[%swap3A_783], %swap3A_786 {strides = array<i32>} : memref<4096xf32, #tpu.memory_space<vmem>>, vector<16xf32>,
    %broadcast_in_dim3A_787 = arith.constant 0.000000e+00 : f32
    %broadcast_in_dim3A_788 = vector.broadcast %broadcast_in_dim3A_787 : f32 to vector<16xf32>
    %swap3A_789 = arith.constant 1056 : index
    %swap3A_790 = tpu.vector_load %arg12[%swap3A_789] {strides = array<i32>} : memref<4096xf32, #tpu.memory_space<vmem>>, vector<16xf32>,
    %swap3A_791 = vector.shape_cast %swap3A_790 : vector<16xf32> to vector<16xf32>
    %swap3A_792 = vector.shape_cast %broadcast_in_dim3A_788 : vector<16xf32> to vector<16xf32>
    tpu.vector_store %arg12[%swap3A_789], %swap3A_792 {strides = array<i32>} : memref<4096xf32, #tpu.memory_space<vmem>>, vector<16xf32>,
    %broadcast_in_dim3A_793 = arith.constant 0.000000e+00 : f32
    %broadcast_in_dim3A_794 = vector.broadcast %broadcast_in_dim3A_793 : f32 to vector<16xf32>
    %swap3A_795 = arith.constant 1072 : index
    %swap3A_796 = tpu.vector_load %arg12[%swap3A_795] {strides = array<i32>} : memref<4096xf32, #tpu.memory_space<vmem>>, vector<16xf32>,
    %swap3A_797 = vector.shape_cast %swap3A_796 : vector<16xf32> to vector<16xf32>
    %swap3A_798 = vector.shape_cast %broadcast_in_dim3A_794 : vector<16xf32> to vector<16xf32>
    tpu.vector_store %arg12[%swap3A_795], %swap3A_798 {strides = array<i32>} : memref<4096xf32, #tpu.memory_space<vmem>>, vector<16xf32>,
    %broadcast_in_dim3A_799 = arith.constant 0.000000e+00 : f32
    %broadcast_in_dim3A_800 = vector.broadcast %broadcast_in_dim3A_799 : f32 to vector<16xf32>
    %swap3A_801 = arith.constant 1088 : index
    %swap3A_802 = tpu.vector_load %arg12[%swap3A_801] {strides = array<i32>} : memref<4096xf32, #tpu.memory_space<vmem>>, vector<16xf32>,
    %swap3A_803 = vector.shape_cast %swap3A_802 : vector<16xf32> to vector<16xf32>
    %swap3A_804 = vector.shape_cast %broadcast_in_dim3A_800 : vector<16xf32> to vector<16xf32>
    tpu.vector_store %arg12[%swap3A_801], %swap3A_804 {strides = array<i32>} : memref<4096xf32, #tpu.memory_space<vmem>>, vector<16xf32>,
    %broadcast_in_dim3A_805 = arith.constant 0.000000e+00 : f32
    %broadcast_in_dim3A_806 = vector.broadcast %broadcast_in_dim3A_805 : f32 to vector<16xf32>
    %swap3A_807 = arith.constant 1104 : index
    %swap3A_808 = tpu.vector_load %arg12[%swap3A_807] {strides = array<i32>} : memref<4096xf32, #tpu.memory_space<vmem>>, vector<16xf32>,
    %swap3A_809 = vector.shape_cast %swap3A_808 : vector<16xf32> to vector<16xf32>
    %swap3A_810 = vector.shape_cast %broadcast_in_dim3A_806 : vector<16xf32> to vector<16xf32>
    tpu.vector_store %arg12[%swap3A_807], %swap3A_810 {strides = array<i32>} : memref<4096xf32, #tpu.memory_space<vmem>>, vector<16xf32>,
    %broadcast_in_dim3A_811 = arith.constant 0.000000e+00 : f32
    %broadcast_in_dim3A_812 = vector.broadcast %broadcast_in_dim3A_811 : f32 to vector<16xf32>
    %swap3A_813 = arith.constant 1120 : index
    %swap3A_814 = tpu.vector_load %arg12[%swap3A_813] {strides = array<i32>} : memref<4096xf32, #tpu.memory_space<vmem>>, vector<16xf32>,
    %swap3A_815 = vector.shape_cast %swap3A_814 : vector<16xf32> to vector<16xf32>
    %swap3A_816 = vector.shape_cast %broadcast_in_dim3A_812 : vector<16xf32> to vector<16xf32>
    tpu.vector_store %arg12[%swap3A_813], %swap3A_816 {strides = array<i32>} : memref<4096xf32, #tpu.memory_space<vmem>>, vector<16xf32>,
    %broadcast_in_dim3A_817 = arith.constant 0.000000e+00 : f32
    %broadcast_in_dim3A_818 = vector.broadcast %broadcast_in_dim3A_817 : f32 to vector<16xf32>
    %swap3A_819 = arith.constant 1136 : index
    %swap3A_820 = tpu.vector_load %arg12[%swap3A_819] {strides = array<i32>} : memref<4096xf32, #tpu.memory_space<vmem>>, vector<16xf32>,
    %swap3A_821 = vector.shape_cast %swap3A_820 : vector<16xf32> to vector<16xf32>
    %swap3A_822 = vector.shape_cast %broadcast_in_dim3A_818 : vector<16xf32> to vector<16xf32>
    tpu.vector_store %arg12[%swap3A_819], %swap3A_822 {strides = array<i32>} : memref<4096xf32, #tpu.memory_space<vmem>>, vector<16xf32>,
    %broadcast_in_dim3A_823 = arith.constant 0.000000e+00 : f32
    %broadcast_in_dim3A_824 = vector.broadcast %broadcast_in_dim3A_823 : f32 to vector<16xf32>
    %swap3A_825 = arith.constant 1152 : index
    %swap3A_826 = tpu.vector_load %arg12[%swap3A_825] {strides = array<i32>} : memref<4096xf32, #tpu.memory_space<vmem>>, vector<16xf32>,
    %swap3A_827 = vector.shape_cast %swap3A_826 : vector<16xf32> to vector<16xf32>
    %swap3A_828 = vector.shape_cast %broadcast_in_dim3A_824 : vector<16xf32> to vector<16xf32>
    tpu.vector_store %arg12[%swap3A_825], %swap3A_828 {strides = array<i32>} : memref<4096xf32, #tpu.memory_space<vmem>>, vector<16xf32>,
    %broadcast_in_dim3A_829 = arith.constant 0.000000e+00 : f32
    %broadcast_in_dim3A_830 = vector.broadcast %broadcast_in_dim3A_829 : f32 to vector<16xf32>
    %swap3A_831 = arith.constant 1168 : index
    %swap3A_832 = tpu.vector_load %arg12[%swap3A_831] {strides = array<i32>} : memref<4096xf32, #tpu.memory_space<vmem>>, vector<16xf32>,
    %swap3A_833 = vector.shape_cast %swap3A_832 : vector<16xf32> to vector<16xf32>
    %swap3A_834 = vector.shape_cast %broadcast_in_dim3A_830 : vector<16xf32> to vector<16xf32>
    tpu.vector_store %arg12[%swap3A_831], %swap3A_834 {strides = array<i32>} : memref<4096xf32, #tpu.memory_space<vmem>>, vector<16xf32>,
    %broadcast_in_dim3A_835 = arith.constant 0.000000e+00 : f32
    %broadcast_in_dim3A_836 = vector.broadcast %broadcast_in_dim3A_835 : f32 to vector<16xf32>
    %swap3A_837 = arith.constant 1184 : index
    %swap3A_838 = tpu.vector_load %arg12[%swap3A_837] {strides = array<i32>} : memref<4096xf32, #tpu.memory_space<vmem>>, vector<16xf32>,
    %swap3A_839 = vector.shape_cast %swap3A_838 : vector<16xf32> to vector<16xf32>
    %swap3A_840 = vector.shape_cast %broadcast_in_dim3A_836 : vector<16xf32> to vector<16xf32>
    tpu.vector_store %arg12[%swap3A_837], %swap3A_840 {strides = array<i32>} : memref<4096xf32, #tpu.memory_space<vmem>>, vector<16xf32>,
    %broadcast_in_dim3A_841 = arith.constant 0.000000e+00 : f32
    %broadcast_in_dim3A_842 = vector.broadcast %broadcast_in_dim3A_841 : f32 to vector<16xf32>
    %swap3A_843 = arith.constant 1200 : index
    %swap3A_844 = tpu.vector_load %arg12[%swap3A_843] {strides = array<i32>} : memref<4096xf32, #tpu.memory_space<vmem>>, vector<16xf32>,
    %swap3A_845 = vector.shape_cast %swap3A_844 : vector<16xf32> to vector<16xf32>
    %swap3A_846 = vector.shape_cast %broadcast_in_dim3A_842 : vector<16xf32> to vector<16xf32>
    tpu.vector_store %arg12[%swap3A_843], %swap3A_846 {strides = array<i32>} : memref<4096xf32, #tpu.memory_space<vmem>>, vector<16xf32>,
    %broadcast_in_dim3A_847 = arith.constant 0.000000e+00 : f32
    %broadcast_in_dim3A_848 = vector.broadcast %broadcast_in_dim3A_847 : f32 to vector<16xf32>
    %swap3A_849 = arith.constant 1216 : index
    %swap3A_850 = tpu.vector_load %arg12[%swap3A_849] {strides = array<i32>} : memref<4096xf32, #tpu.memory_space<vmem>>, vector<16xf32>,
    %swap3A_851 = vector.shape_cast %swap3A_850 : vector<16xf32> to vector<16xf32>
    %swap3A_852 = vector.shape_cast %broadcast_in_dim3A_848 : vector<16xf32> to vector<16xf32>
    tpu.vector_store %arg12[%swap3A_849], %swap3A_852 {strides = array<i32>} : memref<4096xf32, #tpu.memory_space<vmem>>, vector<16xf32>,
    %broadcast_in_dim3A_853 = arith.constant 0.000000e+00 : f32
    %broadcast_in_dim3A_854 = vector.broadcast %broadcast_in_dim3A_853 : f32 to vector<16xf32>
    %swap3A_855 = arith.constant 1232 : index
    %swap3A_856 = tpu.vector_load %arg12[%swap3A_855] {strides = array<i32>} : memref<4096xf32, #tpu.memory_space<vmem>>, vector<16xf32>,
    %swap3A_857 = vector.shape_cast %swap3A_856 : vector<16xf32> to vector<16xf32>
    %swap3A_858 = vector.shape_cast %broadcast_in_dim3A_854 : vector<16xf32> to vector<16xf32>
    tpu.vector_store %arg12[%swap3A_855], %swap3A_858 {strides = array<i32>} : memref<4096xf32, #tpu.memory_space<vmem>>, vector<16xf32>,
    %broadcast_in_dim3A_859 = arith.constant 0.000000e+00 : f32
    %broadcast_in_dim3A_860 = vector.broadcast %broadcast_in_dim3A_859 : f32 to vector<16xf32>
    %swap3A_861 = arith.constant 1248 : index
    %swap3A_862 = tpu.vector_load %arg12[%swap3A_861] {strides = array<i32>} : memref<4096xf32, #tpu.memory_space<vmem>>, vector<16xf32>,
    %swap3A_863 = vector.shape_cast %swap3A_862 : vector<16xf32> to vector<16xf32>
    %swap3A_864 = vector.shape_cast %broadcast_in_dim3A_860 : vector<16xf32> to vector<16xf32>
    tpu.vector_store %arg12[%swap3A_861], %swap3A_864 {strides = array<i32>} : memref<4096xf32, #tpu.memory_space<vmem>>, vector<16xf32>,
    %broadcast_in_dim3A_865 = arith.constant 0.000000e+00 : f32
    %broadcast_in_dim3A_866 = vector.broadcast %broadcast_in_dim3A_865 : f32 to vector<16xf32>
    %swap3A_867 = arith.constant 1264 : index
    %swap3A_868 = tpu.vector_load %arg12[%swap3A_867] {strides = array<i32>} : memref<4096xf32, #tpu.memory_space<vmem>>, vector<16xf32>,
    %swap3A_869 = vector.shape_cast %swap3A_868 : vector<16xf32> to vector<16xf32>
    %swap3A_870 = vector.shape_cast %broadcast_in_dim3A_866 : vector<16xf32> to vector<16xf32>
    tpu.vector_store %arg12[%swap3A_867], %swap3A_870 {strides = array<i32>} : memref<4096xf32, #tpu.memory_space<vmem>>, vector<16xf32>,
    %broadcast_in_dim3A_871 = arith.constant 0.000000e+00 : f32
    %broadcast_in_dim3A_872 = vector.broadcast %broadcast_in_dim3A_871 : f32 to vector<16xf32>
    %swap3A_873 = arith.constant 1280 : index
    %swap3A_874 = tpu.vector_load %arg12[%swap3A_873] {strides = array<i32>} : memref<4096xf32, #tpu.memory_space<vmem>>, vector<16xf32>,
    %swap3A_875 = vector.shape_cast %swap3A_874 : vector<16xf32> to vector<16xf32>
    %swap3A_876 = vector.shape_cast %broadcast_in_dim3A_872 : vector<16xf32> to vector<16xf32>
    tpu.vector_store %arg12[%swap3A_873], %swap3A_876 {strides = array<i32>} : memref<4096xf32, #tpu.memory_space<vmem>>, vector<16xf32>,
    %broadcast_in_dim3A_877 = arith.constant 0.000000e+00 : f32
    %broadcast_in_dim3A_878 = vector.broadcast %broadcast_in_dim3A_877 : f32 to vector<16xf32>
    %swap3A_879 = arith.constant 1296 : index
    %swap3A_880 = tpu.vector_load %arg12[%swap3A_879] {strides = array<i32>} : memref<4096xf32, #tpu.memory_space<vmem>>, vector<16xf32>,
    %swap3A_881 = vector.shape_cast %swap3A_880 : vector<16xf32> to vector<16xf32>
    %swap3A_882 = vector.shape_cast %broadcast_in_dim3A_878 : vector<16xf32> to vector<16xf32>
    tpu.vector_store %arg12[%swap3A_879], %swap3A_882 {strides = array<i32>} : memref<4096xf32, #tpu.memory_space<vmem>>, vector<16xf32>,
    %broadcast_in_dim3A_883 = arith.constant 0.000000e+00 : f32
    %broadcast_in_dim3A_884 = vector.broadcast %broadcast_in_dim3A_883 : f32 to vector<16xf32>
    %swap3A_885 = arith.constant 1312 : index
    %swap3A_886 = tpu.vector_load %arg12[%swap3A_885] {strides = array<i32>} : memref<4096xf32, #tpu.memory_space<vmem>>, vector<16xf32>,
    %swap3A_887 = vector.shape_cast %swap3A_886 : vector<16xf32> to vector<16xf32>
    %swap3A_888 = vector.shape_cast %broadcast_in_dim3A_884 : vector<16xf32> to vector<16xf32>
    tpu.vector_store %arg12[%swap3A_885], %swap3A_888 {strides = array<i32>} : memref<4096xf32, #tpu.memory_space<vmem>>, vector<16xf32>,
    %broadcast_in_dim3A_889 = arith.constant 0.000000e+00 : f32
    %broadcast_in_dim3A_890 = vector.broadcast %broadcast_in_dim3A_889 : f32 to vector<16xf32>
    %swap3A_891 = arith.constant 1328 : index
    %swap3A_892 = tpu.vector_load %arg12[%swap3A_891] {strides = array<i32>} : memref<4096xf32, #tpu.memory_space<vmem>>, vector<16xf32>,
    %swap3A_893 = vector.shape_cast %swap3A_892 : vector<16xf32> to vector<16xf32>
    %swap3A_894 = vector.shape_cast %broadcast_in_dim3A_890 : vector<16xf32> to vector<16xf32>
    tpu.vector_store %arg12[%swap3A_891], %swap3A_894 {strides = array<i32>} : memref<4096xf32, #tpu.memory_space<vmem>>, vector<16xf32>,
    %broadcast_in_dim3A_895 = arith.constant 0.000000e+00 : f32
    %broadcast_in_dim3A_896 = vector.broadcast %broadcast_in_dim3A_895 : f32 to vector<16xf32>
    %swap3A_897 = arith.constant 1344 : index
    %swap3A_898 = tpu.vector_load %arg12[%swap3A_897] {strides = array<i32>} : memref<4096xf32, #tpu.memory_space<vmem>>, vector<16xf32>,
    %swap3A_899 = vector.shape_cast %swap3A_898 : vector<16xf32> to vector<16xf32>
    %swap3A_900 = vector.shape_cast %broadcast_in_dim3A_896 : vector<16xf32> to vector<16xf32>
    tpu.vector_store %arg12[%swap3A_897], %swap3A_900 {strides = array<i32>} : memref<4096xf32, #tpu.memory_space<vmem>>, vector<16xf32>,
    %broadcast_in_dim3A_901 = arith.constant 0.000000e+00 : f32
    %broadcast_in_dim3A_902 = vector.broadcast %broadcast_in_dim3A_901 : f32 to vector<16xf32>
    %swap3A_903 = arith.constant 1360 : index
    %swap3A_904 = tpu.vector_load %arg12[%swap3A_903] {strides = array<i32>} : memref<4096xf32, #tpu.memory_space<vmem>>, vector<16xf32>,
    %swap3A_905 = vector.shape_cast %swap3A_904 : vector<16xf32> to vector<16xf32>
    %swap3A_906 = vector.shape_cast %broadcast_in_dim3A_902 : vector<16xf32> to vector<16xf32>
    tpu.vector_store %arg12[%swap3A_903], %swap3A_906 {strides = array<i32>} : memref<4096xf32, #tpu.memory_space<vmem>>, vector<16xf32>,
    %broadcast_in_dim3A_907 = arith.constant 0.000000e+00 : f32
    %broadcast_in_dim3A_908 = vector.broadcast %broadcast_in_dim3A_907 : f32 to vector<16xf32>
    %swap3A_909 = arith.constant 1376 : index
    %swap3A_910 = tpu.vector_load %arg12[%swap3A_909] {strides = array<i32>} : memref<4096xf32, #tpu.memory_space<vmem>>, vector<16xf32>,
    %swap3A_911 = vector.shape_cast %swap3A_910 : vector<16xf32> to vector<16xf32>
    %swap3A_912 = vector.shape_cast %broadcast_in_dim3A_908 : vector<16xf32> to vector<16xf32>
    tpu.vector_store %arg12[%swap3A_909], %swap3A_912 {strides = array<i32>} : memref<4096xf32, #tpu.memory_space<vmem>>, vector<16xf32>,
    %broadcast_in_dim3A_913 = arith.constant 0.000000e+00 : f32
    %broadcast_in_dim3A_914 = vector.broadcast %broadcast_in_dim3A_913 : f32 to vector<16xf32>
    %swap3A_915 = arith.constant 1392 : index
    %swap3A_916 = tpu.vector_load %arg12[%swap3A_915] {strides = array<i32>} : memref<4096xf32, #tpu.memory_space<vmem>>, vector<16xf32>,
    %swap3A_917 = vector.shape_cast %swap3A_916 : vector<16xf32> to vector<16xf32>
    %swap3A_918 = vector.shape_cast %broadcast_in_dim3A_914 : vector<16xf32> to vector<16xf32>
    tpu.vector_store %arg12[%swap3A_915], %swap3A_918 {strides = array<i32>} : memref<4096xf32, #tpu.memory_space<vmem>>, vector<16xf32>,
    %broadcast_in_dim3A_919 = arith.constant 0.000000e+00 : f32
    %broadcast_in_dim3A_920 = vector.broadcast %broadcast_in_dim3A_919 : f32 to vector<16xf32>
    %swap3A_921 = arith.constant 1408 : index
    %swap3A_922 = tpu.vector_load %arg12[%swap3A_921] {strides = array<i32>} : memref<4096xf32, #tpu.memory_space<vmem>>, vector<16xf32>,
    %swap3A_923 = vector.shape_cast %swap3A_922 : vector<16xf32> to vector<16xf32>
    %swap3A_924 = vector.shape_cast %broadcast_in_dim3A_920 : vector<16xf32> to vector<16xf32>
    tpu.vector_store %arg12[%swap3A_921], %swap3A_924 {strides = array<i32>} : memref<4096xf32, #tpu.memory_space<vmem>>, vector<16xf32>,
    %broadcast_in_dim3A_925 = arith.constant 0.000000e+00 : f32
    %broadcast_in_dim3A_926 = vector.broadcast %broadcast_in_dim3A_925 : f32 to vector<16xf32>
    %swap3A_927 = arith.constant 1424 : index
    %swap3A_928 = tpu.vector_load %arg12[%swap3A_927] {strides = array<i32>} : memref<4096xf32, #tpu.memory_space<vmem>>, vector<16xf32>,
    %swap3A_929 = vector.shape_cast %swap3A_928 : vector<16xf32> to vector<16xf32>
    %swap3A_930 = vector.shape_cast %broadcast_in_dim3A_926 : vector<16xf32> to vector<16xf32>
    tpu.vector_store %arg12[%swap3A_927], %swap3A_930 {strides = array<i32>} : memref<4096xf32, #tpu.memory_space<vmem>>, vector<16xf32>,
    %broadcast_in_dim3A_931 = arith.constant 0.000000e+00 : f32
    %broadcast_in_dim3A_932 = vector.broadcast %broadcast_in_dim3A_931 : f32 to vector<16xf32>
    %swap3A_933 = arith.constant 1440 : index
    %swap3A_934 = tpu.vector_load %arg12[%swap3A_933] {strides = array<i32>} : memref<4096xf32, #tpu.memory_space<vmem>>, vector<16xf32>,
    %swap3A_935 = vector.shape_cast %swap3A_934 : vector<16xf32> to vector<16xf32>
    %swap3A_936 = vector.shape_cast %broadcast_in_dim3A_932 : vector<16xf32> to vector<16xf32>
    tpu.vector_store %arg12[%swap3A_933], %swap3A_936 {strides = array<i32>} : memref<4096xf32, #tpu.memory_space<vmem>>, vector<16xf32>,
    %broadcast_in_dim3A_937 = arith.constant 0.000000e+00 : f32
    %broadcast_in_dim3A_938 = vector.broadcast %broadcast_in_dim3A_937 : f32 to vector<16xf32>
    %swap3A_939 = arith.constant 1456 : index
    %swap3A_940 = tpu.vector_load %arg12[%swap3A_939] {strides = array<i32>} : memref<4096xf32, #tpu.memory_space<vmem>>, vector<16xf32>,
    %swap3A_941 = vector.shape_cast %swap3A_940 : vector<16xf32> to vector<16xf32>
    %swap3A_942 = vector.shape_cast %broadcast_in_dim3A_938 : vector<16xf32> to vector<16xf32>
    tpu.vector_store %arg12[%swap3A_939], %swap3A_942 {strides = array<i32>} : memref<4096xf32, #tpu.memory_space<vmem>>, vector<16xf32>,
    %broadcast_in_dim3A_943 = arith.constant 0.000000e+00 : f32
    %broadcast_in_dim3A_944 = vector.broadcast %broadcast_in_dim3A_943 : f32 to vector<16xf32>
    %swap3A_945 = arith.constant 1472 : index
    %swap3A_946 = tpu.vector_load %arg12[%swap3A_945] {strides = array<i32>} : memref<4096xf32, #tpu.memory_space<vmem>>, vector<16xf32>,
    %swap3A_947 = vector.shape_cast %swap3A_946 : vector<16xf32> to vector<16xf32>
    %swap3A_948 = vector.shape_cast %broadcast_in_dim3A_944 : vector<16xf32> to vector<16xf32>
    tpu.vector_store %arg12[%swap3A_945], %swap3A_948 {strides = array<i32>} : memref<4096xf32, #tpu.memory_space<vmem>>, vector<16xf32>,
    %broadcast_in_dim3A_949 = arith.constant 0.000000e+00 : f32
    %broadcast_in_dim3A_950 = vector.broadcast %broadcast_in_dim3A_949 : f32 to vector<16xf32>
    %swap3A_951 = arith.constant 1488 : index
    %swap3A_952 = tpu.vector_load %arg12[%swap3A_951] {strides = array<i32>} : memref<4096xf32, #tpu.memory_space<vmem>>, vector<16xf32>,
    %swap3A_953 = vector.shape_cast %swap3A_952 : vector<16xf32> to vector<16xf32>
    %swap3A_954 = vector.shape_cast %broadcast_in_dim3A_950 : vector<16xf32> to vector<16xf32>
    tpu.vector_store %arg12[%swap3A_951], %swap3A_954 {strides = array<i32>} : memref<4096xf32, #tpu.memory_space<vmem>>, vector<16xf32>,
    %broadcast_in_dim3A_955 = arith.constant 0.000000e+00 : f32
    %broadcast_in_dim3A_956 = vector.broadcast %broadcast_in_dim3A_955 : f32 to vector<16xf32>
    %swap3A_957 = arith.constant 1504 : index
    %swap3A_958 = tpu.vector_load %arg12[%swap3A_957] {strides = array<i32>} : memref<4096xf32, #tpu.memory_space<vmem>>, vector<16xf32>,
    %swap3A_959 = vector.shape_cast %swap3A_958 : vector<16xf32> to vector<16xf32>
    %swap3A_960 = vector.shape_cast %broadcast_in_dim3A_956 : vector<16xf32> to vector<16xf32>
    tpu.vector_store %arg12[%swap3A_957], %swap3A_960 {strides = array<i32>} : memref<4096xf32, #tpu.memory_space<vmem>>, vector<16xf32>,
    %broadcast_in_dim3A_961 = arith.constant 0.000000e+00 : f32
    %broadcast_in_dim3A_962 = vector.broadcast %broadcast_in_dim3A_961 : f32 to vector<16xf32>
    %swap3A_963 = arith.constant 1520 : index
    %swap3A_964 = tpu.vector_load %arg12[%swap3A_963] {strides = array<i32>} : memref<4096xf32, #tpu.memory_space<vmem>>, vector<16xf32>,
    %swap3A_965 = vector.shape_cast %swap3A_964 : vector<16xf32> to vector<16xf32>
    %swap3A_966 = vector.shape_cast %broadcast_in_dim3A_962 : vector<16xf32> to vector<16xf32>
    tpu.vector_store %arg12[%swap3A_963], %swap3A_966 {strides = array<i32>} : memref<4096xf32, #tpu.memory_space<vmem>>, vector<16xf32>,
    %broadcast_in_dim3A_967 = arith.constant 0.000000e+00 : f32
    %broadcast_in_dim3A_968 = vector.broadcast %broadcast_in_dim3A_967 : f32 to vector<16xf32>
    %swap3A_969 = arith.constant 1536 : index
    %swap3A_970 = tpu.vector_load %arg12[%swap3A_969] {strides = array<i32>} : memref<4096xf32, #tpu.memory_space<vmem>>, vector<16xf32>,
    %swap3A_971 = vector.shape_cast %swap3A_970 : vector<16xf32> to vector<16xf32>
    %swap3A_972 = vector.shape_cast %broadcast_in_dim3A_968 : vector<16xf32> to vector<16xf32>
    tpu.vector_store %arg12[%swap3A_969], %swap3A_972 {strides = array<i32>} : memref<4096xf32, #tpu.memory_space<vmem>>, vector<16xf32>,
    %broadcast_in_dim3A_973 = arith.constant 0.000000e+00 : f32
    %broadcast_in_dim3A_974 = vector.broadcast %broadcast_in_dim3A_973 : f32 to vector<16xf32>
    %swap3A_975 = arith.constant 1552 : index
    %swap3A_976 = tpu.vector_load %arg12[%swap3A_975] {strides = array<i32>} : memref<4096xf32, #tpu.memory_space<vmem>>, vector<16xf32>,
    %swap3A_977 = vector.shape_cast %swap3A_976 : vector<16xf32> to vector<16xf32>
    %swap3A_978 = vector.shape_cast %broadcast_in_dim3A_974 : vector<16xf32> to vector<16xf32>
    tpu.vector_store %arg12[%swap3A_975], %swap3A_978 {strides = array<i32>} : memref<4096xf32, #tpu.memory_space<vmem>>, vector<16xf32>,
    %broadcast_in_dim3A_979 = arith.constant 0.000000e+00 : f32
    %broadcast_in_dim3A_980 = vector.broadcast %broadcast_in_dim3A_979 : f32 to vector<16xf32>
    %swap3A_981 = arith.constant 1568 : index
    %swap3A_982 = tpu.vector_load %arg12[%swap3A_981] {strides = array<i32>} : memref<4096xf32, #tpu.memory_space<vmem>>, vector<16xf32>,
    %swap3A_983 = vector.shape_cast %swap3A_982 : vector<16xf32> to vector<16xf32>
    %swap3A_984 = vector.shape_cast %broadcast_in_dim3A_980 : vector<16xf32> to vector<16xf32>
    tpu.vector_store %arg12[%swap3A_981], %swap3A_984 {strides = array<i32>} : memref<4096xf32, #tpu.memory_space<vmem>>, vector<16xf32>,
    %broadcast_in_dim3A_985 = arith.constant 0.000000e+00 : f32
    %broadcast_in_dim3A_986 = vector.broadcast %broadcast_in_dim3A_985 : f32 to vector<16xf32>
    %swap3A_987 = arith.constant 1584 : index
    %swap3A_988 = tpu.vector_load %arg12[%swap3A_987] {strides = array<i32>} : memref<4096xf32, #tpu.memory_space<vmem>>, vector<16xf32>,
    %swap3A_989 = vector.shape_cast %swap3A_988 : vector<16xf32> to vector<16xf32>
    %swap3A_990 = vector.shape_cast %broadcast_in_dim3A_986 : vector<16xf32> to vector<16xf32>
    tpu.vector_store %arg12[%swap3A_987], %swap3A_990 {strides = array<i32>} : memref<4096xf32, #tpu.memory_space<vmem>>, vector<16xf32>,
    %broadcast_in_dim3A_991 = arith.constant 0.000000e+00 : f32
    %broadcast_in_dim3A_992 = vector.broadcast %broadcast_in_dim3A_991 : f32 to vector<16xf32>
    %swap3A_993 = arith.constant 1600 : index
    %swap3A_994 = tpu.vector_load %arg12[%swap3A_993] {strides = array<i32>} : memref<4096xf32, #tpu.memory_space<vmem>>, vector<16xf32>,
    %swap3A_995 = vector.shape_cast %swap3A_994 : vector<16xf32> to vector<16xf32>
    %swap3A_996 = vector.shape_cast %broadcast_in_dim3A_992 : vector<16xf32> to vector<16xf32>
    tpu.vector_store %arg12[%swap3A_993], %swap3A_996 {strides = array<i32>} : memref<4096xf32, #tpu.memory_space<vmem>>, vector<16xf32>,
    %broadcast_in_dim3A_997 = arith.constant 0.000000e+00 : f32
    %broadcast_in_dim3A_998 = vector.broadcast %broadcast_in_dim3A_997 : f32 to vector<16xf32>
    %swap3A_999 = arith.constant 1616 : index
    %swap3A_1000 = tpu.vector_load %arg12[%swap3A_999] {strides = array<i32>} : memref<4096xf32, #tpu.memory_space<vmem>>, vector<16xf32>,
    %swap3A_1001 = vector.shape_cast %swap3A_1000 : vector<16xf32> to vector<16xf32>
    %swap3A_1002 = vector.shape_cast %broadcast_in_dim3A_998 : vector<16xf32> to vector<16xf32>
    tpu.vector_store %arg12[%swap3A_999], %swap3A_1002 {strides = array<i32>} : memref<4096xf32, #tpu.memory_space<vmem>>, vector<16xf32>,
    %broadcast_in_dim3A_1003 = arith.constant 0.000000e+00 : f32
    %broadcast_in_dim3A_1004 = vector.broadcast %broadcast_in_dim3A_1003 : f32 to vector<16xf32>
    %swap3A_1005 = arith.constant 1632 : index
    %swap3A_1006 = tpu.vector_load %arg12[%swap3A_1005] {strides = array<i32>} : memref<4096xf32, #tpu.memory_space<vmem>>, vector<16xf32>,
    %swap3A_1007 = vector.shape_cast %swap3A_1006 : vector<16xf32> to vector<16xf32>
    %swap3A_1008 = vector.shape_cast %broadcast_in_dim3A_1004 : vector<16xf32> to vector<16xf32>
    tpu.vector_store %arg12[%swap3A_1005], %swap3A_1008 {strides = array<i32>} : memref<4096xf32, #tpu.memory_space<vmem>>, vector<16xf32>,
    %broadcast_in_dim3A_1009 = arith.constant 0.000000e+00 : f32
    %broadcast_in_dim3A_1010 = vector.broadcast %broadcast_in_dim3A_1009 : f32 to vector<16xf32>
    %swap3A_1011 = arith.constant 1648 : index
    %swap3A_1012 = tpu.vector_load %arg12[%swap3A_1011] {strides = array<i32>} : memref<4096xf32, #tpu.memory_space<vmem>>, vector<16xf32>,
    %swap3A_1013 = vector.shape_cast %swap3A_1012 : vector<16xf32> to vector<16xf32>
    %swap3A_1014 = vector.shape_cast %broadcast_in_dim3A_1010 : vector<16xf32> to vector<16xf32>
    tpu.vector_store %arg12[%swap3A_1011], %swap3A_1014 {strides = array<i32>} : memref<4096xf32, #tpu.memory_space<vmem>>, vector<16xf32>,
    %broadcast_in_dim3A_1015 = arith.constant 0.000000e+00 : f32
    %broadcast_in_dim3A_1016 = vector.broadcast %broadcast_in_dim3A_1015 : f32 to vector<16xf32>
    %swap3A_1017 = arith.constant 1664 : index
    %swap3A_1018 = tpu.vector_load %arg12[%swap3A_1017] {strides = array<i32>} : memref<4096xf32, #tpu.memory_space<vmem>>, vector<16xf32>,
    %swap3A_1019 = vector.shape_cast %swap3A_1018 : vector<16xf32> to vector<16xf32>
    %swap3A_1020 = vector.shape_cast %broadcast_in_dim3A_1016 : vector<16xf32> to vector<16xf32>
    tpu.vector_store %arg12[%swap3A_1017], %swap3A_1020 {strides = array<i32>} : memref<4096xf32, #tpu.memory_space<vmem>>, vector<16xf32>,
    %broadcast_in_dim3A_1021 = arith.constant 0.000000e+00 : f32
    %broadcast_in_dim3A_1022 = vector.broadcast %broadcast_in_dim3A_1021 : f32 to vector<16xf32>
    %swap3A_1023 = arith.constant 1680 : index
    %swap3A_1024 = tpu.vector_load %arg12[%swap3A_1023] {strides = array<i32>} : memref<4096xf32, #tpu.memory_space<vmem>>, vector<16xf32>,
    %swap3A_1025 = vector.shape_cast %swap3A_1024 : vector<16xf32> to vector<16xf32>
    %swap3A_1026 = vector.shape_cast %broadcast_in_dim3A_1022 : vector<16xf32> to vector<16xf32>
    tpu.vector_store %arg12[%swap3A_1023], %swap3A_1026 {strides = array<i32>} : memref<4096xf32, #tpu.memory_space<vmem>>, vector<16xf32>,
    %broadcast_in_dim3A_1027 = arith.constant 0.000000e+00 : f32
    %broadcast_in_dim3A_1028 = vector.broadcast %broadcast_in_dim3A_1027 : f32 to vector<16xf32>
    %swap3A_1029 = arith.constant 1696 : index
    %swap3A_1030 = tpu.vector_load %arg12[%swap3A_1029] {strides = array<i32>} : memref<4096xf32, #tpu.memory_space<vmem>>, vector<16xf32>,
    %swap3A_1031 = vector.shape_cast %swap3A_1030 : vector<16xf32> to vector<16xf32>
    %swap3A_1032 = vector.shape_cast %broadcast_in_dim3A_1028 : vector<16xf32> to vector<16xf32>
    tpu.vector_store %arg12[%swap3A_1029], %swap3A_1032 {strides = array<i32>} : memref<4096xf32, #tpu.memory_space<vmem>>, vector<16xf32>,
    %broadcast_in_dim3A_1033 = arith.constant 0.000000e+00 : f32
    %broadcast_in_dim3A_1034 = vector.broadcast %broadcast_in_dim3A_1033 : f32 to vector<16xf32>
    %swap3A_1035 = arith.constant 1712 : index
    %swap3A_1036 = tpu.vector_load %arg12[%swap3A_1035] {strides = array<i32>} : memref<4096xf32, #tpu.memory_space<vmem>>, vector<16xf32>,
    %swap3A_1037 = vector.shape_cast %swap3A_1036 : vector<16xf32> to vector<16xf32>
    %swap3A_1038 = vector.shape_cast %broadcast_in_dim3A_1034 : vector<16xf32> to vector<16xf32>
    tpu.vector_store %arg12[%swap3A_1035], %swap3A_1038 {strides = array<i32>} : memref<4096xf32, #tpu.memory_space<vmem>>, vector<16xf32>,
    %broadcast_in_dim3A_1039 = arith.constant 0.000000e+00 : f32
    %broadcast_in_dim3A_1040 = vector.broadcast %broadcast_in_dim3A_1039 : f32 to vector<16xf32>
    %swap3A_1041 = arith.constant 1728 : index
    %swap3A_1042 = tpu.vector_load %arg12[%swap3A_1041] {strides = array<i32>} : memref<4096xf32, #tpu.memory_space<vmem>>, vector<16xf32>,
    %swap3A_1043 = vector.shape_cast %swap3A_1042 : vector<16xf32> to vector<16xf32>
    %swap3A_1044 = vector.shape_cast %broadcast_in_dim3A_1040 : vector<16xf32> to vector<16xf32>
    tpu.vector_store %arg12[%swap3A_1041], %swap3A_1044 {strides = array<i32>} : memref<4096xf32, #tpu.memory_space<vmem>>, vector<16xf32>,
    %broadcast_in_dim3A_1045 = arith.constant 0.000000e+00 : f32
    %broadcast_in_dim3A_1046 = vector.broadcast %broadcast_in_dim3A_1045 : f32 to vector<16xf32>
    %swap3A_1047 = arith.constant 1744 : index
    %swap3A_1048 = tpu.vector_load %arg12[%swap3A_1047] {strides = array<i32>} : memref<4096xf32, #tpu.memory_space<vmem>>, vector<16xf32>,
    %swap3A_1049 = vector.shape_cast %swap3A_1048 : vector<16xf32> to vector<16xf32>
    %swap3A_1050 = vector.shape_cast %broadcast_in_dim3A_1046 : vector<16xf32> to vector<16xf32>
    tpu.vector_store %arg12[%swap3A_1047], %swap3A_1050 {strides = array<i32>} : memref<4096xf32, #tpu.memory_space<vmem>>, vector<16xf32>,
    %broadcast_in_dim3A_1051 = arith.constant 0.000000e+00 : f32
    %broadcast_in_dim3A_1052 = vector.broadcast %broadcast_in_dim3A_1051 : f32 to vector<16xf32>
    %swap3A_1053 = arith.constant 1760 : index
    %swap3A_1054 = tpu.vector_load %arg12[%swap3A_1053] {strides = array<i32>} : memref<4096xf32, #tpu.memory_space<vmem>>, vector<16xf32>,
    %swap3A_1055 = vector.shape_cast %swap3A_1054 : vector<16xf32> to vector<16xf32>
    %swap3A_1056 = vector.shape_cast %broadcast_in_dim3A_1052 : vector<16xf32> to vector<16xf32>
    tpu.vector_store %arg12[%swap3A_1053], %swap3A_1056 {strides = array<i32>} : memref<4096xf32, #tpu.memory_space<vmem>>, vector<16xf32>,
    %broadcast_in_dim3A_1057 = arith.constant 0.000000e+00 : f32
    %broadcast_in_dim3A_1058 = vector.broadcast %broadcast_in_dim3A_1057 : f32 to vector<16xf32>
    %swap3A_1059 = arith.constant 1776 : index
    %swap3A_1060 = tpu.vector_load %arg12[%swap3A_1059] {strides = array<i32>} : memref<4096xf32, #tpu.memory_space<vmem>>, vector<16xf32>,
    %swap3A_1061 = vector.shape_cast %swap3A_1060 : vector<16xf32> to vector<16xf32>
    %swap3A_1062 = vector.shape_cast %broadcast_in_dim3A_1058 : vector<16xf32> to vector<16xf32>
    tpu.vector_store %arg12[%swap3A_1059], %swap3A_1062 {strides = array<i32>} : memref<4096xf32, #tpu.memory_space<vmem>>, vector<16xf32>,
    %broadcast_in_dim3A_1063 = arith.constant 0.000000e+00 : f32
    %broadcast_in_dim3A_1064 = vector.broadcast %broadcast_in_dim3A_1063 : f32 to vector<16xf32>
    %swap3A_1065 = arith.constant 1792 : index
    %swap3A_1066 = tpu.vector_load %arg12[%swap3A_1065] {strides = array<i32>} : memref<4096xf32, #tpu.memory_space<vmem>>, vector<16xf32>,
    %swap3A_1067 = vector.shape_cast %swap3A_1066 : vector<16xf32> to vector<16xf32>
    %swap3A_1068 = vector.shape_cast %broadcast_in_dim3A_1064 : vector<16xf32> to vector<16xf32>
    tpu.vector_store %arg12[%swap3A_1065], %swap3A_1068 {strides = array<i32>} : memref<4096xf32, #tpu.memory_space<vmem>>, vector<16xf32>,
    %broadcast_in_dim3A_1069 = arith.constant 0.000000e+00 : f32
    %broadcast_in_dim3A_1070 = vector.broadcast %broadcast_in_dim3A_1069 : f32 to vector<16xf32>
    %swap3A_1071 = arith.constant 1808 : index
    %swap3A_1072 = tpu.vector_load %arg12[%swap3A_1071] {strides = array<i32>} : memref<4096xf32, #tpu.memory_space<vmem>>, vector<16xf32>,
    %swap3A_1073 = vector.shape_cast %swap3A_1072 : vector<16xf32> to vector<16xf32>
    %swap3A_1074 = vector.shape_cast %broadcast_in_dim3A_1070 : vector<16xf32> to vector<16xf32>
    tpu.vector_store %arg12[%swap3A_1071], %swap3A_1074 {strides = array<i32>} : memref<4096xf32, #tpu.memory_space<vmem>>, vector<16xf32>,
    %broadcast_in_dim3A_1075 = arith.constant 0.000000e+00 : f32
    %broadcast_in_dim3A_1076 = vector.broadcast %broadcast_in_dim3A_1075 : f32 to vector<16xf32>
    %swap3A_1077 = arith.constant 1824 : index
    %swap3A_1078 = tpu.vector_load %arg12[%swap3A_1077] {strides = array<i32>} : memref<4096xf32, #tpu.memory_space<vmem>>, vector<16xf32>,
    %swap3A_1079 = vector.shape_cast %swap3A_1078 : vector<16xf32> to vector<16xf32>
    %swap3A_1080 = vector.shape_cast %broadcast_in_dim3A_1076 : vector<16xf32> to vector<16xf32>
    tpu.vector_store %arg12[%swap3A_1077], %swap3A_1080 {strides = array<i32>} : memref<4096xf32, #tpu.memory_space<vmem>>, vector<16xf32>,
    %broadcast_in_dim3A_1081 = arith.constant 0.000000e+00 : f32
    %broadcast_in_dim3A_1082 = vector.broadcast %broadcast_in_dim3A_1081 : f32 to vector<16xf32>
    %swap3A_1083 = arith.constant 1840 : index
    %swap3A_1084 = tpu.vector_load %arg12[%swap3A_1083] {strides = array<i32>} : memref<4096xf32, #tpu.memory_space<vmem>>, vector<16xf32>,
    %swap3A_1085 = vector.shape_cast %swap3A_1084 : vector<16xf32> to vector<16xf32>
    %swap3A_1086 = vector.shape_cast %broadcast_in_dim3A_1082 : vector<16xf32> to vector<16xf32>
    tpu.vector_store %arg12[%swap3A_1083], %swap3A_1086 {strides = array<i32>} : memref<4096xf32, #tpu.memory_space<vmem>>, vector<16xf32>,
    %broadcast_in_dim3A_1087 = arith.constant 0.000000e+00 : f32
    %broadcast_in_dim3A_1088 = vector.broadcast %broadcast_in_dim3A_1087 : f32 to vector<16xf32>
    %swap3A_1089 = arith.constant 1856 : index
    %swap3A_1090 = tpu.vector_load %arg12[%swap3A_1089] {strides = array<i32>} : memref<4096xf32, #tpu.memory_space<vmem>>, vector<16xf32>,
    %swap3A_1091 = vector.shape_cast %swap3A_1090 : vector<16xf32> to vector<16xf32>
    %swap3A_1092 = vector.shape_cast %broadcast_in_dim3A_1088 : vector<16xf32> to vector<16xf32>
    tpu.vector_store %arg12[%swap3A_1089], %swap3A_1092 {strides = array<i32>} : memref<4096xf32, #tpu.memory_space<vmem>>, vector<16xf32>,
    %broadcast_in_dim3A_1093 = arith.constant 0.000000e+00 : f32
    %broadcast_in_dim3A_1094 = vector.broadcast %broadcast_in_dim3A_1093 : f32 to vector<16xf32>
    %swap3A_1095 = arith.constant 1872 : index
    %swap3A_1096 = tpu.vector_load %arg12[%swap3A_1095] {strides = array<i32>} : memref<4096xf32, #tpu.memory_space<vmem>>, vector<16xf32>,
    %swap3A_1097 = vector.shape_cast %swap3A_1096 : vector<16xf32> to vector<16xf32>
    %swap3A_1098 = vector.shape_cast %broadcast_in_dim3A_1094 : vector<16xf32> to vector<16xf32>
    tpu.vector_store %arg12[%swap3A_1095], %swap3A_1098 {strides = array<i32>} : memref<4096xf32, #tpu.memory_space<vmem>>, vector<16xf32>,
    %broadcast_in_dim3A_1099 = arith.constant 0.000000e+00 : f32
    %broadcast_in_dim3A_1100 = vector.broadcast %broadcast_in_dim3A_1099 : f32 to vector<16xf32>
    %swap3A_1101 = arith.constant 1888 : index
    %swap3A_1102 = tpu.vector_load %arg12[%swap3A_1101] {strides = array<i32>} : memref<4096xf32, #tpu.memory_space<vmem>>, vector<16xf32>,
    %swap3A_1103 = vector.shape_cast %swap3A_1102 : vector<16xf32> to vector<16xf32>
    %swap3A_1104 = vector.shape_cast %broadcast_in_dim3A_1100 : vector<16xf32> to vector<16xf32>
    tpu.vector_store %arg12[%swap3A_1101], %swap3A_1104 {strides = array<i32>} : memref<4096xf32, #tpu.memory_space<vmem>>, vector<16xf32>,
    %broadcast_in_dim3A_1105 = arith.constant 0.000000e+00 : f32
    %broadcast_in_dim3A_1106 = vector.broadcast %broadcast_in_dim3A_1105 : f32 to vector<16xf32>
    %swap3A_1107 = arith.constant 1904 : index
    %swap3A_1108 = tpu.vector_load %arg12[%swap3A_1107] {strides = array<i32>} : memref<4096xf32, #tpu.memory_space<vmem>>, vector<16xf32>,
    %swap3A_1109 = vector.shape_cast %swap3A_1108 : vector<16xf32> to vector<16xf32>
    %swap3A_1110 = vector.shape_cast %broadcast_in_dim3A_1106 : vector<16xf32> to vector<16xf32>
    tpu.vector_store %arg12[%swap3A_1107], %swap3A_1110 {strides = array<i32>} : memref<4096xf32, #tpu.memory_space<vmem>>, vector<16xf32>,
    %broadcast_in_dim3A_1111 = arith.constant 0.000000e+00 : f32
    %broadcast_in_dim3A_1112 = vector.broadcast %broadcast_in_dim3A_1111 : f32 to vector<16xf32>
    %swap3A_1113 = arith.constant 1920 : index
    %swap3A_1114 = tpu.vector_load %arg12[%swap3A_1113] {strides = array<i32>} : memref<4096xf32, #tpu.memory_space<vmem>>, vector<16xf32>,
    %swap3A_1115 = vector.shape_cast %swap3A_1114 : vector<16xf32> to vector<16xf32>
    %swap3A_1116 = vector.shape_cast %broadcast_in_dim3A_1112 : vector<16xf32> to vector<16xf32>
    tpu.vector_store %arg12[%swap3A_1113], %swap3A_1116 {strides = array<i32>} : memref<4096xf32, #tpu.memory_space<vmem>>, vector<16xf32>,
    %broadcast_in_dim3A_1117 = arith.constant 0.000000e+00 : f32
    %broadcast_in_dim3A_1118 = vector.broadcast %broadcast_in_dim3A_1117 : f32 to vector<16xf32>
    %swap3A_1119 = arith.constant 1936 : index
    %swap3A_1120 = tpu.vector_load %arg12[%swap3A_1119] {strides = array<i32>} : memref<4096xf32, #tpu.memory_space<vmem>>, vector<16xf32>,
    %swap3A_1121 = vector.shape_cast %swap3A_1120 : vector<16xf32> to vector<16xf32>
    %swap3A_1122 = vector.shape_cast %broadcast_in_dim3A_1118 : vector<16xf32> to vector<16xf32>
    tpu.vector_store %arg12[%swap3A_1119], %swap3A_1122 {strides = array<i32>} : memref<4096xf32, #tpu.memory_space<vmem>>, vector<16xf32>,
    %broadcast_in_dim3A_1123 = arith.constant 0.000000e+00 : f32
    %broadcast_in_dim3A_1124 = vector.broadcast %broadcast_in_dim3A_1123 : f32 to vector<16xf32>
    %swap3A_1125 = arith.constant 1952 : index
    %swap3A_1126 = tpu.vector_load %arg12[%swap3A_1125] {strides = array<i32>} : memref<4096xf32, #tpu.memory_space<vmem>>, vector<16xf32>,
    %swap3A_1127 = vector.shape_cast %swap3A_1126 : vector<16xf32> to vector<16xf32>
    %swap3A_1128 = vector.shape_cast %broadcast_in_dim3A_1124 : vector<16xf32> to vector<16xf32>
    tpu.vector_store %arg12[%swap3A_1125], %swap3A_1128 {strides = array<i32>} : memref<4096xf32, #tpu.memory_space<vmem>>, vector<16xf32>,
    %broadcast_in_dim3A_1129 = arith.constant 0.000000e+00 : f32
    %broadcast_in_dim3A_1130 = vector.broadcast %broadcast_in_dim3A_1129 : f32 to vector<16xf32>
    %swap3A_1131 = arith.constant 1968 : index
    %swap3A_1132 = tpu.vector_load %arg12[%swap3A_1131] {strides = array<i32>} : memref<4096xf32, #tpu.memory_space<vmem>>, vector<16xf32>,
    %swap3A_1133 = vector.shape_cast %swap3A_1132 : vector<16xf32> to vector<16xf32>
    %swap3A_1134 = vector.shape_cast %broadcast_in_dim3A_1130 : vector<16xf32> to vector<16xf32>
    tpu.vector_store %arg12[%swap3A_1131], %swap3A_1134 {strides = array<i32>} : memref<4096xf32, #tpu.memory_space<vmem>>, vector<16xf32>,
    %broadcast_in_dim3A_1135 = arith.constant 0.000000e+00 : f32
    %broadcast_in_dim3A_1136 = vector.broadcast %broadcast_in_dim3A_1135 : f32 to vector<16xf32>
    %swap3A_1137 = arith.constant 1984 : index
    %swap3A_1138 = tpu.vector_load %arg12[%swap3A_1137] {strides = array<i32>} : memref<4096xf32, #tpu.memory_space<vmem>>, vector<16xf32>,
    %swap3A_1139 = vector.shape_cast %swap3A_1138 : vector<16xf32> to vector<16xf32>
    %swap3A_1140 = vector.shape_cast %broadcast_in_dim3A_1136 : vector<16xf32> to vector<16xf32>
    tpu.vector_store %arg12[%swap3A_1137], %swap3A_1140 {strides = array<i32>} : memref<4096xf32, #tpu.memory_space<vmem>>, vector<16xf32>,
    %broadcast_in_dim3A_1141 = arith.constant 0.000000e+00 : f32
    %broadcast_in_dim3A_1142 = vector.broadcast %broadcast_in_dim3A_1141 : f32 to vector<16xf32>
    %swap3A_1143 = arith.constant 2000 : index
    %swap3A_1144 = tpu.vector_load %arg12[%swap3A_1143] {strides = array<i32>} : memref<4096xf32, #tpu.memory_space<vmem>>, vector<16xf32>,
    %swap3A_1145 = vector.shape_cast %swap3A_1144 : vector<16xf32> to vector<16xf32>
    %swap3A_1146 = vector.shape_cast %broadcast_in_dim3A_1142 : vector<16xf32> to vector<16xf32>
    tpu.vector_store %arg12[%swap3A_1143], %swap3A_1146 {strides = array<i32>} : memref<4096xf32, #tpu.memory_space<vmem>>, vector<16xf32>,
    %broadcast_in_dim3A_1147 = arith.constant 0.000000e+00 : f32
    %broadcast_in_dim3A_1148 = vector.broadcast %broadcast_in_dim3A_1147 : f32 to vector<16xf32>
    %swap3A_1149 = arith.constant 2016 : index
    %swap3A_1150 = tpu.vector_load %arg12[%swap3A_1149] {strides = array<i32>} : memref<4096xf32, #tpu.memory_space<vmem>>, vector<16xf32>,
    %swap3A_1151 = vector.shape_cast %swap3A_1150 : vector<16xf32> to vector<16xf32>
    %swap3A_1152 = vector.shape_cast %broadcast_in_dim3A_1148 : vector<16xf32> to vector<16xf32>
    tpu.vector_store %arg12[%swap3A_1149], %swap3A_1152 {strides = array<i32>} : memref<4096xf32, #tpu.memory_space<vmem>>, vector<16xf32>,
    %broadcast_in_dim3A_1153 = arith.constant 0.000000e+00 : f32
    %broadcast_in_dim3A_1154 = vector.broadcast %broadcast_in_dim3A_1153 : f32 to vector<16xf32>
    %swap3A_1155 = arith.constant 2032 : index
    %swap3A_1156 = tpu.vector_load %arg12[%swap3A_1155] {strides = array<i32>} : memref<4096xf32, #tpu.memory_space<vmem>>, vector<16xf32>,
    %swap3A_1157 = vector.shape_cast %swap3A_1156 : vector<16xf32> to vector<16xf32>
    %swap3A_1158 = vector.shape_cast %broadcast_in_dim3A_1154 : vector<16xf32> to vector<16xf32>
    tpu.vector_store %arg12[%swap3A_1155], %swap3A_1158 {strides = array<i32>} : memref<4096xf32, #tpu.memory_space<vmem>>, vector<16xf32>,
    %broadcast_in_dim3A_1159 = arith.constant 0.000000e+00 : f32
    %broadcast_in_dim3A_1160 = vector.broadcast %broadcast_in_dim3A_1159 : f32 to vector<16xf32>
    %swap3A_1161 = arith.constant 2048 : index
    %swap3A_1162 = tpu.vector_load %arg12[%swap3A_1161] {strides = array<i32>} : memref<4096xf32, #tpu.memory_space<vmem>>, vector<16xf32>,
    %swap3A_1163 = vector.shape_cast %swap3A_1162 : vector<16xf32> to vector<16xf32>
    %swap3A_1164 = vector.shape_cast %broadcast_in_dim3A_1160 : vector<16xf32> to vector<16xf32>
    tpu.vector_store %arg12[%swap3A_1161], %swap3A_1164 {strides = array<i32>} : memref<4096xf32, #tpu.memory_space<vmem>>, vector<16xf32>,
    %broadcast_in_dim3A_1165 = arith.constant 0.000000e+00 : f32
    %broadcast_in_dim3A_1166 = vector.broadcast %broadcast_in_dim3A_1165 : f32 to vector<16xf32>
    %swap3A_1167 = arith.constant 2064 : index
    %swap3A_1168 = tpu.vector_load %arg12[%swap3A_1167] {strides = array<i32>} : memref<4096xf32, #tpu.memory_space<vmem>>, vector<16xf32>,
    %swap3A_1169 = vector.shape_cast %swap3A_1168 : vector<16xf32> to vector<16xf32>
    %swap3A_1170 = vector.shape_cast %broadcast_in_dim3A_1166 : vector<16xf32> to vector<16xf32>
    tpu.vector_store %arg12[%swap3A_1167], %swap3A_1170 {strides = array<i32>} : memref<4096xf32, #tpu.memory_space<vmem>>, vector<16xf32>,
    %broadcast_in_dim3A_1171 = arith.constant 0.000000e+00 : f32
    %broadcast_in_dim3A_1172 = vector.broadcast %broadcast_in_dim3A_1171 : f32 to vector<16xf32>
    %swap3A_1173 = arith.constant 2080 : index
    %swap3A_1174 = tpu.vector_load %arg12[%swap3A_1173] {strides = array<i32>} : memref<4096xf32, #tpu.memory_space<vmem>>, vector<16xf32>,
    %swap3A_1175 = vector.shape_cast %swap3A_1174 : vector<16xf32> to vector<16xf32>
    %swap3A_1176 = vector.shape_cast %broadcast_in_dim3A_1172 : vector<16xf32> to vector<16xf32>
    tpu.vector_store %arg12[%swap3A_1173], %swap3A_1176 {strides = array<i32>} : memref<4096xf32, #tpu.memory_space<vmem>>, vector<16xf32>,
    %broadcast_in_dim3A_1177 = arith.constant 0.000000e+00 : f32
    %broadcast_in_dim3A_1178 = vector.broadcast %broadcast_in_dim3A_1177 : f32 to vector<16xf32>
    %swap3A_1179 = arith.constant 2096 : index
    %swap3A_1180 = tpu.vector_load %arg12[%swap3A_1179] {strides = array<i32>} : memref<4096xf32, #tpu.memory_space<vmem>>, vector<16xf32>,
    %swap3A_1181 = vector.shape_cast %swap3A_1180 : vector<16xf32> to vector<16xf32>
    %swap3A_1182 = vector.shape_cast %broadcast_in_dim3A_1178 : vector<16xf32> to vector<16xf32>
    tpu.vector_store %arg12[%swap3A_1179], %swap3A_1182 {strides = array<i32>} : memref<4096xf32, #tpu.memory_space<vmem>>, vector<16xf32>,
    %broadcast_in_dim3A_1183 = arith.constant 0.000000e+00 : f32
    %broadcast_in_dim3A_1184 = vector.broadcast %broadcast_in_dim3A_1183 : f32 to vector<16xf32>
    %swap3A_1185 = arith.constant 2112 : index
    %swap3A_1186 = tpu.vector_load %arg12[%swap3A_1185] {strides = array<i32>} : memref<4096xf32, #tpu.memory_space<vmem>>, vector<16xf32>,
    %swap3A_1187 = vector.shape_cast %swap3A_1186 : vector<16xf32> to vector<16xf32>
    %swap3A_1188 = vector.shape_cast %broadcast_in_dim3A_1184 : vector<16xf32> to vector<16xf32>
    tpu.vector_store %arg12[%swap3A_1185], %swap3A_1188 {strides = array<i32>} : memref<4096xf32, #tpu.memory_space<vmem>>, vector<16xf32>,
    %broadcast_in_dim3A_1189 = arith.constant 0.000000e+00 : f32
    %broadcast_in_dim3A_1190 = vector.broadcast %broadcast_in_dim3A_1189 : f32 to vector<16xf32>
    %swap3A_1191 = arith.constant 2128 : index
    %swap3A_1192 = tpu.vector_load %arg12[%swap3A_1191] {strides = array<i32>} : memref<4096xf32, #tpu.memory_space<vmem>>, vector<16xf32>,
    %swap3A_1193 = vector.shape_cast %swap3A_1192 : vector<16xf32> to vector<16xf32>
    %swap3A_1194 = vector.shape_cast %broadcast_in_dim3A_1190 : vector<16xf32> to vector<16xf32>
    tpu.vector_store %arg12[%swap3A_1191], %swap3A_1194 {strides = array<i32>} : memref<4096xf32, #tpu.memory_space<vmem>>, vector<16xf32>,
    %broadcast_in_dim3A_1195 = arith.constant 0.000000e+00 : f32
    %broadcast_in_dim3A_1196 = vector.broadcast %broadcast_in_dim3A_1195 : f32 to vector<16xf32>
    %swap3A_1197 = arith.constant 2144 : index
    %swap3A_1198 = tpu.vector_load %arg12[%swap3A_1197] {strides = array<i32>} : memref<4096xf32, #tpu.memory_space<vmem>>, vector<16xf32>,
    %swap3A_1199 = vector.shape_cast %swap3A_1198 : vector<16xf32> to vector<16xf32>
    %swap3A_1200 = vector.shape_cast %broadcast_in_dim3A_1196 : vector<16xf32> to vector<16xf32>
    tpu.vector_store %arg12[%swap3A_1197], %swap3A_1200 {strides = array<i32>} : memref<4096xf32, #tpu.memory_space<vmem>>, vector<16xf32>,
    %broadcast_in_dim3A_1201 = arith.constant 0.000000e+00 : f32
    %broadcast_in_dim3A_1202 = vector.broadcast %broadcast_in_dim3A_1201 : f32 to vector<16xf32>
    %swap3A_1203 = arith.constant 2160 : index
    %swap3A_1204 = tpu.vector_load %arg12[%swap3A_1203] {strides = array<i32>} : memref<4096xf32, #tpu.memory_space<vmem>>, vector<16xf32>,
    %swap3A_1205 = vector.shape_cast %swap3A_1204 : vector<16xf32> to vector<16xf32>
    %swap3A_1206 = vector.shape_cast %broadcast_in_dim3A_1202 : vector<16xf32> to vector<16xf32>
    tpu.vector_store %arg12[%swap3A_1203], %swap3A_1206 {strides = array<i32>} : memref<4096xf32, #tpu.memory_space<vmem>>, vector<16xf32>,
    %broadcast_in_dim3A_1207 = arith.constant 0.000000e+00 : f32
    %broadcast_in_dim3A_1208 = vector.broadcast %broadcast_in_dim3A_1207 : f32 to vector<16xf32>
    %swap3A_1209 = arith.constant 2176 : index
    %swap3A_1210 = tpu.vector_load %arg12[%swap3A_1209] {strides = array<i32>} : memref<4096xf32, #tpu.memory_space<vmem>>, vector<16xf32>,
    %swap3A_1211 = vector.shape_cast %swap3A_1210 : vector<16xf32> to vector<16xf32>
    %swap3A_1212 = vector.shape_cast %broadcast_in_dim3A_1208 : vector<16xf32> to vector<16xf32>
    tpu.vector_store %arg12[%swap3A_1209], %swap3A_1212 {strides = array<i32>} : memref<4096xf32, #tpu.memory_space<vmem>>, vector<16xf32>,
    %broadcast_in_dim3A_1213 = arith.constant 0.000000e+00 : f32
    %broadcast_in_dim3A_1214 = vector.broadcast %broadcast_in_dim3A_1213 : f32 to vector<16xf32>
    %swap3A_1215 = arith.constant 2192 : index
    %swap3A_1216 = tpu.vector_load %arg12[%swap3A_1215] {strides = array<i32>} : memref<4096xf32, #tpu.memory_space<vmem>>, vector<16xf32>,
    %swap3A_1217 = vector.shape_cast %swap3A_1216 : vector<16xf32> to vector<16xf32>
    %swap3A_1218 = vector.shape_cast %broadcast_in_dim3A_1214 : vector<16xf32> to vector<16xf32>
    tpu.vector_store %arg12[%swap3A_1215], %swap3A_1218 {strides = array<i32>} : memref<4096xf32, #tpu.memory_space<vmem>>, vector<16xf32>,
    %broadcast_in_dim3A_1219 = arith.constant 0.000000e+00 : f32
    %broadcast_in_dim3A_1220 = vector.broadcast %broadcast_in_dim3A_1219 : f32 to vector<16xf32>
    %swap3A_1221 = arith.constant 2208 : index
    %swap3A_1222 = tpu.vector_load %arg12[%swap3A_1221] {strides = array<i32>} : memref<4096xf32, #tpu.memory_space<vmem>>, vector<16xf32>,
    %swap3A_1223 = vector.shape_cast %swap3A_1222 : vector<16xf32> to vector<16xf32>
    %swap3A_1224 = vector.shape_cast %broadcast_in_dim3A_1220 : vector<16xf32> to vector<16xf32>
    tpu.vector_store %arg12[%swap3A_1221], %swap3A_1224 {strides = array<i32>} : memref<4096xf32, #tpu.memory_space<vmem>>, vector<16xf32>,
    %broadcast_in_dim3A_1225 = arith.constant 0.000000e+00 : f32
    %broadcast_in_dim3A_1226 = vector.broadcast %broadcast_in_dim3A_1225 : f32 to vector<16xf32>
    %swap3A_1227 = arith.constant 2224 : index
    %swap3A_1228 = tpu.vector_load %arg12[%swap3A_1227] {strides = array<i32>} : memref<4096xf32, #tpu.memory_space<vmem>>, vector<16xf32>,
    %swap3A_1229 = vector.shape_cast %swap3A_1228 : vector<16xf32> to vector<16xf32>
    %swap3A_1230 = vector.shape_cast %broadcast_in_dim3A_1226 : vector<16xf32> to vector<16xf32>
    tpu.vector_store %arg12[%swap3A_1227], %swap3A_1230 {strides = array<i32>} : memref<4096xf32, #tpu.memory_space<vmem>>, vector<16xf32>,
    %broadcast_in_dim3A_1231 = arith.constant 0.000000e+00 : f32
    %broadcast_in_dim3A_1232 = vector.broadcast %broadcast_in_dim3A_1231 : f32 to vector<16xf32>
    %swap3A_1233 = arith.constant 2240 : index
    %swap3A_1234 = tpu.vector_load %arg12[%swap3A_1233] {strides = array<i32>} : memref<4096xf32, #tpu.memory_space<vmem>>, vector<16xf32>,
    %swap3A_1235 = vector.shape_cast %swap3A_1234 : vector<16xf32> to vector<16xf32>
    %swap3A_1236 = vector.shape_cast %broadcast_in_dim3A_1232 : vector<16xf32> to vector<16xf32>
    tpu.vector_store %arg12[%swap3A_1233], %swap3A_1236 {strides = array<i32>} : memref<4096xf32, #tpu.memory_space<vmem>>, vector<16xf32>,
    %broadcast_in_dim3A_1237 = arith.constant 0.000000e+00 : f32
    %broadcast_in_dim3A_1238 = vector.broadcast %broadcast_in_dim3A_1237 : f32 to vector<16xf32>
    %swap3A_1239 = arith.constant 2256 : index
    %swap3A_1240 = tpu.vector_load %arg12[%swap3A_1239] {strides = array<i32>} : memref<4096xf32, #tpu.memory_space<vmem>>, vector<16xf32>,
    %swap3A_1241 = vector.shape_cast %swap3A_1240 : vector<16xf32> to vector<16xf32>
    %swap3A_1242 = vector.shape_cast %broadcast_in_dim3A_1238 : vector<16xf32> to vector<16xf32>
    tpu.vector_store %arg12[%swap3A_1239], %swap3A_1242 {strides = array<i32>} : memref<4096xf32, #tpu.memory_space<vmem>>, vector<16xf32>,
    %broadcast_in_dim3A_1243 = arith.constant 0.000000e+00 : f32
    %broadcast_in_dim3A_1244 = vector.broadcast %broadcast_in_dim3A_1243 : f32 to vector<16xf32>
    %swap3A_1245 = arith.constant 2272 : index
    %swap3A_1246 = tpu.vector_load %arg12[%swap3A_1245] {strides = array<i32>} : memref<4096xf32, #tpu.memory_space<vmem>>, vector<16xf32>,
    %swap3A_1247 = vector.shape_cast %swap3A_1246 : vector<16xf32> to vector<16xf32>
    %swap3A_1248 = vector.shape_cast %broadcast_in_dim3A_1244 : vector<16xf32> to vector<16xf32>
    tpu.vector_store %arg12[%swap3A_1245], %swap3A_1248 {strides = array<i32>} : memref<4096xf32, #tpu.memory_space<vmem>>, vector<16xf32>,
    %broadcast_in_dim3A_1249 = arith.constant 0.000000e+00 : f32
    %broadcast_in_dim3A_1250 = vector.broadcast %broadcast_in_dim3A_1249 : f32 to vector<16xf32>
    %swap3A_1251 = arith.constant 2288 : index
    %swap3A_1252 = tpu.vector_load %arg12[%swap3A_1251] {strides = array<i32>} : memref<4096xf32, #tpu.memory_space<vmem>>, vector<16xf32>,
    %swap3A_1253 = vector.shape_cast %swap3A_1252 : vector<16xf32> to vector<16xf32>
    %swap3A_1254 = vector.shape_cast %broadcast_in_dim3A_1250 : vector<16xf32> to vector<16xf32>
    tpu.vector_store %arg12[%swap3A_1251], %swap3A_1254 {strides = array<i32>} : memref<4096xf32, #tpu.memory_space<vmem>>, vector<16xf32>,
    %broadcast_in_dim3A_1255 = arith.constant 0.000000e+00 : f32
    %broadcast_in_dim3A_1256 = vector.broadcast %broadcast_in_dim3A_1255 : f32 to vector<16xf32>
    %swap3A_1257 = arith.constant 2304 : index
    %swap3A_1258 = tpu.vector_load %arg12[%swap3A_1257] {strides = array<i32>} : memref<4096xf32, #tpu.memory_space<vmem>>, vector<16xf32>,
    %swap3A_1259 = vector.shape_cast %swap3A_1258 : vector<16xf32> to vector<16xf32>
    %swap3A_1260 = vector.shape_cast %broadcast_in_dim3A_1256 : vector<16xf32> to vector<16xf32>
    tpu.vector_store %arg12[%swap3A_1257], %swap3A_1260 {strides = array<i32>} : memref<4096xf32, #tpu.memory_space<vmem>>, vector<16xf32>,
    %broadcast_in_dim3A_1261 = arith.constant 0.000000e+00 : f32
    %broadcast_in_dim3A_1262 = vector.broadcast %broadcast_in_dim3A_1261 : f32 to vector<16xf32>
    %swap3A_1263 = arith.constant 2320 : index
    %swap3A_1264 = tpu.vector_load %arg12[%swap3A_1263] {strides = array<i32>} : memref<4096xf32, #tpu.memory_space<vmem>>, vector<16xf32>,
    %swap3A_1265 = vector.shape_cast %swap3A_1264 : vector<16xf32> to vector<16xf32>
    %swap3A_1266 = vector.shape_cast %broadcast_in_dim3A_1262 : vector<16xf32> to vector<16xf32>
    tpu.vector_store %arg12[%swap3A_1263], %swap3A_1266 {strides = array<i32>} : memref<4096xf32, #tpu.memory_space<vmem>>, vector<16xf32>,
    %broadcast_in_dim3A_1267 = arith.constant 0.000000e+00 : f32
    %broadcast_in_dim3A_1268 = vector.broadcast %broadcast_in_dim3A_1267 : f32 to vector<16xf32>
    %swap3A_1269 = arith.constant 2336 : index
    %swap3A_1270 = tpu.vector_load %arg12[%swap3A_1269] {strides = array<i32>} : memref<4096xf32, #tpu.memory_space<vmem>>, vector<16xf32>,
    %swap3A_1271 = vector.shape_cast %swap3A_1270 : vector<16xf32> to vector<16xf32>
    %swap3A_1272 = vector.shape_cast %broadcast_in_dim3A_1268 : vector<16xf32> to vector<16xf32>
    tpu.vector_store %arg12[%swap3A_1269], %swap3A_1272 {strides = array<i32>} : memref<4096xf32, #tpu.memory_space<vmem>>, vector<16xf32>,
    %broadcast_in_dim3A_1273 = arith.constant 0.000000e+00 : f32
    %broadcast_in_dim3A_1274 = vector.broadcast %broadcast_in_dim3A_1273 : f32 to vector<16xf32>
    %swap3A_1275 = arith.constant 2352 : index
    %swap3A_1276 = tpu.vector_load %arg12[%swap3A_1275] {strides = array<i32>} : memref<4096xf32, #tpu.memory_space<vmem>>, vector<16xf32>,
    %swap3A_1277 = vector.shape_cast %swap3A_1276 : vector<16xf32> to vector<16xf32>
    %swap3A_1278 = vector.shape_cast %broadcast_in_dim3A_1274 : vector<16xf32> to vector<16xf32>
    tpu.vector_store %arg12[%swap3A_1275], %swap3A_1278 {strides = array<i32>} : memref<4096xf32, #tpu.memory_space<vmem>>, vector<16xf32>,
    %broadcast_in_dim3A_1279 = arith.constant 0.000000e+00 : f32
    %broadcast_in_dim3A_1280 = vector.broadcast %broadcast_in_dim3A_1279 : f32 to vector<16xf32>
    %swap3A_1281 = arith.constant 2368 : index
    %swap3A_1282 = tpu.vector_load %arg12[%swap3A_1281] {strides = array<i32>} : memref<4096xf32, #tpu.memory_space<vmem>>, vector<16xf32>,
    %swap3A_1283 = vector.shape_cast %swap3A_1282 : vector<16xf32> to vector<16xf32>
    %swap3A_1284 = vector.shape_cast %broadcast_in_dim3A_1280 : vector<16xf32> to vector<16xf32>
    tpu.vector_store %arg12[%swap3A_1281], %swap3A_1284 {strides = array<i32>} : memref<4096xf32, #tpu.memory_space<vmem>>, vector<16xf32>,
    %broadcast_in_dim3A_1285 = arith.constant 0.000000e+00 : f32
    %broadcast_in_dim3A_1286 = vector.broadcast %broadcast_in_dim3A_1285 : f32 to vector<16xf32>
    %swap3A_1287 = arith.constant 2384 : index
    %swap3A_1288 = tpu.vector_load %arg12[%swap3A_1287] {strides = array<i32>} : memref<4096xf32, #tpu.memory_space<vmem>>, vector<16xf32>,
    %swap3A_1289 = vector.shape_cast %swap3A_1288 : vector<16xf32> to vector<16xf32>
    %swap3A_1290 = vector.shape_cast %broadcast_in_dim3A_1286 : vector<16xf32> to vector<16xf32>
    tpu.vector_store %arg12[%swap3A_1287], %swap3A_1290 {strides = array<i32>} : memref<4096xf32, #tpu.memory_space<vmem>>, vector<16xf32>,
    %broadcast_in_dim3A_1291 = arith.constant 0.000000e+00 : f32
    %broadcast_in_dim3A_1292 = vector.broadcast %broadcast_in_dim3A_1291 : f32 to vector<16xf32>
    %swap3A_1293 = arith.constant 2400 : index
    %swap3A_1294 = tpu.vector_load %arg12[%swap3A_1293] {strides = array<i32>} : memref<4096xf32, #tpu.memory_space<vmem>>, vector<16xf32>,
    %swap3A_1295 = vector.shape_cast %swap3A_1294 : vector<16xf32> to vector<16xf32>
    %swap3A_1296 = vector.shape_cast %broadcast_in_dim3A_1292 : vector<16xf32> to vector<16xf32>
    tpu.vector_store %arg12[%swap3A_1293], %swap3A_1296 {strides = array<i32>} : memref<4096xf32, #tpu.memory_space<vmem>>, vector<16xf32>,
    %broadcast_in_dim3A_1297 = arith.constant 0.000000e+00 : f32
    %broadcast_in_dim3A_1298 = vector.broadcast %broadcast_in_dim3A_1297 : f32 to vector<16xf32>
    %swap3A_1299 = arith.constant 2416 : index
    %swap3A_1300 = tpu.vector_load %arg12[%swap3A_1299] {strides = array<i32>} : memref<4096xf32, #tpu.memory_space<vmem>>, vector<16xf32>,
    %swap3A_1301 = vector.shape_cast %swap3A_1300 : vector<16xf32> to vector<16xf32>
    %swap3A_1302 = vector.shape_cast %broadcast_in_dim3A_1298 : vector<16xf32> to vector<16xf32>
    tpu.vector_store %arg12[%swap3A_1299], %swap3A_1302 {strides = array<i32>} : memref<4096xf32, #tpu.memory_space<vmem>>, vector<16xf32>,
    %broadcast_in_dim3A_1303 = arith.constant 0.000000e+00 : f32
    %broadcast_in_dim3A_1304 = vector.broadcast %broadcast_in_dim3A_1303 : f32 to vector<16xf32>
    %swap3A_1305 = arith.constant 2432 : index
    %swap3A_1306 = tpu.vector_load %arg12[%swap3A_1305] {strides = array<i32>} : memref<4096xf32, #tpu.memory_space<vmem>>, vector<16xf32>,
    %swap3A_1307 = vector.shape_cast %swap3A_1306 : vector<16xf32> to vector<16xf32>
    %swap3A_1308 = vector.shape_cast %broadcast_in_dim3A_1304 : vector<16xf32> to vector<16xf32>
    tpu.vector_store %arg12[%swap3A_1305], %swap3A_1308 {strides = array<i32>} : memref<4096xf32, #tpu.memory_space<vmem>>, vector<16xf32>,
    %broadcast_in_dim3A_1309 = arith.constant 0.000000e+00 : f32
    %broadcast_in_dim3A_1310 = vector.broadcast %broadcast_in_dim3A_1309 : f32 to vector<16xf32>
    %swap3A_1311 = arith.constant 2448 : index
    %swap3A_1312 = tpu.vector_load %arg12[%swap3A_1311] {strides = array<i32>} : memref<4096xf32, #tpu.memory_space<vmem>>, vector<16xf32>,
    %swap3A_1313 = vector.shape_cast %swap3A_1312 : vector<16xf32> to vector<16xf32>
    %swap3A_1314 = vector.shape_cast %broadcast_in_dim3A_1310 : vector<16xf32> to vector<16xf32>
    tpu.vector_store %arg12[%swap3A_1311], %swap3A_1314 {strides = array<i32>} : memref<4096xf32, #tpu.memory_space<vmem>>, vector<16xf32>,
    %broadcast_in_dim3A_1315 = arith.constant 0.000000e+00 : f32
    %broadcast_in_dim3A_1316 = vector.broadcast %broadcast_in_dim3A_1315 : f32 to vector<16xf32>
    %swap3A_1317 = arith.constant 2464 : index
    %swap3A_1318 = tpu.vector_load %arg12[%swap3A_1317] {strides = array<i32>} : memref<4096xf32, #tpu.memory_space<vmem>>, vector<16xf32>,
    %swap3A_1319 = vector.shape_cast %swap3A_1318 : vector<16xf32> to vector<16xf32>
    %swap3A_1320 = vector.shape_cast %broadcast_in_dim3A_1316 : vector<16xf32> to vector<16xf32>
    tpu.vector_store %arg12[%swap3A_1317], %swap3A_1320 {strides = array<i32>} : memref<4096xf32, #tpu.memory_space<vmem>>, vector<16xf32>,
    %broadcast_in_dim3A_1321 = arith.constant 0.000000e+00 : f32
    %broadcast_in_dim3A_1322 = vector.broadcast %broadcast_in_dim3A_1321 : f32 to vector<16xf32>
    %swap3A_1323 = arith.constant 2480 : index
    %swap3A_1324 = tpu.vector_load %arg12[%swap3A_1323] {strides = array<i32>} : memref<4096xf32, #tpu.memory_space<vmem>>, vector<16xf32>,
    %swap3A_1325 = vector.shape_cast %swap3A_1324 : vector<16xf32> to vector<16xf32>
    %swap3A_1326 = vector.shape_cast %broadcast_in_dim3A_1322 : vector<16xf32> to vector<16xf32>
    tpu.vector_store %arg12[%swap3A_1323], %swap3A_1326 {strides = array<i32>} : memref<4096xf32, #tpu.memory_space<vmem>>, vector<16xf32>,
    %broadcast_in_dim3A_1327 = arith.constant 0.000000e+00 : f32
    %broadcast_in_dim3A_1328 = vector.broadcast %broadcast_in_dim3A_1327 : f32 to vector<16xf32>
    %swap3A_1329 = arith.constant 2496 : index
    %swap3A_1330 = tpu.vector_load %arg12[%swap3A_1329] {strides = array<i32>} : memref<4096xf32, #tpu.memory_space<vmem>>, vector<16xf32>,
    %swap3A_1331 = vector.shape_cast %swap3A_1330 : vector<16xf32> to vector<16xf32>
    %swap3A_1332 = vector.shape_cast %broadcast_in_dim3A_1328 : vector<16xf32> to vector<16xf32>
    tpu.vector_store %arg12[%swap3A_1329], %swap3A_1332 {strides = array<i32>} : memref<4096xf32, #tpu.memory_space<vmem>>, vector<16xf32>,
    %broadcast_in_dim3A_1333 = arith.constant 0.000000e+00 : f32
    %broadcast_in_dim3A_1334 = vector.broadcast %broadcast_in_dim3A_1333 : f32 to vector<16xf32>
    %swap3A_1335 = arith.constant 2512 : index
    %swap3A_1336 = tpu.vector_load %arg12[%swap3A_1335] {strides = array<i32>} : memref<4096xf32, #tpu.memory_space<vmem>>, vector<16xf32>,
    %swap3A_1337 = vector.shape_cast %swap3A_1336 : vector<16xf32> to vector<16xf32>
    %swap3A_1338 = vector.shape_cast %broadcast_in_dim3A_1334 : vector<16xf32> to vector<16xf32>
    tpu.vector_store %arg12[%swap3A_1335], %swap3A_1338 {strides = array<i32>} : memref<4096xf32, #tpu.memory_space<vmem>>, vector<16xf32>,
    %broadcast_in_dim3A_1339 = arith.constant 0.000000e+00 : f32
    %broadcast_in_dim3A_1340 = vector.broadcast %broadcast_in_dim3A_1339 : f32 to vector<16xf32>
    %swap3A_1341 = arith.constant 2528 : index
    %swap3A_1342 = tpu.vector_load %arg12[%swap3A_1341] {strides = array<i32>} : memref<4096xf32, #tpu.memory_space<vmem>>, vector<16xf32>,
    %swap3A_1343 = vector.shape_cast %swap3A_1342 : vector<16xf32> to vector<16xf32>
    %swap3A_1344 = vector.shape_cast %broadcast_in_dim3A_1340 : vector<16xf32> to vector<16xf32>
    tpu.vector_store %arg12[%swap3A_1341], %swap3A_1344 {strides = array<i32>} : memref<4096xf32, #tpu.memory_space<vmem>>, vector<16xf32>,
    %broadcast_in_dim3A_1345 = arith.constant 0.000000e+00 : f32
    %broadcast_in_dim3A_1346 = vector.broadcast %broadcast_in_dim3A_1345 : f32 to vector<16xf32>
    %swap3A_1347 = arith.constant 2544 : index
    %swap3A_1348 = tpu.vector_load %arg12[%swap3A_1347] {strides = array<i32>} : memref<4096xf32, #tpu.memory_space<vmem>>, vector<16xf32>,
    %swap3A_1349 = vector.shape_cast %swap3A_1348 : vector<16xf32> to vector<16xf32>
    %swap3A_1350 = vector.shape_cast %broadcast_in_dim3A_1346 : vector<16xf32> to vector<16xf32>
    tpu.vector_store %arg12[%swap3A_1347], %swap3A_1350 {strides = array<i32>} : memref<4096xf32, #tpu.memory_space<vmem>>, vector<16xf32>,
    %broadcast_in_dim3A_1351 = arith.constant 0.000000e+00 : f32
    %broadcast_in_dim3A_1352 = vector.broadcast %broadcast_in_dim3A_1351 : f32 to vector<16xf32>
    %swap3A_1353 = arith.constant 2560 : index
    %swap3A_1354 = tpu.vector_load %arg12[%swap3A_1353] {strides = array<i32>} : memref<4096xf32, #tpu.memory_space<vmem>>, vector<16xf32>,
    %swap3A_1355 = vector.shape_cast %swap3A_1354 : vector<16xf32> to vector<16xf32>
    %swap3A_1356 = vector.shape_cast %broadcast_in_dim3A_1352 : vector<16xf32> to vector<16xf32>
    tpu.vector_store %arg12[%swap3A_1353], %swap3A_1356 {strides = array<i32>} : memref<4096xf32, #tpu.memory_space<vmem>>, vector<16xf32>,
    %broadcast_in_dim3A_1357 = arith.constant 0.000000e+00 : f32
    %broadcast_in_dim3A_1358 = vector.broadcast %broadcast_in_dim3A_1357 : f32 to vector<16xf32>
    %swap3A_1359 = arith.constant 2576 : index
    %swap3A_1360 = tpu.vector_load %arg12[%swap3A_1359] {strides = array<i32>} : memref<4096xf32, #tpu.memory_space<vmem>>, vector<16xf32>,
    %swap3A_1361 = vector.shape_cast %swap3A_1360 : vector<16xf32> to vector<16xf32>
    %swap3A_1362 = vector.shape_cast %broadcast_in_dim3A_1358 : vector<16xf32> to vector<16xf32>
    tpu.vector_store %arg12[%swap3A_1359], %swap3A_1362 {strides = array<i32>} : memref<4096xf32, #tpu.memory_space<vmem>>, vector<16xf32>,
    %broadcast_in_dim3A_1363 = arith.constant 0.000000e+00 : f32
    %broadcast_in_dim3A_1364 = vector.broadcast %broadcast_in_dim3A_1363 : f32 to vector<16xf32>
    %swap3A_1365 = arith.constant 2592 : index
    %swap3A_1366 = tpu.vector_load %arg12[%swap3A_1365] {strides = array<i32>} : memref<4096xf32, #tpu.memory_space<vmem>>, vector<16xf32>,
    %swap3A_1367 = vector.shape_cast %swap3A_1366 : vector<16xf32> to vector<16xf32>
    %swap3A_1368 = vector.shape_cast %broadcast_in_dim3A_1364 : vector<16xf32> to vector<16xf32>
    tpu.vector_store %arg12[%swap3A_1365], %swap3A_1368 {strides = array<i32>} : memref<4096xf32, #tpu.memory_space<vmem>>, vector<16xf32>,
    %broadcast_in_dim3A_1369 = arith.constant 0.000000e+00 : f32
    %broadcast_in_dim3A_1370 = vector.broadcast %broadcast_in_dim3A_1369 : f32 to vector<16xf32>
    %swap3A_1371 = arith.constant 2608 : index
    %swap3A_1372 = tpu.vector_load %arg12[%swap3A_1371] {strides = array<i32>} : memref<4096xf32, #tpu.memory_space<vmem>>, vector<16xf32>,
    %swap3A_1373 = vector.shape_cast %swap3A_1372 : vector<16xf32> to vector<16xf32>
    %swap3A_1374 = vector.shape_cast %broadcast_in_dim3A_1370 : vector<16xf32> to vector<16xf32>
    tpu.vector_store %arg12[%swap3A_1371], %swap3A_1374 {strides = array<i32>} : memref<4096xf32, #tpu.memory_space<vmem>>, vector<16xf32>,
    %broadcast_in_dim3A_1375 = arith.constant 0.000000e+00 : f32
    %broadcast_in_dim3A_1376 = vector.broadcast %broadcast_in_dim3A_1375 : f32 to vector<16xf32>
    %swap3A_1377 = arith.constant 2624 : index
    %swap3A_1378 = tpu.vector_load %arg12[%swap3A_1377] {strides = array<i32>} : memref<4096xf32, #tpu.memory_space<vmem>>, vector<16xf32>,
    %swap3A_1379 = vector.shape_cast %swap3A_1378 : vector<16xf32> to vector<16xf32>
    %swap3A_1380 = vector.shape_cast %broadcast_in_dim3A_1376 : vector<16xf32> to vector<16xf32>
    tpu.vector_store %arg12[%swap3A_1377], %swap3A_1380 {strides = array<i32>} : memref<4096xf32, #tpu.memory_space<vmem>>, vector<16xf32>,
    %broadcast_in_dim3A_1381 = arith.constant 0.000000e+00 : f32
    %broadcast_in_dim3A_1382 = vector.broadcast %broadcast_in_dim3A_1381 : f32 to vector<16xf32>
    %swap3A_1383 = arith.constant 2640 : index
    %swap3A_1384 = tpu.vector_load %arg12[%swap3A_1383] {strides = array<i32>} : memref<4096xf32, #tpu.memory_space<vmem>>, vector<16xf32>,
    %swap3A_1385 = vector.shape_cast %swap3A_1384 : vector<16xf32> to vector<16xf32>
    %swap3A_1386 = vector.shape_cast %broadcast_in_dim3A_1382 : vector<16xf32> to vector<16xf32>
    tpu.vector_store %arg12[%swap3A_1383], %swap3A_1386 {strides = array<i32>} : memref<4096xf32, #tpu.memory_space<vmem>>, vector<16xf32>,
    %broadcast_in_dim3A_1387 = arith.constant 0.000000e+00 : f32
    %broadcast_in_dim3A_1388 = vector.broadcast %broadcast_in_dim3A_1387 : f32 to vector<16xf32>
    %swap3A_1389 = arith.constant 2656 : index
    %swap3A_1390 = tpu.vector_load %arg12[%swap3A_1389] {strides = array<i32>} : memref<4096xf32, #tpu.memory_space<vmem>>, vector<16xf32>,
    %swap3A_1391 = vector.shape_cast %swap3A_1390 : vector<16xf32> to vector<16xf32>
    %swap3A_1392 = vector.shape_cast %broadcast_in_dim3A_1388 : vector<16xf32> to vector<16xf32>
    tpu.vector_store %arg12[%swap3A_1389], %swap3A_1392 {strides = array<i32>} : memref<4096xf32, #tpu.memory_space<vmem>>, vector<16xf32>,
    %broadcast_in_dim3A_1393 = arith.constant 0.000000e+00 : f32
    %broadcast_in_dim3A_1394 = vector.broadcast %broadcast_in_dim3A_1393 : f32 to vector<16xf32>
    %swap3A_1395 = arith.constant 2672 : index
    %swap3A_1396 = tpu.vector_load %arg12[%swap3A_1395] {strides = array<i32>} : memref<4096xf32, #tpu.memory_space<vmem>>, vector<16xf32>,
    %swap3A_1397 = vector.shape_cast %swap3A_1396 : vector<16xf32> to vector<16xf32>
    %swap3A_1398 = vector.shape_cast %broadcast_in_dim3A_1394 : vector<16xf32> to vector<16xf32>
    tpu.vector_store %arg12[%swap3A_1395], %swap3A_1398 {strides = array<i32>} : memref<4096xf32, #tpu.memory_space<vmem>>, vector<16xf32>,
    %broadcast_in_dim3A_1399 = arith.constant 0.000000e+00 : f32
    %broadcast_in_dim3A_1400 = vector.broadcast %broadcast_in_dim3A_1399 : f32 to vector<16xf32>
    %swap3A_1401 = arith.constant 2688 : index
    %swap3A_1402 = tpu.vector_load %arg12[%swap3A_1401] {strides = array<i32>} : memref<4096xf32, #tpu.memory_space<vmem>>, vector<16xf32>,
    %swap3A_1403 = vector.shape_cast %swap3A_1402 : vector<16xf32> to vector<16xf32>
    %swap3A_1404 = vector.shape_cast %broadcast_in_dim3A_1400 : vector<16xf32> to vector<16xf32>
    tpu.vector_store %arg12[%swap3A_1401], %swap3A_1404 {strides = array<i32>} : memref<4096xf32, #tpu.memory_space<vmem>>, vector<16xf32>,
    %broadcast_in_dim3A_1405 = arith.constant 0.000000e+00 : f32
    %broadcast_in_dim3A_1406 = vector.broadcast %broadcast_in_dim3A_1405 : f32 to vector<16xf32>
    %swap3A_1407 = arith.constant 2704 : index
    %swap3A_1408 = tpu.vector_load %arg12[%swap3A_1407] {strides = array<i32>} : memref<4096xf32, #tpu.memory_space<vmem>>, vector<16xf32>,
    %swap3A_1409 = vector.shape_cast %swap3A_1408 : vector<16xf32> to vector<16xf32>
    %swap3A_1410 = vector.shape_cast %broadcast_in_dim3A_1406 : vector<16xf32> to vector<16xf32>
    tpu.vector_store %arg12[%swap3A_1407], %swap3A_1410 {strides = array<i32>} : memref<4096xf32, #tpu.memory_space<vmem>>, vector<16xf32>,
    %broadcast_in_dim3A_1411 = arith.constant 0.000000e+00 : f32
    %broadcast_in_dim3A_1412 = vector.broadcast %broadcast_in_dim3A_1411 : f32 to vector<16xf32>
    %swap3A_1413 = arith.constant 2720 : index
    %swap3A_1414 = tpu.vector_load %arg12[%swap3A_1413] {strides = array<i32>} : memref<4096xf32, #tpu.memory_space<vmem>>, vector<16xf32>,
    %swap3A_1415 = vector.shape_cast %swap3A_1414 : vector<16xf32> to vector<16xf32>
    %swap3A_1416 = vector.shape_cast %broadcast_in_dim3A_1412 : vector<16xf32> to vector<16xf32>
    tpu.vector_store %arg12[%swap3A_1413], %swap3A_1416 {strides = array<i32>} : memref<4096xf32, #tpu.memory_space<vmem>>, vector<16xf32>,
    %broadcast_in_dim3A_1417 = arith.constant 0.000000e+00 : f32
    %broadcast_in_dim3A_1418 = vector.broadcast %broadcast_in_dim3A_1417 : f32 to vector<16xf32>
    %swap3A_1419 = arith.constant 2736 : index
    %swap3A_1420 = tpu.vector_load %arg12[%swap3A_1419] {strides = array<i32>} : memref<4096xf32, #tpu.memory_space<vmem>>, vector<16xf32>,
    %swap3A_1421 = vector.shape_cast %swap3A_1420 : vector<16xf32> to vector<16xf32>
    %swap3A_1422 = vector.shape_cast %broadcast_in_dim3A_1418 : vector<16xf32> to vector<16xf32>
    tpu.vector_store %arg12[%swap3A_1419], %swap3A_1422 {strides = array<i32>} : memref<4096xf32, #tpu.memory_space<vmem>>, vector<16xf32>,
    %broadcast_in_dim3A_1423 = arith.constant 0.000000e+00 : f32
    %broadcast_in_dim3A_1424 = vector.broadcast %broadcast_in_dim3A_1423 : f32 to vector<16xf32>
    %swap3A_1425 = arith.constant 2752 : index
    %swap3A_1426 = tpu.vector_load %arg12[%swap3A_1425] {strides = array<i32>} : memref<4096xf32, #tpu.memory_space<vmem>>, vector<16xf32>,
    %swap3A_1427 = vector.shape_cast %swap3A_1426 : vector<16xf32> to vector<16xf32>
    %swap3A_1428 = vector.shape_cast %broadcast_in_dim3A_1424 : vector<16xf32> to vector<16xf32>
    tpu.vector_store %arg12[%swap3A_1425], %swap3A_1428 {strides = array<i32>} : memref<4096xf32, #tpu.memory_space<vmem>>, vector<16xf32>,
    %broadcast_in_dim3A_1429 = arith.constant 0.000000e+00 : f32
    %broadcast_in_dim3A_1430 = vector.broadcast %broadcast_in_dim3A_1429 : f32 to vector<16xf32>
    %swap3A_1431 = arith.constant 2768 : index
    %swap3A_1432 = tpu.vector_load %arg12[%swap3A_1431] {strides = array<i32>} : memref<4096xf32, #tpu.memory_space<vmem>>, vector<16xf32>,
    %swap3A_1433 = vector.shape_cast %swap3A_1432 : vector<16xf32> to vector<16xf32>
    %swap3A_1434 = vector.shape_cast %broadcast_in_dim3A_1430 : vector<16xf32> to vector<16xf32>
    tpu.vector_store %arg12[%swap3A_1431], %swap3A_1434 {strides = array<i32>} : memref<4096xf32, #tpu.memory_space<vmem>>, vector<16xf32>,
    %broadcast_in_dim3A_1435 = arith.constant 0.000000e+00 : f32
    %broadcast_in_dim3A_1436 = vector.broadcast %broadcast_in_dim3A_1435 : f32 to vector<16xf32>
    %swap3A_1437 = arith.constant 2784 : index
    %swap3A_1438 = tpu.vector_load %arg12[%swap3A_1437] {strides = array<i32>} : memref<4096xf32, #tpu.memory_space<vmem>>, vector<16xf32>,
    %swap3A_1439 = vector.shape_cast %swap3A_1438 : vector<16xf32> to vector<16xf32>
    %swap3A_1440 = vector.shape_cast %broadcast_in_dim3A_1436 : vector<16xf32> to vector<16xf32>
    tpu.vector_store %arg12[%swap3A_1437], %swap3A_1440 {strides = array<i32>} : memref<4096xf32, #tpu.memory_space<vmem>>, vector<16xf32>,
    %broadcast_in_dim3A_1441 = arith.constant 0.000000e+00 : f32
    %broadcast_in_dim3A_1442 = vector.broadcast %broadcast_in_dim3A_1441 : f32 to vector<16xf32>
    %swap3A_1443 = arith.constant 2800 : index
    %swap3A_1444 = tpu.vector_load %arg12[%swap3A_1443] {strides = array<i32>} : memref<4096xf32, #tpu.memory_space<vmem>>, vector<16xf32>,
    %swap3A_1445 = vector.shape_cast %swap3A_1444 : vector<16xf32> to vector<16xf32>
    %swap3A_1446 = vector.shape_cast %broadcast_in_dim3A_1442 : vector<16xf32> to vector<16xf32>
    tpu.vector_store %arg12[%swap3A_1443], %swap3A_1446 {strides = array<i32>} : memref<4096xf32, #tpu.memory_space<vmem>>, vector<16xf32>,
    %broadcast_in_dim3A_1447 = arith.constant 0.000000e+00 : f32
    %broadcast_in_dim3A_1448 = vector.broadcast %broadcast_in_dim3A_1447 : f32 to vector<16xf32>
    %swap3A_1449 = arith.constant 2816 : index
    %swap3A_1450 = tpu.vector_load %arg12[%swap3A_1449] {strides = array<i32>} : memref<4096xf32, #tpu.memory_space<vmem>>, vector<16xf32>,
    %swap3A_1451 = vector.shape_cast %swap3A_1450 : vector<16xf32> to vector<16xf32>
    %swap3A_1452 = vector.shape_cast %broadcast_in_dim3A_1448 : vector<16xf32> to vector<16xf32>
    tpu.vector_store %arg12[%swap3A_1449], %swap3A_1452 {strides = array<i32>} : memref<4096xf32, #tpu.memory_space<vmem>>, vector<16xf32>,
    %broadcast_in_dim3A_1453 = arith.constant 0.000000e+00 : f32
    %broadcast_in_dim3A_1454 = vector.broadcast %broadcast_in_dim3A_1453 : f32 to vector<16xf32>
    %swap3A_1455 = arith.constant 2832 : index
    %swap3A_1456 = tpu.vector_load %arg12[%swap3A_1455] {strides = array<i32>} : memref<4096xf32, #tpu.memory_space<vmem>>, vector<16xf32>,
    %swap3A_1457 = vector.shape_cast %swap3A_1456 : vector<16xf32> to vector<16xf32>
    %swap3A_1458 = vector.shape_cast %broadcast_in_dim3A_1454 : vector<16xf32> to vector<16xf32>
    tpu.vector_store %arg12[%swap3A_1455], %swap3A_1458 {strides = array<i32>} : memref<4096xf32, #tpu.memory_space<vmem>>, vector<16xf32>,
    %broadcast_in_dim3A_1459 = arith.constant 0.000000e+00 : f32
    %broadcast_in_dim3A_1460 = vector.broadcast %broadcast_in_dim3A_1459 : f32 to vector<16xf32>
    %swap3A_1461 = arith.constant 2848 : index
    %swap3A_1462 = tpu.vector_load %arg12[%swap3A_1461] {strides = array<i32>} : memref<4096xf32, #tpu.memory_space<vmem>>, vector<16xf32>,
    %swap3A_1463 = vector.shape_cast %swap3A_1462 : vector<16xf32> to vector<16xf32>
    %swap3A_1464 = vector.shape_cast %broadcast_in_dim3A_1460 : vector<16xf32> to vector<16xf32>
    tpu.vector_store %arg12[%swap3A_1461], %swap3A_1464 {strides = array<i32>} : memref<4096xf32, #tpu.memory_space<vmem>>, vector<16xf32>,
    %broadcast_in_dim3A_1465 = arith.constant 0.000000e+00 : f32
    %broadcast_in_dim3A_1466 = vector.broadcast %broadcast_in_dim3A_1465 : f32 to vector<16xf32>
    %swap3A_1467 = arith.constant 2864 : index
    %swap3A_1468 = tpu.vector_load %arg12[%swap3A_1467] {strides = array<i32>} : memref<4096xf32, #tpu.memory_space<vmem>>, vector<16xf32>,
    %swap3A_1469 = vector.shape_cast %swap3A_1468 : vector<16xf32> to vector<16xf32>
    %swap3A_1470 = vector.shape_cast %broadcast_in_dim3A_1466 : vector<16xf32> to vector<16xf32>
    tpu.vector_store %arg12[%swap3A_1467], %swap3A_1470 {strides = array<i32>} : memref<4096xf32, #tpu.memory_space<vmem>>, vector<16xf32>,
    %broadcast_in_dim3A_1471 = arith.constant 0.000000e+00 : f32
    %broadcast_in_dim3A_1472 = vector.broadcast %broadcast_in_dim3A_1471 : f32 to vector<16xf32>
    %swap3A_1473 = arith.constant 2880 : index
    %swap3A_1474 = tpu.vector_load %arg12[%swap3A_1473] {strides = array<i32>} : memref<4096xf32, #tpu.memory_space<vmem>>, vector<16xf32>,
    %swap3A_1475 = vector.shape_cast %swap3A_1474 : vector<16xf32> to vector<16xf32>
    %swap3A_1476 = vector.shape_cast %broadcast_in_dim3A_1472 : vector<16xf32> to vector<16xf32>
    tpu.vector_store %arg12[%swap3A_1473], %swap3A_1476 {strides = array<i32>} : memref<4096xf32, #tpu.memory_space<vmem>>, vector<16xf32>,
    %broadcast_in_dim3A_1477 = arith.constant 0.000000e+00 : f32
    %broadcast_in_dim3A_1478 = vector.broadcast %broadcast_in_dim3A_1477 : f32 to vector<16xf32>
    %swap3A_1479 = arith.constant 2896 : index
    %swap3A_1480 = tpu.vector_load %arg12[%swap3A_1479] {strides = array<i32>} : memref<4096xf32, #tpu.memory_space<vmem>>, vector<16xf32>,
    %swap3A_1481 = vector.shape_cast %swap3A_1480 : vector<16xf32> to vector<16xf32>
    %swap3A_1482 = vector.shape_cast %broadcast_in_dim3A_1478 : vector<16xf32> to vector<16xf32>
    tpu.vector_store %arg12[%swap3A_1479], %swap3A_1482 {strides = array<i32>} : memref<4096xf32, #tpu.memory_space<vmem>>, vector<16xf32>,
    %broadcast_in_dim3A_1483 = arith.constant 0.000000e+00 : f32
    %broadcast_in_dim3A_1484 = vector.broadcast %broadcast_in_dim3A_1483 : f32 to vector<16xf32>
    %swap3A_1485 = arith.constant 2912 : index
    %swap3A_1486 = tpu.vector_load %arg12[%swap3A_1485] {strides = array<i32>} : memref<4096xf32, #tpu.memory_space<vmem>>, vector<16xf32>,
    %swap3A_1487 = vector.shape_cast %swap3A_1486 : vector<16xf32> to vector<16xf32>
    %swap3A_1488 = vector.shape_cast %broadcast_in_dim3A_1484 : vector<16xf32> to vector<16xf32>
    tpu.vector_store %arg12[%swap3A_1485], %swap3A_1488 {strides = array<i32>} : memref<4096xf32, #tpu.memory_space<vmem>>, vector<16xf32>,
    %broadcast_in_dim3A_1489 = arith.constant 0.000000e+00 : f32
    %broadcast_in_dim3A_1490 = vector.broadcast %broadcast_in_dim3A_1489 : f32 to vector<16xf32>
    %swap3A_1491 = arith.constant 2928 : index
    %swap3A_1492 = tpu.vector_load %arg12[%swap3A_1491] {strides = array<i32>} : memref<4096xf32, #tpu.memory_space<vmem>>, vector<16xf32>,
    %swap3A_1493 = vector.shape_cast %swap3A_1492 : vector<16xf32> to vector<16xf32>
    %swap3A_1494 = vector.shape_cast %broadcast_in_dim3A_1490 : vector<16xf32> to vector<16xf32>
    tpu.vector_store %arg12[%swap3A_1491], %swap3A_1494 {strides = array<i32>} : memref<4096xf32, #tpu.memory_space<vmem>>, vector<16xf32>,
    %broadcast_in_dim3A_1495 = arith.constant 0.000000e+00 : f32
    %broadcast_in_dim3A_1496 = vector.broadcast %broadcast_in_dim3A_1495 : f32 to vector<16xf32>
    %swap3A_1497 = arith.constant 2944 : index
    %swap3A_1498 = tpu.vector_load %arg12[%swap3A_1497] {strides = array<i32>} : memref<4096xf32, #tpu.memory_space<vmem>>, vector<16xf32>,
    %swap3A_1499 = vector.shape_cast %swap3A_1498 : vector<16xf32> to vector<16xf32>
    %swap3A_1500 = vector.shape_cast %broadcast_in_dim3A_1496 : vector<16xf32> to vector<16xf32>
    tpu.vector_store %arg12[%swap3A_1497], %swap3A_1500 {strides = array<i32>} : memref<4096xf32, #tpu.memory_space<vmem>>, vector<16xf32>,
    %broadcast_in_dim3A_1501 = arith.constant 0.000000e+00 : f32
    %broadcast_in_dim3A_1502 = vector.broadcast %broadcast_in_dim3A_1501 : f32 to vector<16xf32>
    %swap3A_1503 = arith.constant 2960 : index
    %swap3A_1504 = tpu.vector_load %arg12[%swap3A_1503] {strides = array<i32>} : memref<4096xf32, #tpu.memory_space<vmem>>, vector<16xf32>,
    %swap3A_1505 = vector.shape_cast %swap3A_1504 : vector<16xf32> to vector<16xf32>
    %swap3A_1506 = vector.shape_cast %broadcast_in_dim3A_1502 : vector<16xf32> to vector<16xf32>
    tpu.vector_store %arg12[%swap3A_1503], %swap3A_1506 {strides = array<i32>} : memref<4096xf32, #tpu.memory_space<vmem>>, vector<16xf32>,
    %broadcast_in_dim3A_1507 = arith.constant 0.000000e+00 : f32
    %broadcast_in_dim3A_1508 = vector.broadcast %broadcast_in_dim3A_1507 : f32 to vector<16xf32>
    %swap3A_1509 = arith.constant 2976 : index
    %swap3A_1510 = tpu.vector_load %arg12[%swap3A_1509] {strides = array<i32>} : memref<4096xf32, #tpu.memory_space<vmem>>, vector<16xf32>,
    %swap3A_1511 = vector.shape_cast %swap3A_1510 : vector<16xf32> to vector<16xf32>
    %swap3A_1512 = vector.shape_cast %broadcast_in_dim3A_1508 : vector<16xf32> to vector<16xf32>
    tpu.vector_store %arg12[%swap3A_1509], %swap3A_1512 {strides = array<i32>} : memref<4096xf32, #tpu.memory_space<vmem>>, vector<16xf32>,
    %broadcast_in_dim3A_1513 = arith.constant 0.000000e+00 : f32
    %broadcast_in_dim3A_1514 = vector.broadcast %broadcast_in_dim3A_1513 : f32 to vector<16xf32>
    %swap3A_1515 = arith.constant 2992 : index
    %swap3A_1516 = tpu.vector_load %arg12[%swap3A_1515] {strides = array<i32>} : memref<4096xf32, #tpu.memory_space<vmem>>, vector<16xf32>,
    %swap3A_1517 = vector.shape_cast %swap3A_1516 : vector<16xf32> to vector<16xf32>
    %swap3A_1518 = vector.shape_cast %broadcast_in_dim3A_1514 : vector<16xf32> to vector<16xf32>
    tpu.vector_store %arg12[%swap3A_1515], %swap3A_1518 {strides = array<i32>} : memref<4096xf32, #tpu.memory_space<vmem>>, vector<16xf32>,
    %broadcast_in_dim3A_1519 = arith.constant 0.000000e+00 : f32
    %broadcast_in_dim3A_1520 = vector.broadcast %broadcast_in_dim3A_1519 : f32 to vector<16xf32>
    %swap3A_1521 = arith.constant 3008 : index
    %swap3A_1522 = tpu.vector_load %arg12[%swap3A_1521] {strides = array<i32>} : memref<4096xf32, #tpu.memory_space<vmem>>, vector<16xf32>,
    %swap3A_1523 = vector.shape_cast %swap3A_1522 : vector<16xf32> to vector<16xf32>
    %swap3A_1524 = vector.shape_cast %broadcast_in_dim3A_1520 : vector<16xf32> to vector<16xf32>
    tpu.vector_store %arg12[%swap3A_1521], %swap3A_1524 {strides = array<i32>} : memref<4096xf32, #tpu.memory_space<vmem>>, vector<16xf32>,
    %broadcast_in_dim3A_1525 = arith.constant 0.000000e+00 : f32
    %broadcast_in_dim3A_1526 = vector.broadcast %broadcast_in_dim3A_1525 : f32 to vector<16xf32>
    %swap3A_1527 = arith.constant 3024 : index
    %swap3A_1528 = tpu.vector_load %arg12[%swap3A_1527] {strides = array<i32>} : memref<4096xf32, #tpu.memory_space<vmem>>, vector<16xf32>,
    %swap3A_1529 = vector.shape_cast %swap3A_1528 : vector<16xf32> to vector<16xf32>
    %swap3A_1530 = vector.shape_cast %broadcast_in_dim3A_1526 : vector<16xf32> to vector<16xf32>
    tpu.vector_store %arg12[%swap3A_1527], %swap3A_1530 {strides = array<i32>} : memref<4096xf32, #tpu.memory_space<vmem>>, vector<16xf32>,
    %broadcast_in_dim3A_1531 = arith.constant 0.000000e+00 : f32
    %broadcast_in_dim3A_1532 = vector.broadcast %broadcast_in_dim3A_1531 : f32 to vector<16xf32>
    %swap3A_1533 = arith.constant 3040 : index
    %swap3A_1534 = tpu.vector_load %arg12[%swap3A_1533] {strides = array<i32>} : memref<4096xf32, #tpu.memory_space<vmem>>, vector<16xf32>,
    %swap3A_1535 = vector.shape_cast %swap3A_1534 : vector<16xf32> to vector<16xf32>
    %swap3A_1536 = vector.shape_cast %broadcast_in_dim3A_1532 : vector<16xf32> to vector<16xf32>
    tpu.vector_store %arg12[%swap3A_1533], %swap3A_1536 {strides = array<i32>} : memref<4096xf32, #tpu.memory_space<vmem>>, vector<16xf32>,
    %broadcast_in_dim3A_1537 = arith.constant 0.000000e+00 : f32
    %broadcast_in_dim3A_1538 = vector.broadcast %broadcast_in_dim3A_1537 : f32 to vector<16xf32>
    %swap3A_1539 = arith.constant 3056 : index
    %swap3A_1540 = tpu.vector_load %arg12[%swap3A_1539] {strides = array<i32>} : memref<4096xf32, #tpu.memory_space<vmem>>, vector<16xf32>,
    %swap3A_1541 = vector.shape_cast %swap3A_1540 : vector<16xf32> to vector<16xf32>
    %swap3A_1542 = vector.shape_cast %broadcast_in_dim3A_1538 : vector<16xf32> to vector<16xf32>
    tpu.vector_store %arg12[%swap3A_1539], %swap3A_1542 {strides = array<i32>} : memref<4096xf32, #tpu.memory_space<vmem>>, vector<16xf32>,
    %broadcast_in_dim3A_1543 = arith.constant 0.000000e+00 : f32
    %broadcast_in_dim3A_1544 = vector.broadcast %broadcast_in_dim3A_1543 : f32 to vector<16xf32>
    %swap3A_1545 = arith.constant 3072 : index
    %swap3A_1546 = tpu.vector_load %arg12[%swap3A_1545] {strides = array<i32>} : memref<4096xf32, #tpu.memory_space<vmem>>, vector<16xf32>,
    %swap3A_1547 = vector.shape_cast %swap3A_1546 : vector<16xf32> to vector<16xf32>
    %swap3A_1548 = vector.shape_cast %broadcast_in_dim3A_1544 : vector<16xf32> to vector<16xf32>
    tpu.vector_store %arg12[%swap3A_1545], %swap3A_1548 {strides = array<i32>} : memref<4096xf32, #tpu.memory_space<vmem>>, vector<16xf32>,
    %broadcast_in_dim3A_1549 = arith.constant 0.000000e+00 : f32
    %broadcast_in_dim3A_1550 = vector.broadcast %broadcast_in_dim3A_1549 : f32 to vector<16xf32>
    %swap3A_1551 = arith.constant 3088 : index
    %swap3A_1552 = tpu.vector_load %arg12[%swap3A_1551] {strides = array<i32>} : memref<4096xf32, #tpu.memory_space<vmem>>, vector<16xf32>,
    %swap3A_1553 = vector.shape_cast %swap3A_1552 : vector<16xf32> to vector<16xf32>
    %swap3A_1554 = vector.shape_cast %broadcast_in_dim3A_1550 : vector<16xf32> to vector<16xf32>
    tpu.vector_store %arg12[%swap3A_1551], %swap3A_1554 {strides = array<i32>} : memref<4096xf32, #tpu.memory_space<vmem>>, vector<16xf32>,
    %broadcast_in_dim3A_1555 = arith.constant 0.000000e+00 : f32
    %broadcast_in_dim3A_1556 = vector.broadcast %broadcast_in_dim3A_1555 : f32 to vector<16xf32>
    %swap3A_1557 = arith.constant 3104 : index
    %swap3A_1558 = tpu.vector_load %arg12[%swap3A_1557] {strides = array<i32>} : memref<4096xf32, #tpu.memory_space<vmem>>, vector<16xf32>,
    %swap3A_1559 = vector.shape_cast %swap3A_1558 : vector<16xf32> to vector<16xf32>
    %swap3A_1560 = vector.shape_cast %broadcast_in_dim3A_1556 : vector<16xf32> to vector<16xf32>
    tpu.vector_store %arg12[%swap3A_1557], %swap3A_1560 {strides = array<i32>} : memref<4096xf32, #tpu.memory_space<vmem>>, vector<16xf32>,
    %broadcast_in_dim3A_1561 = arith.constant 0.000000e+00 : f32
    %broadcast_in_dim3A_1562 = vector.broadcast %broadcast_in_dim3A_1561 : f32 to vector<16xf32>
    %swap3A_1563 = arith.constant 3120 : index
    %swap3A_1564 = tpu.vector_load %arg12[%swap3A_1563] {strides = array<i32>} : memref<4096xf32, #tpu.memory_space<vmem>>, vector<16xf32>,
    %swap3A_1565 = vector.shape_cast %swap3A_1564 : vector<16xf32> to vector<16xf32>
    %swap3A_1566 = vector.shape_cast %broadcast_in_dim3A_1562 : vector<16xf32> to vector<16xf32>
    tpu.vector_store %arg12[%swap3A_1563], %swap3A_1566 {strides = array<i32>} : memref<4096xf32, #tpu.memory_space<vmem>>, vector<16xf32>,
    %broadcast_in_dim3A_1567 = arith.constant 0.000000e+00 : f32
    %broadcast_in_dim3A_1568 = vector.broadcast %broadcast_in_dim3A_1567 : f32 to vector<16xf32>
    %swap3A_1569 = arith.constant 3136 : index
    %swap3A_1570 = tpu.vector_load %arg12[%swap3A_1569] {strides = array<i32>} : memref<4096xf32, #tpu.memory_space<vmem>>, vector<16xf32>,
    %swap3A_1571 = vector.shape_cast %swap3A_1570 : vector<16xf32> to vector<16xf32>
    %swap3A_1572 = vector.shape_cast %broadcast_in_dim3A_1568 : vector<16xf32> to vector<16xf32>
    tpu.vector_store %arg12[%swap3A_1569], %swap3A_1572 {strides = array<i32>} : memref<4096xf32, #tpu.memory_space<vmem>>, vector<16xf32>,
    %broadcast_in_dim3A_1573 = arith.constant 0.000000e+00 : f32
    %broadcast_in_dim3A_1574 = vector.broadcast %broadcast_in_dim3A_1573 : f32 to vector<16xf32>
    %swap3A_1575 = arith.constant 3152 : index
    %swap3A_1576 = tpu.vector_load %arg12[%swap3A_1575] {strides = array<i32>} : memref<4096xf32, #tpu.memory_space<vmem>>, vector<16xf32>,
    %swap3A_1577 = vector.shape_cast %swap3A_1576 : vector<16xf32> to vector<16xf32>
    %swap3A_1578 = vector.shape_cast %broadcast_in_dim3A_1574 : vector<16xf32> to vector<16xf32>
    tpu.vector_store %arg12[%swap3A_1575], %swap3A_1578 {strides = array<i32>} : memref<4096xf32, #tpu.memory_space<vmem>>, vector<16xf32>,
    %broadcast_in_dim3A_1579 = arith.constant 0.000000e+00 : f32
    %broadcast_in_dim3A_1580 = vector.broadcast %broadcast_in_dim3A_1579 : f32 to vector<16xf32>
    %swap3A_1581 = arith.constant 3168 : index
    %swap3A_1582 = tpu.vector_load %arg12[%swap3A_1581] {strides = array<i32>} : memref<4096xf32, #tpu.memory_space<vmem>>, vector<16xf32>,
    %swap3A_1583 = vector.shape_cast %swap3A_1582 : vector<16xf32> to vector<16xf32>
    %swap3A_1584 = vector.shape_cast %broadcast_in_dim3A_1580 : vector<16xf32> to vector<16xf32>
    tpu.vector_store %arg12[%swap3A_1581], %swap3A_1584 {strides = array<i32>} : memref<4096xf32, #tpu.memory_space<vmem>>, vector<16xf32>,
    %broadcast_in_dim3A_1585 = arith.constant 0.000000e+00 : f32
    %broadcast_in_dim3A_1586 = vector.broadcast %broadcast_in_dim3A_1585 : f32 to vector<16xf32>
    %swap3A_1587 = arith.constant 3184 : index
    %swap3A_1588 = tpu.vector_load %arg12[%swap3A_1587] {strides = array<i32>} : memref<4096xf32, #tpu.memory_space<vmem>>, vector<16xf32>,
    %swap3A_1589 = vector.shape_cast %swap3A_1588 : vector<16xf32> to vector<16xf32>
    %swap3A_1590 = vector.shape_cast %broadcast_in_dim3A_1586 : vector<16xf32> to vector<16xf32>
    tpu.vector_store %arg12[%swap3A_1587], %swap3A_1590 {strides = array<i32>} : memref<4096xf32, #tpu.memory_space<vmem>>, vector<16xf32>,
    %broadcast_in_dim3A_1591 = arith.constant 0.000000e+00 : f32
    %broadcast_in_dim3A_1592 = vector.broadcast %broadcast_in_dim3A_1591 : f32 to vector<16xf32>
    %swap3A_1593 = arith.constant 3200 : index
    %swap3A_1594 = tpu.vector_load %arg12[%swap3A_1593] {strides = array<i32>} : memref<4096xf32, #tpu.memory_space<vmem>>, vector<16xf32>,
    %swap3A_1595 = vector.shape_cast %swap3A_1594 : vector<16xf32> to vector<16xf32>
    %swap3A_1596 = vector.shape_cast %broadcast_in_dim3A_1592 : vector<16xf32> to vector<16xf32>
    tpu.vector_store %arg12[%swap3A_1593], %swap3A_1596 {strides = array<i32>} : memref<4096xf32, #tpu.memory_space<vmem>>, vector<16xf32>,
    %broadcast_in_dim3A_1597 = arith.constant 0.000000e+00 : f32
    %broadcast_in_dim3A_1598 = vector.broadcast %broadcast_in_dim3A_1597 : f32 to vector<16xf32>
    %swap3A_1599 = arith.constant 3216 : index
    %swap3A_1600 = tpu.vector_load %arg12[%swap3A_1599] {strides = array<i32>} : memref<4096xf32, #tpu.memory_space<vmem>>, vector<16xf32>,
    %swap3A_1601 = vector.shape_cast %swap3A_1600 : vector<16xf32> to vector<16xf32>
    %swap3A_1602 = vector.shape_cast %broadcast_in_dim3A_1598 : vector<16xf32> to vector<16xf32>
    tpu.vector_store %arg12[%swap3A_1599], %swap3A_1602 {strides = array<i32>} : memref<4096xf32, #tpu.memory_space<vmem>>, vector<16xf32>,
    %broadcast_in_dim3A_1603 = arith.constant 0.000000e+00 : f32
    %broadcast_in_dim3A_1604 = vector.broadcast %broadcast_in_dim3A_1603 : f32 to vector<16xf32>
    %swap3A_1605 = arith.constant 3232 : index
    %swap3A_1606 = tpu.vector_load %arg12[%swap3A_1605] {strides = array<i32>} : memref<4096xf32, #tpu.memory_space<vmem>>, vector<16xf32>,
    %swap3A_1607 = vector.shape_cast %swap3A_1606 : vector<16xf32> to vector<16xf32>
    %swap3A_1608 = vector.shape_cast %broadcast_in_dim3A_1604 : vector<16xf32> to vector<16xf32>
    tpu.vector_store %arg12[%swap3A_1605], %swap3A_1608 {strides = array<i32>} : memref<4096xf32, #tpu.memory_space<vmem>>, vector<16xf32>,
    %broadcast_in_dim3A_1609 = arith.constant 0.000000e+00 : f32
    %broadcast_in_dim3A_1610 = vector.broadcast %broadcast_in_dim3A_1609 : f32 to vector<16xf32>
    %swap3A_1611 = arith.constant 3248 : index
    %swap3A_1612 = tpu.vector_load %arg12[%swap3A_1611] {strides = array<i32>} : memref<4096xf32, #tpu.memory_space<vmem>>, vector<16xf32>,
    %swap3A_1613 = vector.shape_cast %swap3A_1612 : vector<16xf32> to vector<16xf32>
    %swap3A_1614 = vector.shape_cast %broadcast_in_dim3A_1610 : vector<16xf32> to vector<16xf32>
    tpu.vector_store %arg12[%swap3A_1611], %swap3A_1614 {strides = array<i32>} : memref<4096xf32, #tpu.memory_space<vmem>>, vector<16xf32>,
    %broadcast_in_dim3A_1615 = arith.constant 0.000000e+00 : f32
    %broadcast_in_dim3A_1616 = vector.broadcast %broadcast_in_dim3A_1615 : f32 to vector<16xf32>
    %swap3A_1617 = arith.constant 3264 : index
    %swap3A_1618 = tpu.vector_load %arg12[%swap3A_1617] {strides = array<i32>} : memref<4096xf32, #tpu.memory_space<vmem>>, vector<16xf32>,
    %swap3A_1619 = vector.shape_cast %swap3A_1618 : vector<16xf32> to vector<16xf32>
    %swap3A_1620 = vector.shape_cast %broadcast_in_dim3A_1616 : vector<16xf32> to vector<16xf32>
    tpu.vector_store %arg12[%swap3A_1617], %swap3A_1620 {strides = array<i32>} : memref<4096xf32, #tpu.memory_space<vmem>>, vector<16xf32>,
    %broadcast_in_dim3A_1621 = arith.constant 0.000000e+00 : f32
    %broadcast_in_dim3A_1622 = vector.broadcast %broadcast_in_dim3A_1621 : f32 to vector<16xf32>
    %swap3A_1623 = arith.constant 3280 : index
    %swap3A_1624 = tpu.vector_load %arg12[%swap3A_1623] {strides = array<i32>} : memref<4096xf32, #tpu.memory_space<vmem>>, vector<16xf32>,
    %swap3A_1625 = vector.shape_cast %swap3A_1624 : vector<16xf32> to vector<16xf32>
    %swap3A_1626 = vector.shape_cast %broadcast_in_dim3A_1622 : vector<16xf32> to vector<16xf32>
    tpu.vector_store %arg12[%swap3A_1623], %swap3A_1626 {strides = array<i32>} : memref<4096xf32, #tpu.memory_space<vmem>>, vector<16xf32>,
    %broadcast_in_dim3A_1627 = arith.constant 0.000000e+00 : f32
    %broadcast_in_dim3A_1628 = vector.broadcast %broadcast_in_dim3A_1627 : f32 to vector<16xf32>
    %swap3A_1629 = arith.constant 3296 : index
    %swap3A_1630 = tpu.vector_load %arg12[%swap3A_1629] {strides = array<i32>} : memref<4096xf32, #tpu.memory_space<vmem>>, vector<16xf32>,
    %swap3A_1631 = vector.shape_cast %swap3A_1630 : vector<16xf32> to vector<16xf32>
    %swap3A_1632 = vector.shape_cast %broadcast_in_dim3A_1628 : vector<16xf32> to vector<16xf32>
    tpu.vector_store %arg12[%swap3A_1629], %swap3A_1632 {strides = array<i32>} : memref<4096xf32, #tpu.memory_space<vmem>>, vector<16xf32>,
    %broadcast_in_dim3A_1633 = arith.constant 0.000000e+00 : f32
    %broadcast_in_dim3A_1634 = vector.broadcast %broadcast_in_dim3A_1633 : f32 to vector<16xf32>
    %swap3A_1635 = arith.constant 3312 : index
    %swap3A_1636 = tpu.vector_load %arg12[%swap3A_1635] {strides = array<i32>} : memref<4096xf32, #tpu.memory_space<vmem>>, vector<16xf32>,
    %swap3A_1637 = vector.shape_cast %swap3A_1636 : vector<16xf32> to vector<16xf32>
    %swap3A_1638 = vector.shape_cast %broadcast_in_dim3A_1634 : vector<16xf32> to vector<16xf32>
    tpu.vector_store %arg12[%swap3A_1635], %swap3A_1638 {strides = array<i32>} : memref<4096xf32, #tpu.memory_space<vmem>>, vector<16xf32>,
    %broadcast_in_dim3A_1639 = arith.constant 0.000000e+00 : f32
    %broadcast_in_dim3A_1640 = vector.broadcast %broadcast_in_dim3A_1639 : f32 to vector<16xf32>
    %swap3A_1641 = arith.constant 3328 : index
    %swap3A_1642 = tpu.vector_load %arg12[%swap3A_1641] {strides = array<i32>} : memref<4096xf32, #tpu.memory_space<vmem>>, vector<16xf32>,
    %swap3A_1643 = vector.shape_cast %swap3A_1642 : vector<16xf32> to vector<16xf32>
    %swap3A_1644 = vector.shape_cast %broadcast_in_dim3A_1640 : vector<16xf32> to vector<16xf32>
    tpu.vector_store %arg12[%swap3A_1641], %swap3A_1644 {strides = array<i32>} : memref<4096xf32, #tpu.memory_space<vmem>>, vector<16xf32>,
    %broadcast_in_dim3A_1645 = arith.constant 0.000000e+00 : f32
    %broadcast_in_dim3A_1646 = vector.broadcast %broadcast_in_dim3A_1645 : f32 to vector<16xf32>
    %swap3A_1647 = arith.constant 3344 : index
    %swap3A_1648 = tpu.vector_load %arg12[%swap3A_1647] {strides = array<i32>} : memref<4096xf32, #tpu.memory_space<vmem>>, vector<16xf32>,
    %swap3A_1649 = vector.shape_cast %swap3A_1648 : vector<16xf32> to vector<16xf32>
    %swap3A_1650 = vector.shape_cast %broadcast_in_dim3A_1646 : vector<16xf32> to vector<16xf32>
    tpu.vector_store %arg12[%swap3A_1647], %swap3A_1650 {strides = array<i32>} : memref<4096xf32, #tpu.memory_space<vmem>>, vector<16xf32>,
    %broadcast_in_dim3A_1651 = arith.constant 0.000000e+00 : f32
    %broadcast_in_dim3A_1652 = vector.broadcast %broadcast_in_dim3A_1651 : f32 to vector<16xf32>
    %swap3A_1653 = arith.constant 3360 : index
    %swap3A_1654 = tpu.vector_load %arg12[%swap3A_1653] {strides = array<i32>} : memref<4096xf32, #tpu.memory_space<vmem>>, vector<16xf32>,
    %swap3A_1655 = vector.shape_cast %swap3A_1654 : vector<16xf32> to vector<16xf32>
    %swap3A_1656 = vector.shape_cast %broadcast_in_dim3A_1652 : vector<16xf32> to vector<16xf32>
    tpu.vector_store %arg12[%swap3A_1653], %swap3A_1656 {strides = array<i32>} : memref<4096xf32, #tpu.memory_space<vmem>>, vector<16xf32>,
    %broadcast_in_dim3A_1657 = arith.constant 0.000000e+00 : f32
    %broadcast_in_dim3A_1658 = vector.broadcast %broadcast_in_dim3A_1657 : f32 to vector<16xf32>
    %swap3A_1659 = arith.constant 3376 : index
    %swap3A_1660 = tpu.vector_load %arg12[%swap3A_1659] {strides = array<i32>} : memref<4096xf32, #tpu.memory_space<vmem>>, vector<16xf32>,
    %swap3A_1661 = vector.shape_cast %swap3A_1660 : vector<16xf32> to vector<16xf32>
    %swap3A_1662 = vector.shape_cast %broadcast_in_dim3A_1658 : vector<16xf32> to vector<16xf32>
    tpu.vector_store %arg12[%swap3A_1659], %swap3A_1662 {strides = array<i32>} : memref<4096xf32, #tpu.memory_space<vmem>>, vector<16xf32>,
    %broadcast_in_dim3A_1663 = arith.constant 0.000000e+00 : f32
    %broadcast_in_dim3A_1664 = vector.broadcast %broadcast_in_dim3A_1663 : f32 to vector<16xf32>
    %swap3A_1665 = arith.constant 3392 : index
    %swap3A_1666 = tpu.vector_load %arg12[%swap3A_1665] {strides = array<i32>} : memref<4096xf32, #tpu.memory_space<vmem>>, vector<16xf32>,
    %swap3A_1667 = vector.shape_cast %swap3A_1666 : vector<16xf32> to vector<16xf32>
    %swap3A_1668 = vector.shape_cast %broadcast_in_dim3A_1664 : vector<16xf32> to vector<16xf32>
    tpu.vector_store %arg12[%swap3A_1665], %swap3A_1668 {strides = array<i32>} : memref<4096xf32, #tpu.memory_space<vmem>>, vector<16xf32>,
    %broadcast_in_dim3A_1669 = arith.constant 0.000000e+00 : f32
    %broadcast_in_dim3A_1670 = vector.broadcast %broadcast_in_dim3A_1669 : f32 to vector<16xf32>
    %swap3A_1671 = arith.constant 3408 : index
    %swap3A_1672 = tpu.vector_load %arg12[%swap3A_1671] {strides = array<i32>} : memref<4096xf32, #tpu.memory_space<vmem>>, vector<16xf32>,
    %swap3A_1673 = vector.shape_cast %swap3A_1672 : vector<16xf32> to vector<16xf32>
    %swap3A_1674 = vector.shape_cast %broadcast_in_dim3A_1670 : vector<16xf32> to vector<16xf32>
    tpu.vector_store %arg12[%swap3A_1671], %swap3A_1674 {strides = array<i32>} : memref<4096xf32, #tpu.memory_space<vmem>>, vector<16xf32>,
    %broadcast_in_dim3A_1675 = arith.constant 0.000000e+00 : f32
    %broadcast_in_dim3A_1676 = vector.broadcast %broadcast_in_dim3A_1675 : f32 to vector<16xf32>
    %swap3A_1677 = arith.constant 3424 : index
    %swap3A_1678 = tpu.vector_load %arg12[%swap3A_1677] {strides = array<i32>} : memref<4096xf32, #tpu.memory_space<vmem>>, vector<16xf32>,
    %swap3A_1679 = vector.shape_cast %swap3A_1678 : vector<16xf32> to vector<16xf32>
    %swap3A_1680 = vector.shape_cast %broadcast_in_dim3A_1676 : vector<16xf32> to vector<16xf32>
    tpu.vector_store %arg12[%swap3A_1677], %swap3A_1680 {strides = array<i32>} : memref<4096xf32, #tpu.memory_space<vmem>>, vector<16xf32>,
    %broadcast_in_dim3A_1681 = arith.constant 0.000000e+00 : f32
    %broadcast_in_dim3A_1682 = vector.broadcast %broadcast_in_dim3A_1681 : f32 to vector<16xf32>
    %swap3A_1683 = arith.constant 3440 : index
    %swap3A_1684 = tpu.vector_load %arg12[%swap3A_1683] {strides = array<i32>} : memref<4096xf32, #tpu.memory_space<vmem>>, vector<16xf32>,
    %swap3A_1685 = vector.shape_cast %swap3A_1684 : vector<16xf32> to vector<16xf32>
    %swap3A_1686 = vector.shape_cast %broadcast_in_dim3A_1682 : vector<16xf32> to vector<16xf32>
    tpu.vector_store %arg12[%swap3A_1683], %swap3A_1686 {strides = array<i32>} : memref<4096xf32, #tpu.memory_space<vmem>>, vector<16xf32>,
    %broadcast_in_dim3A_1687 = arith.constant 0.000000e+00 : f32
    %broadcast_in_dim3A_1688 = vector.broadcast %broadcast_in_dim3A_1687 : f32 to vector<16xf32>
    %swap3A_1689 = arith.constant 3456 : index
    %swap3A_1690 = tpu.vector_load %arg12[%swap3A_1689] {strides = array<i32>} : memref<4096xf32, #tpu.memory_space<vmem>>, vector<16xf32>,
    %swap3A_1691 = vector.shape_cast %swap3A_1690 : vector<16xf32> to vector<16xf32>
    %swap3A_1692 = vector.shape_cast %broadcast_in_dim3A_1688 : vector<16xf32> to vector<16xf32>
    tpu.vector_store %arg12[%swap3A_1689], %swap3A_1692 {strides = array<i32>} : memref<4096xf32, #tpu.memory_space<vmem>>, vector<16xf32>,
    %broadcast_in_dim3A_1693 = arith.constant 0.000000e+00 : f32
    %broadcast_in_dim3A_1694 = vector.broadcast %broadcast_in_dim3A_1693 : f32 to vector<16xf32>
    %swap3A_1695 = arith.constant 3472 : index
    %swap3A_1696 = tpu.vector_load %arg12[%swap3A_1695] {strides = array<i32>} : memref<4096xf32, #tpu.memory_space<vmem>>, vector<16xf32>,
    %swap3A_1697 = vector.shape_cast %swap3A_1696 : vector<16xf32> to vector<16xf32>
    %swap3A_1698 = vector.shape_cast %broadcast_in_dim3A_1694 : vector<16xf32> to vector<16xf32>
    tpu.vector_store %arg12[%swap3A_1695], %swap3A_1698 {strides = array<i32>} : memref<4096xf32, #tpu.memory_space<vmem>>, vector<16xf32>,
    %broadcast_in_dim3A_1699 = arith.constant 0.000000e+00 : f32
    %broadcast_in_dim3A_1700 = vector.broadcast %broadcast_in_dim3A_1699 : f32 to vector<16xf32>
    %swap3A_1701 = arith.constant 3488 : index
    %swap3A_1702 = tpu.vector_load %arg12[%swap3A_1701] {strides = array<i32>} : memref<4096xf32, #tpu.memory_space<vmem>>, vector<16xf32>,
    %swap3A_1703 = vector.shape_cast %swap3A_1702 : vector<16xf32> to vector<16xf32>
    %swap3A_1704 = vector.shape_cast %broadcast_in_dim3A_1700 : vector<16xf32> to vector<16xf32>
    tpu.vector_store %arg12[%swap3A_1701], %swap3A_1704 {strides = array<i32>} : memref<4096xf32, #tpu.memory_space<vmem>>, vector<16xf32>,
    %broadcast_in_dim3A_1705 = arith.constant 0.000000e+00 : f32
    %broadcast_in_dim3A_1706 = vector.broadcast %broadcast_in_dim3A_1705 : f32 to vector<16xf32>
    %swap3A_1707 = arith.constant 3504 : index
    %swap3A_1708 = tpu.vector_load %arg12[%swap3A_1707] {strides = array<i32>} : memref<4096xf32, #tpu.memory_space<vmem>>, vector<16xf32>,
    %swap3A_1709 = vector.shape_cast %swap3A_1708 : vector<16xf32> to vector<16xf32>
    %swap3A_1710 = vector.shape_cast %broadcast_in_dim3A_1706 : vector<16xf32> to vector<16xf32>
    tpu.vector_store %arg12[%swap3A_1707], %swap3A_1710 {strides = array<i32>} : memref<4096xf32, #tpu.memory_space<vmem>>, vector<16xf32>,
    %broadcast_in_dim3A_1711 = arith.constant 0.000000e+00 : f32
    %broadcast_in_dim3A_1712 = vector.broadcast %broadcast_in_dim3A_1711 : f32 to vector<16xf32>
    %swap3A_1713 = arith.constant 3520 : index
    %swap3A_1714 = tpu.vector_load %arg12[%swap3A_1713] {strides = array<i32>} : memref<4096xf32, #tpu.memory_space<vmem>>, vector<16xf32>,
    %swap3A_1715 = vector.shape_cast %swap3A_1714 : vector<16xf32> to vector<16xf32>
    %swap3A_1716 = vector.shape_cast %broadcast_in_dim3A_1712 : vector<16xf32> to vector<16xf32>
    tpu.vector_store %arg12[%swap3A_1713], %swap3A_1716 {strides = array<i32>} : memref<4096xf32, #tpu.memory_space<vmem>>, vector<16xf32>,
    %broadcast_in_dim3A_1717 = arith.constant 0.000000e+00 : f32
    %broadcast_in_dim3A_1718 = vector.broadcast %broadcast_in_dim3A_1717 : f32 to vector<16xf32>
    %swap3A_1719 = arith.constant 3536 : index
    %swap3A_1720 = tpu.vector_load %arg12[%swap3A_1719] {strides = array<i32>} : memref<4096xf32, #tpu.memory_space<vmem>>, vector<16xf32>,
    %swap3A_1721 = vector.shape_cast %swap3A_1720 : vector<16xf32> to vector<16xf32>
    %swap3A_1722 = vector.shape_cast %broadcast_in_dim3A_1718 : vector<16xf32> to vector<16xf32>
    tpu.vector_store %arg12[%swap3A_1719], %swap3A_1722 {strides = array<i32>} : memref<4096xf32, #tpu.memory_space<vmem>>, vector<16xf32>,
    %broadcast_in_dim3A_1723 = arith.constant 0.000000e+00 : f32
    %broadcast_in_dim3A_1724 = vector.broadcast %broadcast_in_dim3A_1723 : f32 to vector<16xf32>
    %swap3A_1725 = arith.constant 3552 : index
    %swap3A_1726 = tpu.vector_load %arg12[%swap3A_1725] {strides = array<i32>} : memref<4096xf32, #tpu.memory_space<vmem>>, vector<16xf32>,
    %swap3A_1727 = vector.shape_cast %swap3A_1726 : vector<16xf32> to vector<16xf32>
    %swap3A_1728 = vector.shape_cast %broadcast_in_dim3A_1724 : vector<16xf32> to vector<16xf32>
    tpu.vector_store %arg12[%swap3A_1725], %swap3A_1728 {strides = array<i32>} : memref<4096xf32, #tpu.memory_space<vmem>>, vector<16xf32>,
    %broadcast_in_dim3A_1729 = arith.constant 0.000000e+00 : f32
    %broadcast_in_dim3A_1730 = vector.broadcast %broadcast_in_dim3A_1729 : f32 to vector<16xf32>
    %swap3A_1731 = arith.constant 3568 : index
    %swap3A_1732 = tpu.vector_load %arg12[%swap3A_1731] {strides = array<i32>} : memref<4096xf32, #tpu.memory_space<vmem>>, vector<16xf32>,
    %swap3A_1733 = vector.shape_cast %swap3A_1732 : vector<16xf32> to vector<16xf32>
    %swap3A_1734 = vector.shape_cast %broadcast_in_dim3A_1730 : vector<16xf32> to vector<16xf32>
    tpu.vector_store %arg12[%swap3A_1731], %swap3A_1734 {strides = array<i32>} : memref<4096xf32, #tpu.memory_space<vmem>>, vector<16xf32>,
    %broadcast_in_dim3A_1735 = arith.constant 0.000000e+00 : f32
    %broadcast_in_dim3A_1736 = vector.broadcast %broadcast_in_dim3A_1735 : f32 to vector<16xf32>
    %swap3A_1737 = arith.constant 3584 : index
    %swap3A_1738 = tpu.vector_load %arg12[%swap3A_1737] {strides = array<i32>} : memref<4096xf32, #tpu.memory_space<vmem>>, vector<16xf32>,
    %swap3A_1739 = vector.shape_cast %swap3A_1738 : vector<16xf32> to vector<16xf32>
    %swap3A_1740 = vector.shape_cast %broadcast_in_dim3A_1736 : vector<16xf32> to vector<16xf32>
    tpu.vector_store %arg12[%swap3A_1737], %swap3A_1740 {strides = array<i32>} : memref<4096xf32, #tpu.memory_space<vmem>>, vector<16xf32>,
    %broadcast_in_dim3A_1741 = arith.constant 0.000000e+00 : f32
    %broadcast_in_dim3A_1742 = vector.broadcast %broadcast_in_dim3A_1741 : f32 to vector<16xf32>
    %swap3A_1743 = arith.constant 3600 : index
    %swap3A_1744 = tpu.vector_load %arg12[%swap3A_1743] {strides = array<i32>} : memref<4096xf32, #tpu.memory_space<vmem>>, vector<16xf32>,
    %swap3A_1745 = vector.shape_cast %swap3A_1744 : vector<16xf32> to vector<16xf32>
    %swap3A_1746 = vector.shape_cast %broadcast_in_dim3A_1742 : vector<16xf32> to vector<16xf32>
    tpu.vector_store %arg12[%swap3A_1743], %swap3A_1746 {strides = array<i32>} : memref<4096xf32, #tpu.memory_space<vmem>>, vector<16xf32>,
    %broadcast_in_dim3A_1747 = arith.constant 0.000000e+00 : f32
    %broadcast_in_dim3A_1748 = vector.broadcast %broadcast_in_dim3A_1747 : f32 to vector<16xf32>
    %swap3A_1749 = arith.constant 3616 : index
    %swap3A_1750 = tpu.vector_load %arg12[%swap3A_1749] {strides = array<i32>} : memref<4096xf32, #tpu.memory_space<vmem>>, vector<16xf32>,
    %swap3A_1751 = vector.shape_cast %swap3A_1750 : vector<16xf32> to vector<16xf32>
    %swap3A_1752 = vector.shape_cast %broadcast_in_dim3A_1748 : vector<16xf32> to vector<16xf32>
    tpu.vector_store %arg12[%swap3A_1749], %swap3A_1752 {strides = array<i32>} : memref<4096xf32, #tpu.memory_space<vmem>>, vector<16xf32>,
    %broadcast_in_dim3A_1753 = arith.constant 0.000000e+00 : f32
    %broadcast_in_dim3A_1754 = vector.broadcast %broadcast_in_dim3A_1753 : f32 to vector<16xf32>
    %swap3A_1755 = arith.constant 3632 : index
    %swap3A_1756 = tpu.vector_load %arg12[%swap3A_1755] {strides = array<i32>} : memref<4096xf32, #tpu.memory_space<vmem>>, vector<16xf32>,
    %swap3A_1757 = vector.shape_cast %swap3A_1756 : vector<16xf32> to vector<16xf32>
    %swap3A_1758 = vector.shape_cast %broadcast_in_dim3A_1754 : vector<16xf32> to vector<16xf32>
    tpu.vector_store %arg12[%swap3A_1755], %swap3A_1758 {strides = array<i32>} : memref<4096xf32, #tpu.memory_space<vmem>>, vector<16xf32>,
    %broadcast_in_dim3A_1759 = arith.constant 0.000000e+00 : f32
    %broadcast_in_dim3A_1760 = vector.broadcast %broadcast_in_dim3A_1759 : f32 to vector<16xf32>
    %swap3A_1761 = arith.constant 3648 : index
    %swap3A_1762 = tpu.vector_load %arg12[%swap3A_1761] {strides = array<i32>} : memref<4096xf32, #tpu.memory_space<vmem>>, vector<16xf32>,
    %swap3A_1763 = vector.shape_cast %swap3A_1762 : vector<16xf32> to vector<16xf32>
    %swap3A_1764 = vector.shape_cast %broadcast_in_dim3A_1760 : vector<16xf32> to vector<16xf32>
    tpu.vector_store %arg12[%swap3A_1761], %swap3A_1764 {strides = array<i32>} : memref<4096xf32, #tpu.memory_space<vmem>>, vector<16xf32>,
    %broadcast_in_dim3A_1765 = arith.constant 0.000000e+00 : f32
    %broadcast_in_dim3A_1766 = vector.broadcast %broadcast_in_dim3A_1765 : f32 to vector<16xf32>
    %swap3A_1767 = arith.constant 3664 : index
    %swap3A_1768 = tpu.vector_load %arg12[%swap3A_1767] {strides = array<i32>} : memref<4096xf32, #tpu.memory_space<vmem>>, vector<16xf32>,
    %swap3A_1769 = vector.shape_cast %swap3A_1768 : vector<16xf32> to vector<16xf32>
    %swap3A_1770 = vector.shape_cast %broadcast_in_dim3A_1766 : vector<16xf32> to vector<16xf32>
    tpu.vector_store %arg12[%swap3A_1767], %swap3A_1770 {strides = array<i32>} : memref<4096xf32, #tpu.memory_space<vmem>>, vector<16xf32>,
    %broadcast_in_dim3A_1771 = arith.constant 0.000000e+00 : f32
    %broadcast_in_dim3A_1772 = vector.broadcast %broadcast_in_dim3A_1771 : f32 to vector<16xf32>
    %swap3A_1773 = arith.constant 3680 : index
    %swap3A_1774 = tpu.vector_load %arg12[%swap3A_1773] {strides = array<i32>} : memref<4096xf32, #tpu.memory_space<vmem>>, vector<16xf32>,
    %swap3A_1775 = vector.shape_cast %swap3A_1774 : vector<16xf32> to vector<16xf32>
    %swap3A_1776 = vector.shape_cast %broadcast_in_dim3A_1772 : vector<16xf32> to vector<16xf32>
    tpu.vector_store %arg12[%swap3A_1773], %swap3A_1776 {strides = array<i32>} : memref<4096xf32, #tpu.memory_space<vmem>>, vector<16xf32>,
    %broadcast_in_dim3A_1777 = arith.constant 0.000000e+00 : f32
    %broadcast_in_dim3A_1778 = vector.broadcast %broadcast_in_dim3A_1777 : f32 to vector<16xf32>
    %swap3A_1779 = arith.constant 3696 : index
    %swap3A_1780 = tpu.vector_load %arg12[%swap3A_1779] {strides = array<i32>} : memref<4096xf32, #tpu.memory_space<vmem>>, vector<16xf32>,
    %swap3A_1781 = vector.shape_cast %swap3A_1780 : vector<16xf32> to vector<16xf32>
    %swap3A_1782 = vector.shape_cast %broadcast_in_dim3A_1778 : vector<16xf32> to vector<16xf32>
    tpu.vector_store %arg12[%swap3A_1779], %swap3A_1782 {strides = array<i32>} : memref<4096xf32, #tpu.memory_space<vmem>>, vector<16xf32>,
    %broadcast_in_dim3A_1783 = arith.constant 0.000000e+00 : f32
    %broadcast_in_dim3A_1784 = vector.broadcast %broadcast_in_dim3A_1783 : f32 to vector<16xf32>
    %swap3A_1785 = arith.constant 3712 : index
    %swap3A_1786 = tpu.vector_load %arg12[%swap3A_1785] {strides = array<i32>} : memref<4096xf32, #tpu.memory_space<vmem>>, vector<16xf32>,
    %swap3A_1787 = vector.shape_cast %swap3A_1786 : vector<16xf32> to vector<16xf32>
    %swap3A_1788 = vector.shape_cast %broadcast_in_dim3A_1784 : vector<16xf32> to vector<16xf32>
    tpu.vector_store %arg12[%swap3A_1785], %swap3A_1788 {strides = array<i32>} : memref<4096xf32, #tpu.memory_space<vmem>>, vector<16xf32>,
    %broadcast_in_dim3A_1789 = arith.constant 0.000000e+00 : f32
    %broadcast_in_dim3A_1790 = vector.broadcast %broadcast_in_dim3A_1789 : f32 to vector<16xf32>
    %swap3A_1791 = arith.constant 3728 : index
    %swap3A_1792 = tpu.vector_load %arg12[%swap3A_1791] {strides = array<i32>} : memref<4096xf32, #tpu.memory_space<vmem>>, vector<16xf32>,
    %swap3A_1793 = vector.shape_cast %swap3A_1792 : vector<16xf32> to vector<16xf32>
    %swap3A_1794 = vector.shape_cast %broadcast_in_dim3A_1790 : vector<16xf32> to vector<16xf32>
    tpu.vector_store %arg12[%swap3A_1791], %swap3A_1794 {strides = array<i32>} : memref<4096xf32, #tpu.memory_space<vmem>>, vector<16xf32>,
    %broadcast_in_dim3A_1795 = arith.constant 0.000000e+00 : f32
    %broadcast_in_dim3A_1796 = vector.broadcast %broadcast_in_dim3A_1795 : f32 to vector<16xf32>
    %swap3A_1797 = arith.constant 3744 : index
    %swap3A_1798 = tpu.vector_load %arg12[%swap3A_1797] {strides = array<i32>} : memref<4096xf32, #tpu.memory_space<vmem>>, vector<16xf32>,
    %swap3A_1799 = vector.shape_cast %swap3A_1798 : vector<16xf32> to vector<16xf32>
    %swap3A_1800 = vector.shape_cast %broadcast_in_dim3A_1796 : vector<16xf32> to vector<16xf32>
    tpu.vector_store %arg12[%swap3A_1797], %swap3A_1800 {strides = array<i32>} : memref<4096xf32, #tpu.memory_space<vmem>>, vector<16xf32>,
    %broadcast_in_dim3A_1801 = arith.constant 0.000000e+00 : f32
    %broadcast_in_dim3A_1802 = vector.broadcast %broadcast_in_dim3A_1801 : f32 to vector<16xf32>
    %swap3A_1803 = arith.constant 3760 : index
    %swap3A_1804 = tpu.vector_load %arg12[%swap3A_1803] {strides = array<i32>} : memref<4096xf32, #tpu.memory_space<vmem>>, vector<16xf32>,
    %swap3A_1805 = vector.shape_cast %swap3A_1804 : vector<16xf32> to vector<16xf32>
    %swap3A_1806 = vector.shape_cast %broadcast_in_dim3A_1802 : vector<16xf32> to vector<16xf32>
    tpu.vector_store %arg12[%swap3A_1803], %swap3A_1806 {strides = array<i32>} : memref<4096xf32, #tpu.memory_space<vmem>>, vector<16xf32>,
    %broadcast_in_dim3A_1807 = arith.constant 0.000000e+00 : f32
    %broadcast_in_dim3A_1808 = vector.broadcast %broadcast_in_dim3A_1807 : f32 to vector<16xf32>
    %swap3A_1809 = arith.constant 3776 : index
    %swap3A_1810 = tpu.vector_load %arg12[%swap3A_1809] {strides = array<i32>} : memref<4096xf32, #tpu.memory_space<vmem>>, vector<16xf32>,
    %swap3A_1811 = vector.shape_cast %swap3A_1810 : vector<16xf32> to vector<16xf32>
    %swap3A_1812 = vector.shape_cast %broadcast_in_dim3A_1808 : vector<16xf32> to vector<16xf32>
    tpu.vector_store %arg12[%swap3A_1809], %swap3A_1812 {strides = array<i32>} : memref<4096xf32, #tpu.memory_space<vmem>>, vector<16xf32>,
    %broadcast_in_dim3A_1813 = arith.constant 0.000000e+00 : f32
    %broadcast_in_dim3A_1814 = vector.broadcast %broadcast_in_dim3A_1813 : f32 to vector<16xf32>
    %swap3A_1815 = arith.constant 3792 : index
    %swap3A_1816 = tpu.vector_load %arg12[%swap3A_1815] {strides = array<i32>} : memref<4096xf32, #tpu.memory_space<vmem>>, vector<16xf32>,
    %swap3A_1817 = vector.shape_cast %swap3A_1816 : vector<16xf32> to vector<16xf32>
    %swap3A_1818 = vector.shape_cast %broadcast_in_dim3A_1814 : vector<16xf32> to vector<16xf32>
    tpu.vector_store %arg12[%swap3A_1815], %swap3A_1818 {strides = array<i32>} : memref<4096xf32, #tpu.memory_space<vmem>>, vector<16xf32>,
    %broadcast_in_dim3A_1819 = arith.constant 0.000000e+00 : f32
    %broadcast_in_dim3A_1820 = vector.broadcast %broadcast_in_dim3A_1819 : f32 to vector<16xf32>
    %swap3A_1821 = arith.constant 3808 : index
    %swap3A_1822 = tpu.vector_load %arg12[%swap3A_1821] {strides = array<i32>} : memref<4096xf32, #tpu.memory_space<vmem>>, vector<16xf32>,
    %swap3A_1823 = vector.shape_cast %swap3A_1822 : vector<16xf32> to vector<16xf32>
    %swap3A_1824 = vector.shape_cast %broadcast_in_dim3A_1820 : vector<16xf32> to vector<16xf32>
    tpu.vector_store %arg12[%swap3A_1821], %swap3A_1824 {strides = array<i32>} : memref<4096xf32, #tpu.memory_space<vmem>>, vector<16xf32>,
    %broadcast_in_dim3A_1825 = arith.constant 0.000000e+00 : f32
    %broadcast_in_dim3A_1826 = vector.broadcast %broadcast_in_dim3A_1825 : f32 to vector<16xf32>
    %swap3A_1827 = arith.constant 3824 : index
    %swap3A_1828 = tpu.vector_load %arg12[%swap3A_1827] {strides = array<i32>} : memref<4096xf32, #tpu.memory_space<vmem>>, vector<16xf32>,
    %swap3A_1829 = vector.shape_cast %swap3A_1828 : vector<16xf32> to vector<16xf32>
    %swap3A_1830 = vector.shape_cast %broadcast_in_dim3A_1826 : vector<16xf32> to vector<16xf32>
    tpu.vector_store %arg12[%swap3A_1827], %swap3A_1830 {strides = array<i32>} : memref<4096xf32, #tpu.memory_space<vmem>>, vector<16xf32>,
    %broadcast_in_dim3A_1831 = arith.constant 0.000000e+00 : f32
    %broadcast_in_dim3A_1832 = vector.broadcast %broadcast_in_dim3A_1831 : f32 to vector<16xf32>
    %swap3A_1833 = arith.constant 3840 : index
    %swap3A_1834 = tpu.vector_load %arg12[%swap3A_1833] {strides = array<i32>} : memref<4096xf32, #tpu.memory_space<vmem>>, vector<16xf32>,
    %swap3A_1835 = vector.shape_cast %swap3A_1834 : vector<16xf32> to vector<16xf32>
    %swap3A_1836 = vector.shape_cast %broadcast_in_dim3A_1832 : vector<16xf32> to vector<16xf32>
    tpu.vector_store %arg12[%swap3A_1833], %swap3A_1836 {strides = array<i32>} : memref<4096xf32, #tpu.memory_space<vmem>>, vector<16xf32>,
    %broadcast_in_dim3A_1837 = arith.constant 0.000000e+00 : f32
    %broadcast_in_dim3A_1838 = vector.broadcast %broadcast_in_dim3A_1837 : f32 to vector<16xf32>
    %swap3A_1839 = arith.constant 3856 : index
    %swap3A_1840 = tpu.vector_load %arg12[%swap3A_1839] {strides = array<i32>} : memref<4096xf32, #tpu.memory_space<vmem>>, vector<16xf32>,
    %swap3A_1841 = vector.shape_cast %swap3A_1840 : vector<16xf32> to vector<16xf32>
    %swap3A_1842 = vector.shape_cast %broadcast_in_dim3A_1838 : vector<16xf32> to vector<16xf32>
    tpu.vector_store %arg12[%swap3A_1839], %swap3A_1842 {strides = array<i32>} : memref<4096xf32, #tpu.memory_space<vmem>>, vector<16xf32>,
    %broadcast_in_dim3A_1843 = arith.constant 0.000000e+00 : f32
    %broadcast_in_dim3A_1844 = vector.broadcast %broadcast_in_dim3A_1843 : f32 to vector<16xf32>
    %swap3A_1845 = arith.constant 3872 : index
    %swap3A_1846 = tpu.vector_load %arg12[%swap3A_1845] {strides = array<i32>} : memref<4096xf32, #tpu.memory_space<vmem>>, vector<16xf32>,
    %swap3A_1847 = vector.shape_cast %swap3A_1846 : vector<16xf32> to vector<16xf32>
    %swap3A_1848 = vector.shape_cast %broadcast_in_dim3A_1844 : vector<16xf32> to vector<16xf32>
    tpu.vector_store %arg12[%swap3A_1845], %swap3A_1848 {strides = array<i32>} : memref<4096xf32, #tpu.memory_space<vmem>>, vector<16xf32>,
    %broadcast_in_dim3A_1849 = arith.constant 0.000000e+00 : f32
    %broadcast_in_dim3A_1850 = vector.broadcast %broadcast_in_dim3A_1849 : f32 to vector<16xf32>
    %swap3A_1851 = arith.constant 3888 : index
    %swap3A_1852 = tpu.vector_load %arg12[%swap3A_1851] {strides = array<i32>} : memref<4096xf32, #tpu.memory_space<vmem>>, vector<16xf32>,
    %swap3A_1853 = vector.shape_cast %swap3A_1852 : vector<16xf32> to vector<16xf32>
    %swap3A_1854 = vector.shape_cast %broadcast_in_dim3A_1850 : vector<16xf32> to vector<16xf32>
    tpu.vector_store %arg12[%swap3A_1851], %swap3A_1854 {strides = array<i32>} : memref<4096xf32, #tpu.memory_space<vmem>>, vector<16xf32>,
    %broadcast_in_dim3A_1855 = arith.constant 0.000000e+00 : f32
    %broadcast_in_dim3A_1856 = vector.broadcast %broadcast_in_dim3A_1855 : f32 to vector<16xf32>
    %swap3A_1857 = arith.constant 3904 : index
    %swap3A_1858 = tpu.vector_load %arg12[%swap3A_1857] {strides = array<i32>} : memref<4096xf32, #tpu.memory_space<vmem>>, vector<16xf32>,
    %swap3A_1859 = vector.shape_cast %swap3A_1858 : vector<16xf32> to vector<16xf32>
    %swap3A_1860 = vector.shape_cast %broadcast_in_dim3A_1856 : vector<16xf32> to vector<16xf32>
    tpu.vector_store %arg12[%swap3A_1857], %swap3A_1860 {strides = array<i32>} : memref<4096xf32, #tpu.memory_space<vmem>>, vector<16xf32>,
    %broadcast_in_dim3A_1861 = arith.constant 0.000000e+00 : f32
    %broadcast_in_dim3A_1862 = vector.broadcast %broadcast_in_dim3A_1861 : f32 to vector<16xf32>
    %swap3A_1863 = arith.constant 3920 : index
    %swap3A_1864 = tpu.vector_load %arg12[%swap3A_1863] {strides = array<i32>} : memref<4096xf32, #tpu.memory_space<vmem>>, vector<16xf32>,
    %swap3A_1865 = vector.shape_cast %swap3A_1864 : vector<16xf32> to vector<16xf32>
    %swap3A_1866 = vector.shape_cast %broadcast_in_dim3A_1862 : vector<16xf32> to vector<16xf32>
    tpu.vector_store %arg12[%swap3A_1863], %swap3A_1866 {strides = array<i32>} : memref<4096xf32, #tpu.memory_space<vmem>>, vector<16xf32>,
    %broadcast_in_dim3A_1867 = arith.constant 0.000000e+00 : f32
    %broadcast_in_dim3A_1868 = vector.broadcast %broadcast_in_dim3A_1867 : f32 to vector<16xf32>
    %swap3A_1869 = arith.constant 3936 : index
    %swap3A_1870 = tpu.vector_load %arg12[%swap3A_1869] {strides = array<i32>} : memref<4096xf32, #tpu.memory_space<vmem>>, vector<16xf32>,
    %swap3A_1871 = vector.shape_cast %swap3A_1870 : vector<16xf32> to vector<16xf32>
    %swap3A_1872 = vector.shape_cast %broadcast_in_dim3A_1868 : vector<16xf32> to vector<16xf32>
    tpu.vector_store %arg12[%swap3A_1869], %swap3A_1872 {strides = array<i32>} : memref<4096xf32, #tpu.memory_space<vmem>>, vector<16xf32>,
    %broadcast_in_dim3A_1873 = arith.constant 0.000000e+00 : f32
    %broadcast_in_dim3A_1874 = vector.broadcast %broadcast_in_dim3A_1873 : f32 to vector<16xf32>
    %swap3A_1875 = arith.constant 3952 : index
    %swap3A_1876 = tpu.vector_load %arg12[%swap3A_1875] {strides = array<i32>} : memref<4096xf32, #tpu.memory_space<vmem>>, vector<16xf32>,
    %swap3A_1877 = vector.shape_cast %swap3A_1876 : vector<16xf32> to vector<16xf32>
    %swap3A_1878 = vector.shape_cast %broadcast_in_dim3A_1874 : vector<16xf32> to vector<16xf32>
    tpu.vector_store %arg12[%swap3A_1875], %swap3A_1878 {strides = array<i32>} : memref<4096xf32, #tpu.memory_space<vmem>>, vector<16xf32>,
    %broadcast_in_dim3A_1879 = arith.constant 0.000000e+00 : f32
    %broadcast_in_dim3A_1880 = vector.broadcast %broadcast_in_dim3A_1879 : f32 to vector<16xf32>
    %swap3A_1881 = arith.constant 3968 : index
    %swap3A_1882 = tpu.vector_load %arg12[%swap3A_1881] {strides = array<i32>} : memref<4096xf32, #tpu.memory_space<vmem>>, vector<16xf32>,
    %swap3A_1883 = vector.shape_cast %swap3A_1882 : vector<16xf32> to vector<16xf32>
    %swap3A_1884 = vector.shape_cast %broadcast_in_dim3A_1880 : vector<16xf32> to vector<16xf32>
    tpu.vector_store %arg12[%swap3A_1881], %swap3A_1884 {strides = array<i32>} : memref<4096xf32, #tpu.memory_space<vmem>>, vector<16xf32>,
    %broadcast_in_dim3A_1885 = arith.constant 0.000000e+00 : f32
    %broadcast_in_dim3A_1886 = vector.broadcast %broadcast_in_dim3A_1885 : f32 to vector<16xf32>
    %swap3A_1887 = arith.constant 3984 : index
    %swap3A_1888 = tpu.vector_load %arg12[%swap3A_1887] {strides = array<i32>} : memref<4096xf32, #tpu.memory_space<vmem>>, vector<16xf32>,
    %swap3A_1889 = vector.shape_cast %swap3A_1888 : vector<16xf32> to vector<16xf32>
    %swap3A_1890 = vector.shape_cast %broadcast_in_dim3A_1886 : vector<16xf32> to vector<16xf32>
    tpu.vector_store %arg12[%swap3A_1887], %swap3A_1890 {strides = array<i32>} : memref<4096xf32, #tpu.memory_space<vmem>>, vector<16xf32>,
    %broadcast_in_dim3A_1891 = arith.constant 0.000000e+00 : f32
    %broadcast_in_dim3A_1892 = vector.broadcast %broadcast_in_dim3A_1891 : f32 to vector<16xf32>
    %swap3A_1893 = arith.constant 4000 : index
    %swap3A_1894 = tpu.vector_load %arg12[%swap3A_1893] {strides = array<i32>} : memref<4096xf32, #tpu.memory_space<vmem>>, vector<16xf32>,
    %swap3A_1895 = vector.shape_cast %swap3A_1894 : vector<16xf32> to vector<16xf32>
    %swap3A_1896 = vector.shape_cast %broadcast_in_dim3A_1892 : vector<16xf32> to vector<16xf32>
    tpu.vector_store %arg12[%swap3A_1893], %swap3A_1896 {strides = array<i32>} : memref<4096xf32, #tpu.memory_space<vmem>>, vector<16xf32>,
    %broadcast_in_dim3A_1897 = arith.constant 0.000000e+00 : f32
    %broadcast_in_dim3A_1898 = vector.broadcast %broadcast_in_dim3A_1897 : f32 to vector<16xf32>
    %swap3A_1899 = arith.constant 4016 : index
    %swap3A_1900 = tpu.vector_load %arg12[%swap3A_1899] {strides = array<i32>} : memref<4096xf32, #tpu.memory_space<vmem>>, vector<16xf32>,
    %swap3A_1901 = vector.shape_cast %swap3A_1900 : vector<16xf32> to vector<16xf32>
    %swap3A_1902 = vector.shape_cast %broadcast_in_dim3A_1898 : vector<16xf32> to vector<16xf32>
    tpu.vector_store %arg12[%swap3A_1899], %swap3A_1902 {strides = array<i32>} : memref<4096xf32, #tpu.memory_space<vmem>>, vector<16xf32>,
    %broadcast_in_dim3A_1903 = arith.constant 0.000000e+00 : f32
    %broadcast_in_dim3A_1904 = vector.broadcast %broadcast_in_dim3A_1903 : f32 to vector<16xf32>
    %swap3A_1905 = arith.constant 4032 : index
    %swap3A_1906 = tpu.vector_load %arg12[%swap3A_1905] {strides = array<i32>} : memref<4096xf32, #tpu.memory_space<vmem>>, vector<16xf32>,
    %swap3A_1907 = vector.shape_cast %swap3A_1906 : vector<16xf32> to vector<16xf32>
    %swap3A_1908 = vector.shape_cast %broadcast_in_dim3A_1904 : vector<16xf32> to vector<16xf32>
    tpu.vector_store %arg12[%swap3A_1905], %swap3A_1908 {strides = array<i32>} : memref<4096xf32, #tpu.memory_space<vmem>>, vector<16xf32>,
    %broadcast_in_dim3A_1909 = arith.constant 0.000000e+00 : f32
    %broadcast_in_dim3A_1910 = vector.broadcast %broadcast_in_dim3A_1909 : f32 to vector<16xf32>
    %swap3A_1911 = arith.constant 4048 : index
    %swap3A_1912 = tpu.vector_load %arg12[%swap3A_1911] {strides = array<i32>} : memref<4096xf32, #tpu.memory_space<vmem>>, vector<16xf32>,
    %swap3A_1913 = vector.shape_cast %swap3A_1912 : vector<16xf32> to vector<16xf32>
    %swap3A_1914 = vector.shape_cast %broadcast_in_dim3A_1910 : vector<16xf32> to vector<16xf32>
    tpu.vector_store %arg12[%swap3A_1911], %swap3A_1914 {strides = array<i32>} : memref<4096xf32, #tpu.memory_space<vmem>>, vector<16xf32>,
    %broadcast_in_dim3A_1915 = arith.constant 0.000000e+00 : f32
    %broadcast_in_dim3A_1916 = vector.broadcast %broadcast_in_dim3A_1915 : f32 to vector<16xf32>
    %swap3A_1917 = arith.constant 4064 : index
    %swap3A_1918 = tpu.vector_load %arg12[%swap3A_1917] {strides = array<i32>} : memref<4096xf32, #tpu.memory_space<vmem>>, vector<16xf32>,
    %swap3A_1919 = vector.shape_cast %swap3A_1918 : vector<16xf32> to vector<16xf32>
    %swap3A_1920 = vector.shape_cast %broadcast_in_dim3A_1916 : vector<16xf32> to vector<16xf32>
    tpu.vector_store %arg12[%swap3A_1917], %swap3A_1920 {strides = array<i32>} : memref<4096xf32, #tpu.memory_space<vmem>>, vector<16xf32>,
    %broadcast_in_dim3A_1921 = arith.constant 0.000000e+00 : f32
    %broadcast_in_dim3A_1922 = vector.broadcast %broadcast_in_dim3A_1921 : f32 to vector<16xf32>
    %swap3A_1923 = arith.constant 4080 : index
    %swap3A_1924 = tpu.vector_load %arg12[%swap3A_1923] {strides = array<i32>} : memref<4096xf32, #tpu.memory_space<vmem>>, vector<16xf32>,
    %swap3A_1925 = vector.shape_cast %swap3A_1924 : vector<16xf32> to vector<16xf32>
    %swap3A_1926 = vector.shape_cast %broadcast_in_dim3A_1922 : vector<16xf32> to vector<16xf32>
    tpu.vector_store %arg12[%swap3A_1923], %swap3A_1926 {strides = array<i32>} : memref<4096xf32, #tpu.memory_space<vmem>>, vector<16xf32>,
    %mul3A_1927 = arith.constant 4096 : i32
    %mul3A_1928 = arith.muli %arg1, %mul3A_1927 : i32
    "tpu.region"() ({
      %run_scoped3A_1954 = tpu.sem_alloc : memref<!tpu.dma_semaphore, #tpu.memory_space<semaphore_mem>>
      %dma_start3A_1955 = tpu.memref_slice %arg13[%mul3A_1928] : memref<65536xf32, #tpu.memory_space<vmem_shared>> -> memref<4096xf32, #tpu.memory_space<vmem_shared>>
      %dma_start3A_1956 = tpu.memref_slice %arg13[%mul3A_1928] : memref<65536xf32, #tpu.memory_space<vmem_shared>> -> memref<4096xf32, #tpu.memory_space<vmem_shared>>
      tpu.enqueue_dma source(%arg12 : memref<4096xf32, #tpu.memory_space<vmem>>) target(%dma_start3A_1956 : memref<4096xf32, #tpu.memory_space<vmem_shared>>) target_semaphore(%run_scoped3A_1954 : memref<!tpu.dma_semaphore, #tpu.memory_space<semaphore_mem>>)
      %dma_wait3A_1957 = tpu.memref_slice %arg13[%mul3A_1928] : memref<65536xf32, #tpu.memory_space<vmem_shared>> -> memref<4096xf32, #tpu.memory_space<vmem_shared>>
      %dma_wait3A_1958 = tpu.memref_slice %arg13[%mul3A_1928] : memref<65536xf32, #tpu.memory_space<vmem_shared>> -> memref<4096xf32, #tpu.memory_space<vmem_shared>>
      tpu.wait_dma2 semaphore(%run_scoped3A_1954 : memref<!tpu.dma_semaphore, #tpu.memory_space<semaphore_mem>>) src(%arg12 : memref<4096xf32, #tpu.memory_space<vmem>>) dst(%dma_wait3A_1958 : memref<4096xf32, #tpu.memory_space<vmem_shared>>)
      tpu.yield
    }) : () -> ()
    %barrier3A = arith.constant 0 : index
    tpu.barrier barrier_id(%barrier3A)
    %run_scoped3A = arith.constant 0 : i32
    "tpu.region"() ({
      %run_scoped3A_1954 = tpu.sem_alloc : memref<!tpu.dma_semaphore, #tpu.memory_space<semaphore_mem>>
      %dma_start3A_1955 = arith.constant 0 : i32
      %dma_start3A_1956 = tpu.memref_slice %arg9[%run_scoped3A, %dma_start3A_1955] : memref<2x128xi32, #tpu.memory_space<vmem>> -> memref<1x128xi32, #tpu.memory_space<vmem>>
      %dma_start3A_1957 = tpu.memref_squeeze %dma_start3A_1956 : memref<1x128xi32, #tpu.memory_space<vmem>> -> memref<128xi32, #tpu.memory_space<vmem>>
      %dma_start3A_1958 = arith.constant 0 : i32
      %dma_start3A_1959 = tpu.memref_slice %arg13[%dma_start3A_1958] : memref<65536xf32, #tpu.memory_space<vmem_shared>> -> memref<65536xf32, #tpu.memory_space<vmem_shared>>
      tpu.enqueue_indirect_dma source(%arg10 : memref<128xf32, #tpu.memory_space<vmem>>) target(%dma_start3A_1959 : memref<65536xf32, #tpu.memory_space<vmem_shared>>) offsets(%dma_start3A_1957 : memref<128xi32, #tpu.memory_space<vmem>>) semaphore(%run_scoped3A_1954 : memref<!tpu.dma_semaphore, #tpu.memory_space<semaphore_mem>>) {add = true}
      %dma_wait3A_1960 = arith.constant 0 : i32
      %dma_wait3A_1961 = tpu.memref_slice %arg9[%run_scoped3A, %dma_wait3A_1960] : memref<2x128xi32, #tpu.memory_space<vmem>> -> memref<1x128xi32, #tpu.memory_space<vmem>>
      %dma_wait3A_1962 = tpu.memref_squeeze %dma_wait3A_1961 : memref<1x128xi32, #tpu.memory_space<vmem>> -> memref<128xi32, #tpu.memory_space<vmem>>
      %dma_wait3A_1963 = arith.constant 0 : i32
      %dma_wait3A_1964 = tpu.memref_slice %arg13[%dma_wait3A_1963] : memref<65536xf32, #tpu.memory_space<vmem_shared>> -> memref<65536xf32, #tpu.memory_space<vmem_shared>>
      tpu.wait_indirect_dma semaphore(%run_scoped3A_1954 : memref<!tpu.dma_semaphore, #tpu.memory_space<semaphore_mem>>) src(%arg10 : memref<128xf32, #tpu.memory_space<vmem>>) dst(%dma_wait3A_1964 : memref<65536xf32, #tpu.memory_space<vmem_shared>>)
      tpu.yield
    }) : () -> ()
    %run_scoped3A_1929 = arith.constant 1 : i32
    "tpu.region"() ({
      %run_scoped3A_1954 = tpu.sem_alloc : memref<!tpu.dma_semaphore, #tpu.memory_space<semaphore_mem>>
      %dma_start3A_1955 = arith.constant 0 : i32
      %dma_start3A_1956 = tpu.memref_slice %arg9[%run_scoped3A_1929, %dma_start3A_1955] : memref<2x128xi32, #tpu.memory_space<vmem>> -> memref<1x128xi32, #tpu.memory_space<vmem>>
      %dma_start3A_1957 = tpu.memref_squeeze %dma_start3A_1956 : memref<1x128xi32, #tpu.memory_space<vmem>> -> memref<128xi32, #tpu.memory_space<vmem>>
      %dma_start3A_1958 = arith.constant 0 : i32
      %dma_start3A_1959 = tpu.memref_slice %arg13[%dma_start3A_1958] : memref<65536xf32, #tpu.memory_space<vmem_shared>> -> memref<65536xf32, #tpu.memory_space<vmem_shared>>
      tpu.enqueue_indirect_dma source(%arg10 : memref<128xf32, #tpu.memory_space<vmem>>) target(%dma_start3A_1959 : memref<65536xf32, #tpu.memory_space<vmem_shared>>) offsets(%dma_start3A_1957 : memref<128xi32, #tpu.memory_space<vmem>>) semaphore(%run_scoped3A_1954 : memref<!tpu.dma_semaphore, #tpu.memory_space<semaphore_mem>>) {add = true}
      %dma_wait3A_1960 = arith.constant 0 : i32
      %dma_wait3A_1961 = tpu.memref_slice %arg9[%run_scoped3A_1929, %dma_wait3A_1960] : memref<2x128xi32, #tpu.memory_space<vmem>> -> memref<1x128xi32, #tpu.memory_space<vmem>>
      %dma_wait3A_1962 = tpu.memref_squeeze %dma_wait3A_1961 : memref<1x128xi32, #tpu.memory_space<vmem>> -> memref<128xi32, #tpu.memory_space<vmem>>
      %dma_wait3A_1963 = arith.constant 0 : i32
      %dma_wait3A_1964 = tpu.memref_slice %arg13[%dma_wait3A_1963] : memref<65536xf32, #tpu.memory_space<vmem_shared>> -> memref<65536xf32, #tpu.memory_space<vmem_shared>>
      tpu.wait_indirect_dma semaphore(%run_scoped3A_1954 : memref<!tpu.dma_semaphore, #tpu.memory_space<semaphore_mem>>) src(%arg10 : memref<128xf32, #tpu.memory_space<vmem>>) dst(%dma_wait3A_1964 : memref<65536xf32, #tpu.memory_space<vmem_shared>>)
      tpu.yield
    }) : () -> ()
    %dma_wait3A = arith.constant 0 : i32
    %dma_wait3A_1930 = arith.constant 0 : i32
    %dma_wait3A_1931 = arith.constant 0 : i32
    %dma_wait3A_1932 = tpu.memref_slice %arg11[%dma_wait3A_1930, %dma_wait3A_1931] : memref<256x256xf32, #tpu.memory_space<vmem>> -> memref<128x256xf32, #tpu.memory_space<vmem>>
    %dma_wait3A_1933 = arith.constant 0 : i32
    %dma_wait3A_1934 = tpu.memref_slice %arg7[%dma_wait3A, %dma_wait3A_1933] : memref<2x128xi32, #tpu.memory_space<vmem>> -> memref<1x128xi32, #tpu.memory_space<vmem>>
    %dma_wait3A_1935 = tpu.memref_squeeze %dma_wait3A_1934 : memref<1x128xi32, #tpu.memory_space<vmem>> -> memref<128xi32, #tpu.memory_space<vmem>>
    %dma_wait3A_1936 = arith.constant 0 : i32
    %dma_wait3A_1937 = arith.constant 0 : i32
    %dma_wait3A_1938 = tpu.memref_slice %arg4[%dma_wait3A_1936, %dma_wait3A_1937] : memref<8192x256xf32, #tpu.memory_space<hbm>> -> memref<8192x256xf32, #tpu.memory_space<hbm>>
    tpu.wait_indirect_dma semaphore(%arg14 : memref<!tpu.dma_semaphore, #tpu.memory_space<semaphore_mem>>) src(%dma_wait3A_1938 : memref<8192x256xf32, #tpu.memory_space<hbm>>) dst(%dma_wait3A_1932 : memref<128x256xf32, #tpu.memory_space<vmem>>)
    %dma_wait3A_1939 = arith.constant 1 : i32
    %dma_wait3A_1940 = arith.constant 128 : i32
    %dma_wait3A_1941 = arith.constant 0 : i32
    %dma_wait3A_1942 = tpu.memref_slice %arg11[%dma_wait3A_1940, %dma_wait3A_1941] : memref<256x256xf32, #tpu.memory_space<vmem>> -> memref<128x256xf32, #tpu.memory_space<vmem>>
    %dma_wait3A_1943 = arith.constant 0 : i32
    %dma_wait3A_1944 = tpu.memref_slice %arg7[%dma_wait3A_1939, %dma_wait3A_1943] : memref<2x128xi32, #tpu.memory_space<vmem>> -> memref<1x128xi32, #tpu.memory_space<vmem>>
    %dma_wait3A_1945 = tpu.memref_squeeze %dma_wait3A_1944 : memref<1x128xi32, #tpu.memory_space<vmem>> -> memref<128xi32, #tpu.memory_space<vmem>>
    %dma_wait3A_1946 = arith.constant 0 : i32
    %dma_wait3A_1947 = arith.constant 0 : i32
    %dma_wait3A_1948 = tpu.memref_slice %arg4[%dma_wait3A_1946, %dma_wait3A_1947] : memref<8192x256xf32, #tpu.memory_space<hbm>> -> memref<8192x256xf32, #tpu.memory_space<hbm>>
    tpu.wait_indirect_dma semaphore(%arg14 : memref<!tpu.dma_semaphore, #tpu.memory_space<semaphore_mem>>) src(%dma_wait3A_1948 : memref<8192x256xf32, #tpu.memory_space<hbm>>) dst(%dma_wait3A_1942 : memref<128x256xf32, #tpu.memory_space<vmem>>)
    "tpu.region"() ({
      %run_scoped3A_1954 = tpu.sem_alloc : memref<!tpu.dma_semaphore, #tpu.memory_space<semaphore_mem>>
      %dma_start3A_1955 = arith.constant 0 : i32
      %dma_start3A_1956 = tpu.memref_slice %arg5[%mul3A_2, %dma_start3A_1955] : memref<8192x256xf32, #tpu.memory_space<hbm>> -> memref<256x256xf32, #tpu.memory_space<hbm>>
      %dma_start3A_1957 = arith.constant 0 : i32
      %dma_start3A_1958 = tpu.memref_slice %arg5[%mul3A_2, %dma_start3A_1957] : memref<8192x256xf32, #tpu.memory_space<hbm>> -> memref<256x256xf32, #tpu.memory_space<hbm>>
      tpu.enqueue_dma source(%arg11 : memref<256x256xf32, #tpu.memory_space<vmem>>) target(%dma_start3A_1958 : memref<256x256xf32, #tpu.memory_space<hbm>>) target_semaphore(%run_scoped3A_1954 : memref<!tpu.dma_semaphore, #tpu.memory_space<semaphore_mem>>)
      %dma_wait3A_1959 = arith.constant 0 : i32
      %dma_wait3A_1960 = tpu.memref_slice %arg5[%mul3A_2, %dma_wait3A_1959] : memref<8192x256xf32, #tpu.memory_space<hbm>> -> memref<256x256xf32, #tpu.memory_space<hbm>>
      %dma_wait3A_1961 = arith.constant 0 : i32
      %dma_wait3A_1962 = tpu.memref_slice %arg5[%mul3A_2, %dma_wait3A_1961] : memref<8192x256xf32, #tpu.memory_space<hbm>> -> memref<256x256xf32, #tpu.memory_space<hbm>>
      tpu.wait_dma2 semaphore(%run_scoped3A_1954 : memref<!tpu.dma_semaphore, #tpu.memory_space<semaphore_mem>>) src(%arg11 : memref<256x256xf32, #tpu.memory_space<vmem>>) dst(%dma_wait3A_1962 : memref<256x256xf32, #tpu.memory_space<hbm>>)
      tpu.yield
    }) : () -> ()
    %barrier3A_1949 = arith.constant 0 : index
    tpu.barrier barrier_id(%barrier3A_1949)
    %mul3A_1950 = arith.constant 4096 : i32
    %mul3A_1951 = arith.muli %arg1, %mul3A_1950 : i32
    "tpu.region"() ({
      %run_scoped3A_1954 = tpu.sem_alloc : memref<!tpu.dma_semaphore, #tpu.memory_space<semaphore_mem>>
      %dma_start3A_1955 = tpu.memref_slice %arg13[%mul3A_1951] : memref<65536xf32, #tpu.memory_space<vmem_shared>> -> memref<4096xf32, #tpu.memory_space<vmem_shared>>
      %dma_start3A_1956 = tpu.memref_slice %arg13[%mul3A_1951] : memref<65536xf32, #tpu.memory_space<vmem_shared>> -> memref<4096xf32, #tpu.memory_space<vmem_shared>>
      tpu.enqueue_dma source(%dma_start3A_1956 : memref<4096xf32, #tpu.memory_space<vmem_shared>>) target(%arg12 : memref<4096xf32, #tpu.memory_space<vmem>>) target_semaphore(%run_scoped3A_1954 : memref<!tpu.dma_semaphore, #tpu.memory_space<semaphore_mem>>)
      %dma_wait3A_1957 = tpu.memref_slice %arg13[%mul3A_1951] : memref<65536xf32, #tpu.memory_space<vmem_shared>> -> memref<4096xf32, #tpu.memory_space<vmem_shared>>
      %dma_wait3A_1958 = tpu.memref_slice %arg13[%mul3A_1951] : memref<65536xf32, #tpu.memory_space<vmem_shared>> -> memref<4096xf32, #tpu.memory_space<vmem_shared>>
      tpu.wait_dma2 semaphore(%run_scoped3A_1954 : memref<!tpu.dma_semaphore, #tpu.memory_space<semaphore_mem>>) src(%dma_wait3A_1958 : memref<4096xf32, #tpu.memory_space<vmem_shared>>) dst(%arg12 : memref<4096xf32, #tpu.memory_space<vmem>>)
      tpu.yield
    }) : () -> ()
    %mul3A_1952 = arith.constant 4096 : i32
    %mul3A_1953 = arith.muli %arg1, %mul3A_1952 : i32
    "tpu.region"() ({
      %run_scoped3A_1954 = tpu.sem_alloc : memref<!tpu.dma_semaphore, #tpu.memory_space<semaphore_mem>>
      %dma_start3A_1955 = tpu.memref_slice %arg6[%arg0, %mul3A_1953] : memref<2x65536xf32, #tpu.memory_space<hbm>> -> memref<1x4096xf32, #tpu.memory_space<hbm>>
      %dma_start3A_1956 = tpu.memref_squeeze %dma_start3A_1955 : memref<1x4096xf32, #tpu.memory_space<hbm>> -> memref<4096xf32, #tpu.memory_space<hbm>>
      %dma_start3A_1957 = tpu.memref_slice %arg6[%arg0, %mul3A_1953] : memref<2x65536xf32, #tpu.memory_space<hbm>> -> memref<1x4096xf32, #tpu.memory_space<hbm>>
      %dma_start3A_1958 = tpu.memref_squeeze %dma_start3A_1957 : memref<1x4096xf32, #tpu.memory_space<hbm>> -> memref<4096xf32, #tpu.memory_space<hbm>>
      tpu.enqueue_dma source(%arg12 : memref<4096xf32, #tpu.memory_space<vmem>>) target(%dma_start3A_1958 : memref<4096xf32, #tpu.memory_space<hbm>>) target_semaphore(%run_scoped3A_1954 : memref<!tpu.dma_semaphore, #tpu.memory_space<semaphore_mem>>)
      %dma_wait3A_1959 = tpu.memref_slice %arg6[%arg0, %mul3A_1953] : memref<2x65536xf32, #tpu.memory_space<hbm>> -> memref<1x4096xf32, #tpu.memory_space<hbm>>
      %dma_wait3A_1960 = tpu.memref_squeeze %dma_wait3A_1959 : memref<1x4096xf32, #tpu.memory_space<hbm>> -> memref<4096xf32, #tpu.memory_space<hbm>>
      %dma_wait3A_1961 = tpu.memref_slice %arg6[%arg0, %mul3A_1953] : memref<2x65536xf32, #tpu.memory_space<hbm>> -> memref<1x4096xf32, #tpu.memory_space<hbm>>
      %dma_wait3A_1962 = tpu.memref_squeeze %dma_wait3A_1961 : memref<1x4096xf32, #tpu.memory_space<hbm>> -> memref<4096xf32, #tpu.memory_space<hbm>>
      tpu.wait_dma2 semaphore(%run_scoped3A_1954 : memref<!tpu.dma_semaphore, #tpu.memory_space<semaphore_mem>>) src(%arg12 : memref<4096xf32, #tpu.memory_space<vmem>>) dst(%dma_wait3A_1962 : memref<4096xf32, #tpu.memory_space<hbm>>)
      tpu.yield
    }) : () -> ()
    return
  }
}

module attributes {stable_mosaic.version = 14 : i64} {
  func.func @_argmin_body(%arg0: i32, %arg1: i32, %arg2: memref<512x256xf32, #tpu.memory_space<vmem>>, %arg3: memref<8192x256xf32, #tpu.memory_space<vmem>>, %arg4: memref<8192xf32, #tpu.memory_space<vmem>>, %arg5: memref<1x8192xf32, #tpu.memory_space<vmem>>, %arg6: memref<8192xi32, #tpu.memory_space<vmem>>, %arg7: memref<1x1xf32, #tpu.memory_space<smem>>, %arg8: memref<1x1xf32, #tpu.memory_space<smem>>, %arg9: memref<1x8192xf32, #tpu.memory_space<vmem>>, %arg10: memref<256x8192xf32, #tpu.memory_space<vmem>>, %arg11: memref<512x8192xf32, #tpu.memory_space<vmem>>, %arg12: memref<1x1xf32, #tpu.memory_space<smem>>) attributes {dimension_semantics = [#tpu.dimension_semantics<arbitrary>, #tpu.dimension_semantics<arbitrary>], iteration_bounds = array<i64: 16, 1>, scalar_prefetch = 0 : i64, scratch_operands = 4 : i64, tpu.core_type = #tpu.core_type<tc>, window_params = [{transform_indices = @transform_0, window_bounds = array<i64: 512, 256>}, {pipeline_mode = #tpu.pipeline_mode<synchronous>, transform_indices = @transform_1, window_bounds = array<i64: 8192, 256>}, {pipeline_mode = #tpu.pipeline_mode<synchronous>, transform_indices = @transform_2, window_bounds = array<i64: 8192>}, {pipeline_mode = #tpu.pipeline_mode<synchronous>, transform_indices = @transform_3, window_bounds = array<i64: 1, 8192>}, {pipeline_mode = #tpu.pipeline_mode<synchronous>, transform_indices = @transform_4, window_bounds = array<i64: 8192>}, {transform_indices = @transform_5, window_bounds = array<i64: 1, 1>}, {transform_indices = @transform_6, window_bounds = array<i64: 1, 1>}]} {
    %mul3A = arith.constant 8192 : i32
    %mul3A_0 = arith.muli %arg1, %mul3A : i32
    %get3A = arith.constant 0 : index
    %get3A_1 = arith.constant 0 : index
    %get3A_2 = vector.load %arg2[%get3A, %get3A_1] : memref<512x256xf32, #tpu.memory_space<vmem>>, vector<512x256xf32>
    %eq3A = arith.constant 0 : i32
    %eq3A_3 = arith.cmpi eq, %arg0, %eq3A : i32
    %convert_element_type3A = arith.extui %eq3A_3 : i1 to i32
    %cond3A = arith.constant 0 : i32
    %cond3A_4 = arith.cmpi ne, %convert_element_type3A, %cond3A : i32
    scf.if %cond3A_4 {
      %get3A_32 = arith.index_cast %mul3A_0 : i32 to index
      %get3A_33 = arith.constant 0 : index
      %get3A_34 = vector.load %arg3[%get3A_32, %get3A_33] : memref<8192x256xf32, #tpu.memory_space<vmem>>, vector<8192x256xf32>
      %transpose3A = tpu.transpose %get3A_34, [1, 0] : vector<8192x256xf32> -> vector<256x8192xf32>
      %swap3A_35 = arith.constant 0 : index
      %swap3A_36 = arith.index_cast %mul3A_0 : i32 to index
      %swap3A_37 = vector.load %arg10[%swap3A_35, %swap3A_36] : memref<256x8192xf32, #tpu.memory_space<vmem>>, vector<256x8192xf32>
      tpu.vector_store %arg10[%swap3A_35, %swap3A_36], %transpose3A {strides = array<i32>} : memref<256x8192xf32, #tpu.memory_space<vmem>>, vector<256x8192xf32>,
      %iota3A = tpu.iota {dimensions = array<i32: 1>} : vector<1x8192xi32>
      %mul3A_38 = arith.constant 8192 : i32
      %mul3A_39 = arith.muli %arg1, %mul3A_38 : i32
      %add3A_40 = vector.broadcast %mul3A_39 : i32 to vector<1x8192xi32>
      %add3A_41 = arith.addi %iota3A, %add3A_40 : vector<1x8192xi32>
      %convert_element_type3A_42 = arith.sitofp %add3A_41 : vector<1x8192xi32> to vector<1x8192xf32>
      %squeeze3A = vector.shape_cast %convert_element_type3A_42 : vector<1x8192xf32> to vector<8192xf32>
      %swap3A_43 = arith.constant 0 : index
      %swap3A_44 = arith.index_cast %mul3A_0 : i32 to index
      %swap3A_45 = vector.load %arg9[%swap3A_43, %swap3A_44] : memref<1x8192xf32, #tpu.memory_space<vmem>>, vector<1x8192xf32>
      %swap3A_46 = vector.shape_cast %swap3A_45 : vector<1x8192xf32> to vector<8192xf32>
      %swap3A_47 = vector.shape_cast %squeeze3A : vector<8192xf32> to vector<1x8192xf32>
      tpu.vector_store %arg9[%swap3A_43, %swap3A_44], %swap3A_47 {strides = array<i32>} : memref<1x8192xf32, #tpu.memory_space<vmem>>, vector<1x8192xf32>,
    } else {
    }
    %get3A_5 = arith.constant 0 : index
    %get3A_6 = arith.index_cast %mul3A_0 : i32 to index
    %get3A_7 = vector.load %arg10[%get3A_5, %get3A_6] : memref<256x8192xf32, #tpu.memory_space<vmem>>, vector<256x8192xf32>
    %dot_general3A = arith.constant dense<0.000000e+00> : vector<512x8192xf32>
    %dot_general3A_8 = tpu.matmul %get3A_2, %get3A_7, %dot_general3A {dimension_numbers = #tpu.dot_dimension_numbers<[1], [0], [0], [1], [0, 0, 1, 1], [], []>, transpose_lhs_hint = false} : vector<512x256xf32>, vector<256x8192xf32>, vector<512x8192xf32> -> vector<512x8192xf32>
    %mul3A_9 = arith.constant 512 : i32
    %mul3A_10 = arith.muli %arg0, %mul3A_9 : i32
    %get3A_11 = arith.index_cast %mul3A_10 : i32 to index
    %get3A_12 = vector.load %arg4[%get3A_11] : memref<8192xf32, #tpu.memory_space<vmem>>, vector<512xf32>
    %broadcast_in_dim3A = vector.shape_cast %get3A_12 : vector<512xf32> to vector<512x1xf32>
    %get3A_13 = arith.constant 0 : index
    %get3A_14 = arith.index_cast %mul3A_0 : i32 to index
    %get3A_15 = vector.load %arg5[%get3A_13, %get3A_14] : memref<1x8192xf32, #tpu.memory_space<vmem>>, vector<1x8192xf32>
    %get3A_16 = vector.shape_cast %get3A_15 : vector<1x8192xf32> to vector<8192xf32>
    %broadcast_in_dim3A_17 = vector.shape_cast %get3A_16 : vector<8192xf32> to vector<1x8192xf32>
    %add3A = vector.broadcast %broadcast_in_dim3A : vector<512x1xf32> to vector<512x8192xf32>
    %add3A_18 = vector.broadcast %broadcast_in_dim3A_17 : vector<1x8192xf32> to vector<512x8192xf32>
    %add3A_19 = arith.addf %add3A, %add3A_18 : vector<512x8192xf32>
    %mul3A_20 = arith.constant 2.000000e+00 : f32
    %mul3A_21 = vector.broadcast %mul3A_20 : f32 to vector<512x8192xf32>
    %mul3A_22 = arith.mulf %mul3A_21, %dot_general3A_8 : vector<512x8192xf32>
    %sub3A = arith.subf %add3A_19, %mul3A_22 : vector<512x8192xf32>
    %max3A = arith.constant 0.000000e+00 : f32
    %max3A_23 = vector.broadcast %max3A : f32 to vector<512x8192xf32>
    %max3A_24 = arith.maximumf %sub3A, %max3A_23 : vector<512x8192xf32>
    %sqrt3A = math.sqrt %max3A_24 : vector<512x8192xf32>
    %swap3A = arith.constant 0 : index
    %swap3A_25 = arith.index_cast %mul3A_0 : i32 to index
    %swap3A_26 = vector.load %arg11[%swap3A, %swap3A_25] : memref<512x8192xf32, #tpu.memory_space<vmem>>, vector<512x8192xf32>
    tpu.vector_store %arg11[%swap3A, %swap3A_25], %sqrt3A {strides = array<i32>} : memref<512x8192xf32, #tpu.memory_space<vmem>>, vector<512x8192xf32>,
    %eq3A_27 = arith.constant 0 : i32
    %eq3A_28 = arith.cmpi eq, %arg1, %eq3A_27 : i32
    %convert_element_type3A_29 = arith.extui %eq3A_28 : i1 to i32
    %cond3A_30 = arith.constant 0 : i32
    %cond3A_31 = arith.cmpi ne, %convert_element_type3A_29, %cond3A_30 : i32
    scf.if %cond3A_31 {
      %get3A_32 = arith.constant 0 : index
      %get3A_33 = arith.constant 0 : index
      %get3A_34 = vector.load %arg11[%get3A_32, %get3A_33] : memref<512x8192xf32, #tpu.memory_space<vmem>>, vector<512x8192xf32>
      %reduce_min3A = arith.constant dense<0x7F800000> : vector<512xf32>
      %reduce_min3A_35 = vector.multi_reduction <minimumf>, %get3A_34, %reduce_min3A [1] : vector<512x8192xf32> to vector<512xf32>
      %broadcast_in_dim3A_36 = vector.shape_cast %reduce_min3A_35 : vector<512xf32> to vector<512x1xf32>
      %get3A_37 = arith.constant 0 : index
      %get3A_38 = arith.constant 0 : index
      %get3A_39 = vector.load %arg11[%get3A_37, %get3A_38] : memref<512x8192xf32, #tpu.memory_space<vmem>>, vector<512x8192xf32>
      %eq3A_40 = vector.broadcast %broadcast_in_dim3A_36 : vector<512x1xf32> to vector<512x8192xf32>
      %eq3A_41 = arith.cmpf oeq, %get3A_39, %eq3A_40 : vector<512x8192xf32>
      %get3A_42 = arith.constant 0 : index
      %get3A_43 = arith.constant 0 : index
      %get3A_44 = vector.load %arg9[%get3A_42, %get3A_43] : memref<1x8192xf32, #tpu.memory_space<vmem>>, vector<1x8192xf32>
      %get3A_45 = vector.shape_cast %get3A_44 : vector<1x8192xf32> to vector<8192xf32>
      %broadcast_in_dim3A_46 = vector.shape_cast %get3A_45 : vector<8192xf32> to vector<1x8192xf32>
      %jit3A = arith.constant 3.000000e+38 : f32
      %broadcast_in_dim3A_47 = vector.shape_cast %broadcast_in_dim3A_46 : vector<1x8192xf32> to vector<1x8192xf32>
      %broadcast_in_dim3A_48 = vector.broadcast %broadcast_in_dim3A_47 : vector<1x8192xf32> to vector<512x8192xf32>
      %broadcast_in_dim3A_49 = vector.broadcast %jit3A : f32 to vector<512x8192xf32>
      %select_n3A = arith.select %eq3A_41, %broadcast_in_dim3A_48, %broadcast_in_dim3A_49 : vector<512x8192xi1>, vector<512x8192xf32>
      %reduce_min3A_50 = arith.constant dense<0x7F800000> : vector<512xf32>
      %reduce_min3A_51 = vector.multi_reduction <minimumf>, %select_n3A, %reduce_min3A_50 [1] : vector<512x8192xf32> to vector<512xf32>
      %convert_element_type3A_52 = arith.fptosi %reduce_min3A_51 : vector<512xf32> to vector<512xi32>
      %mul3A_53 = arith.constant 512 : i32
      %mul3A_54 = arith.muli %arg0, %mul3A_53 : i32
      %swap3A_55 = arith.index_cast %mul3A_54 : i32 to index
      %swap3A_56 = vector.load %arg6[%swap3A_55] : memref<8192xi32, #tpu.memory_space<vmem>>, vector<512xi32>
      tpu.vector_store %arg6[%swap3A_55], %convert_element_type3A_52 {strides = array<i32>} : memref<8192xi32, #tpu.memory_space<vmem>>, vector<512xi32>,
      %squeeze3A = vector.shape_cast %broadcast_in_dim3A_36 : vector<512x1xf32> to vector<512xf32>
      %squeeze3A_57 = vector.shape_cast %broadcast_in_dim3A_36 : vector<512x1xf32> to vector<512xf32>
      %mul3A_58 = arith.mulf %squeeze3A, %squeeze3A_57 : vector<512xf32>
      %reduce_sum3A = vector.shape_cast %mul3A_58 : vector<512xf32> to vector<1x512xf32>
      %reduce_sum3A_59 = arith.constant dense<0.000000e+00> : vector<1xf32>
      %reduce_sum3A_60 = vector.multi_reduction <add>, %reduce_sum3A, %reduce_sum3A_59 [1] : vector<1x512xf32> to vector<1xf32>
      %reduce_sum3A_61 = vector.shape_cast %reduce_sum3A_60 : vector<1xf32> to vector<1x1xf32>
      %reduce_sum3A_62 = vector.extract %reduce_sum3A_61[0, 0] : f32 from vector<1x1xf32>
      %eq3A_63 = arith.constant 0 : i32
      %eq3A_64 = arith.cmpi eq, %arg0, %eq3A_63 : i32
      %get3A_65 = arith.constant 0 : index
      %get3A_66 = arith.constant 0 : index
      %get3A_67 = memref.load %arg12[%get3A_65, %get3A_66] : memref<1x1xf32, #tpu.memory_space<smem>>
      %jit3A_68 = arith.constant 0.000000e+00 : f32
      %select_n3A_69 = arith.select %eq3A_64, %jit3A_68, %get3A_67 : f32
      %add3A_70 = arith.addf %select_n3A_69, %reduce_sum3A_62 : f32
      %swap3A_71 = arith.constant 0 : index
      %swap3A_72 = arith.constant 0 : index
      %swap3A_73 = memref.load %arg12[%swap3A_71, %swap3A_72] : memref<1x1xf32, #tpu.memory_space<smem>>
      memref.store %add3A_70, %arg12[%swap3A_71, %swap3A_72] : memref<1x1xf32, #tpu.memory_space<smem>>
      %eq3A_74 = arith.constant 15 : i32
      %eq3A_75 = arith.cmpi eq, %arg0, %eq3A_74 : i32
      %convert_element_type3A_76 = arith.extui %eq3A_75 : i1 to i32
      %cond3A_77 = arith.constant 0 : i32
      %cond3A_78 = arith.cmpi ne, %convert_element_type3A_76, %cond3A_77 : i32
      scf.if %cond3A_78 {
        %get3A_79 = arith.constant 0 : index
        %get3A_80 = arith.constant 0 : index
        %get3A_81 = memref.load %arg12[%get3A_79, %get3A_80] : memref<1x1xf32, #tpu.memory_space<smem>>
        %div3A = arith.constant 0x4A000000 : f32
        %div3A_82 = arith.divf %get3A_81, %div3A : f32
        %swap3A_83 = arith.constant 0 : index
        %swap3A_84 = arith.constant 0 : index
        %swap3A_85 = memref.load %arg7[%swap3A_83, %swap3A_84] : memref<1x1xf32, #tpu.memory_space<smem>>
        memref.store %div3A_82, %arg7[%swap3A_83, %swap3A_84] : memref<1x1xf32, #tpu.memory_space<smem>>
        %mul3A_86 = arith.constant 2.500000e-01 : f32
        %mul3A_87 = arith.mulf %mul3A_86, %div3A_82 : f32
        %swap3A_88 = arith.constant 0 : index
        %swap3A_89 = arith.constant 0 : index
        %swap3A_90 = memref.load %arg8[%swap3A_88, %swap3A_89] : memref<1x1xf32, #tpu.memory_space<smem>>
        memref.store %mul3A_87, %arg8[%swap3A_88, %swap3A_89] : memref<1x1xf32, #tpu.memory_space<smem>>
      } else {
      }
    } else {
    }
    return
  }
  func.func @transform_0(%arg0: i32, %arg1: i32) -> (i32, i32) {
    %c0_i32 = arith.constant 0 : i32
    %c0_i32_0 = arith.constant 0 : i32
    return %arg0, %c0_i32 : i32, i32
  }
  func.func @transform_1(%arg0: i32, %arg1: i32) -> (i32, i32) {
    %c0_i32 = arith.constant 0 : i32
    %c0_i32_0 = arith.constant 0 : i32
    %c0_i32_1 = arith.constant 0 : i32
    return %c0_i32, %c0_i32_0 : i32, i32
  }
  func.func @transform_2(%arg0: i32, %arg1: i32) -> i32 {
    %c0_i32 = arith.constant 0 : i32
    %c0_i32_0 = arith.constant 0 : i32
    return %c0_i32 : i32
  }
  func.func @transform_3(%arg0: i32, %arg1: i32) -> (i32, i32) {
    %c0_i32 = arith.constant 0 : i32
    %c0_i32_0 = arith.constant 0 : i32
    %c0_i32_1 = arith.constant 0 : i32
    return %c0_i32, %c0_i32_0 : i32, i32
  }
  func.func @transform_4(%arg0: i32, %arg1: i32) -> i32 {
    %c0_i32 = arith.constant 0 : i32
    %c0_i32_0 = arith.constant 0 : i32
    return %c0_i32 : i32
  }
  func.func @transform_5(%arg0: i32, %arg1: i32) -> (i32, i32) {
    %c0_i32 = arith.constant 0 : i32
    %c0_i32_0 = arith.constant 0 : i32
    %c0_i32_1 = arith.constant 0 : i32
    return %c0_i32, %c0_i32_0 : i32, i32
  }
  func.func @transform_6(%arg0: i32, %arg1: i32) -> (i32, i32) {
    %c0_i32 = arith.constant 0 : i32
    %c0_i32_0 = arith.constant 0 : i32
    %c0_i32_1 = arith.constant 0 : i32
    return %c0_i32, %c0_i32_0 : i32, i32
  }
}

module attributes {stable_mosaic.version = 14 : i64} {
  func.func @_stats_body(%arg0: memref<2x8x8192xf32, #tpu.memory_space<vmem>>, %arg1: memref<1x1xf32, #tpu.memory_space<smem>>, %arg2: memref<1x1xf32, #tpu.memory_space<smem>>, %arg3: memref<1x1xf32, #tpu.memory_space<smem>>, %arg4: memref<1x1xf32, #tpu.memory_space<smem>>, %arg5: memref<1x1xi32, #tpu.memory_space<smem>>) attributes {dimension_semantics = [], scalar_prefetch = 0 : i64, scratch_operands = 0 : i64, tpu.core_type = #tpu.core_type<tc>} {
    %get3A = arith.constant 0 : index
    %get3A_0 = arith.constant 0 : index
    %get3A_1 = arith.constant 0 : index
    %get3A_2 = vector.load %arg0[%get3A, %get3A_0, %get3A_1] : memref<2x8x8192xf32, #tpu.memory_space<vmem>>, vector<1x8x8192xf32>
    %get3A_3 = vector.shape_cast %get3A_2 : vector<1x8x8192xf32> to vector<8x8192xf32>
    %get3A_4 = arith.constant 1 : index
    %get3A_5 = arith.constant 0 : index
    %get3A_6 = arith.constant 0 : index
    %get3A_7 = vector.load %arg0[%get3A_4, %get3A_5, %get3A_6] : memref<2x8x8192xf32, #tpu.memory_space<vmem>>, vector<1x8x8192xf32>
    %get3A_8 = vector.shape_cast %get3A_7 : vector<1x8x8192xf32> to vector<8x8192xf32>
    %add3A = arith.addf %get3A_3, %get3A_8 : vector<8x8192xf32>
    %reduce_sum3A = arith.constant dense<0.000000e+00> : vector<8xf32>
    %reduce_sum3A_9 = vector.multi_reduction <add>, %add3A, %reduce_sum3A [1] : vector<8x8192xf32> to vector<8xf32>
    %broadcast_in_dim3A = vector.shape_cast %reduce_sum3A_9 : vector<8xf32> to vector<8x1xf32>
    %max3A = arith.constant 1.000000e+00 : f32
    %max3A_10 = vector.broadcast %max3A : f32 to vector<8x1xf32>
    %max3A_11 = arith.maximumf %broadcast_in_dim3A, %max3A_10 : vector<8x1xf32>
    %div3A = vector.broadcast %max3A_11 : vector<8x1xf32> to vector<8x8192xf32>
    %div3A_12 = arith.divf %add3A, %div3A : vector<8x8192xf32>
    %add3A_13 = arith.constant 1.000000e-10 : f32
    %add3A_14 = vector.broadcast %add3A_13 : f32 to vector<8x8192xf32>
    %add3A_15 = arith.addf %div3A_12, %add3A_14 : vector<8x8192xf32>
    %log3A = math.log %add3A_15 : vector<8x8192xf32>
    %mul3A = arith.mulf %div3A_12, %log3A : vector<8x8192xf32>
    %reduce_sum3A_16 = arith.constant dense<0.000000e+00> : vector<8xf32>
    %reduce_sum3A_17 = vector.multi_reduction <add>, %mul3A, %reduce_sum3A_16 [1] : vector<8x8192xf32> to vector<8xf32>
    %neg3A = arith.constant 0.000000e+00 : f32
    %neg3A_18 = vector.broadcast %neg3A : f32 to vector<8xf32>
    %neg3A_19 = arith.subf %neg3A_18, %reduce_sum3A_17 : vector<8xf32>
    %exp3A = math.exp %neg3A_19 : vector<8xf32>
    %gt3A = arith.constant 0.000000e+00 : f32
    %gt3A_20 = vector.broadcast %gt3A : f32 to vector<8x8192xf32>
    %gt3A_21 = arith.cmpf ogt, %add3A, %gt3A_20 : vector<8x8192xf32>
    %convert_element_type3A = arith.extui %gt3A_21 : vector<8x8192xi1> to vector<8x8192xi32>
    %convert_element_type3A_22 = arith.sitofp %convert_element_type3A : vector<8x8192xi32> to vector<8x8192xf32>
    %reduce_sum3A_23 = arith.constant dense<0.000000e+00> : vector<8xf32>
    %reduce_sum3A_24 = vector.multi_reduction <add>, %convert_element_type3A_22, %reduce_sum3A_23 [1] : vector<8x8192xf32> to vector<8xf32>
    %reduce_sum3A_25 = vector.shape_cast %exp3A : vector<8xf32> to vector<1x8xf32>
    %reduce_sum3A_26 = arith.constant dense<0.000000e+00> : vector<1xf32>
    %reduce_sum3A_27 = vector.multi_reduction <add>, %reduce_sum3A_25, %reduce_sum3A_26 [1] : vector<1x8xf32> to vector<1xf32>
    %reduce_sum3A_28 = vector.shape_cast %reduce_sum3A_27 : vector<1xf32> to vector<1x1xf32>
    %reduce_sum3A_29 = vector.extract %reduce_sum3A_28[0, 0] : f32 from vector<1x1xf32>
    %div3A_30 = arith.constant 8.000000e+00 : f32
    %div3A_31 = arith.divf %reduce_sum3A_29, %div3A_30 : f32
    %reduce_sum3A_32 = vector.shape_cast %neg3A_19 : vector<8xf32> to vector<1x8xf32>
    %reduce_sum3A_33 = arith.constant dense<0.000000e+00> : vector<1xf32>
    %reduce_sum3A_34 = vector.multi_reduction <add>, %reduce_sum3A_32, %reduce_sum3A_33 [1] : vector<1x8xf32> to vector<1xf32>
    %reduce_sum3A_35 = vector.shape_cast %reduce_sum3A_34 : vector<1xf32> to vector<1x1xf32>
    %reduce_sum3A_36 = vector.extract %reduce_sum3A_35[0, 0] : f32 from vector<1x1xf32>
    %div3A_37 = arith.constant 8.000000e+00 : f32
    %div3A_38 = arith.divf %reduce_sum3A_36, %div3A_37 : f32
    %reduce_sum3A_39 = vector.shape_cast %reduce_sum3A_24 : vector<8xf32> to vector<1x8xf32>
    %reduce_sum3A_40 = arith.constant dense<0.000000e+00> : vector<1xf32>
    %reduce_sum3A_41 = vector.multi_reduction <add>, %reduce_sum3A_39, %reduce_sum3A_40 [1] : vector<1x8xf32> to vector<1xf32>
    %reduce_sum3A_42 = vector.shape_cast %reduce_sum3A_41 : vector<1xf32> to vector<1x1xf32>
    %reduce_sum3A_43 = vector.extract %reduce_sum3A_42[0, 0] : f32 from vector<1x1xf32>
    %div3A_44 = arith.constant 8.000000e+00 : f32
    %div3A_45 = arith.divf %reduce_sum3A_43, %div3A_44 : f32
    %swap3A = arith.constant 0 : index
    %swap3A_46 = arith.constant 0 : index
    %swap3A_47 = memref.load %arg1[%swap3A, %swap3A_46] : memref<1x1xf32, #tpu.memory_space<smem>>
    memref.store %div3A_31, %arg1[%swap3A, %swap3A_46] : memref<1x1xf32, #tpu.memory_space<smem>>
    %swap3A_48 = arith.constant 0 : index
    %swap3A_49 = arith.constant 0 : index
    %swap3A_50 = memref.load %arg2[%swap3A_48, %swap3A_49] : memref<1x1xf32, #tpu.memory_space<smem>>
    memref.store %div3A_38, %arg2[%swap3A_48, %swap3A_49] : memref<1x1xf32, #tpu.memory_space<smem>>
    %swap3A_51 = arith.constant 0 : index
    %swap3A_52 = arith.constant 0 : index
    %swap3A_53 = memref.load %arg3[%swap3A_51, %swap3A_52] : memref<1x1xf32, #tpu.memory_space<smem>>
    memref.store %div3A_45, %arg3[%swap3A_51, %swap3A_52] : memref<1x1xf32, #tpu.memory_space<smem>>
    %div3A_54 = arith.constant 8.192000e+03 : f32
    %div3A_55 = arith.divf %div3A_45, %div3A_54 : f32
    %mul3A_56 = arith.constant 1.000000e+02 : f32
    %mul3A_57 = arith.mulf %div3A_55, %mul3A_56 : f32
    %swap3A_58 = arith.constant 0 : index
    %swap3A_59 = arith.constant 0 : index
    %swap3A_60 = memref.load %arg4[%swap3A_58, %swap3A_59] : memref<1x1xf32, #tpu.memory_space<smem>>
    memref.store %mul3A_57, %arg4[%swap3A_58, %swap3A_59] : memref<1x1xf32, #tpu.memory_space<smem>>
    %reduce_sum3A_61 = arith.constant dense<0.000000e+00> : vector<8192xf32>
    %reduce_sum3A_62 = vector.multi_reduction <add>, %add3A, %reduce_sum3A_61 [0] : vector<8x8192xf32> to vector<8192xf32>
    %gt3A_63 = arith.constant 0.000000e+00 : f32
    %gt3A_64 = vector.broadcast %gt3A_63 : f32 to vector<8192xf32>
    %gt3A_65 = arith.cmpf ogt, %reduce_sum3A_62, %gt3A_64 : vector<8192xf32>
    %convert_element_type3A_66 = arith.extui %gt3A_65 : vector<8192xi1> to vector<8192xi32>
    %reduce_sum3A_67 = vector.shape_cast %convert_element_type3A_66 : vector<8192xi32> to vector<1x8192xi32>
    %reduce_sum3A_68 = arith.constant dense<0> : vector<1xi32>
    %reduce_sum3A_69 = vector.multi_reduction <add>, %reduce_sum3A_67, %reduce_sum3A_68 [1] : vector<1x8192xi32> to vector<1xi32>
    %reduce_sum3A_70 = vector.shape_cast %reduce_sum3A_69 : vector<1xi32> to vector<1x1xi32>
    %reduce_sum3A_71 = vector.extract %reduce_sum3A_70[0, 0] : i32 from vector<1x1xi32>
    %swap3A_72 = arith.constant 0 : index
    %swap3A_73 = arith.constant 0 : index
    %swap3A_74 = memref.load %arg5[%swap3A_72, %swap3A_73] : memref<1x1xi32, #tpu.memory_space<smem>>
    memref.store %reduce_sum3A_71, %arg5[%swap3A_72, %swap3A_73] : memref<1x1xi32, #tpu.memory_space<smem>>
    return
  }
}

</mosaic_0001>

<sc_bundles>
// kernel: kernel.5.cloned.1.call-start
scs
__scs_entry_jumppad:
0x0: {  	(pc) =	sbr.rel $0x88, $3  }
0x1: {  	(tag) =	ssettag $0x0;
	lr =	simm.s32 $0x1  }
0x2: {  	[smem:$0x3F9E] =	sst lr;
	_ =	strace $0xD0000000  }
0x3: {  	_ = 	snop  }
0x4: {  	_ = 	snop  }
0x5: {  	_ = 	snop  }
0x6: {  	_ = 	snop  }
0x7: {  	_ = 	snop  }
__scs_overlays_trampoline_lowered:
0x8: {  	[smem:$0x3FAD] =	sst s0  }
0x9: {  	[smem:$0x3FAE] =	sst s1  }
0xa: {  	[smem:$0x3FAF] =	sst s2  }
0xb: {  	[smem:$0x3FB0] =	sst s3  }
0xc: {  	[smem:$0x3FB1] =	sst s4  }
0xd: {  	[smem:$0x3FB2] =	sst s5  }
0xe: {  	[smem:$0x3FB3] =	sst s6  }
0xf: {  	[smem:$0x3FB4] =	sst s7  }
0x10: {  	[smem:$0x3FB5] =	sst s8  }
0x11: {  	[smem:$0x3FB6] =	sst s9;
	s0 =	simm.s32 @!p0 $0x0  }
0x12: {  	s1 =	sld [smem:$0x3F9C];
	s0 =	simm.s32 @p0 $0x1  }
0x13: {  	[smem:$0x3FB7] =	sst s0;
	s0 =	simm.s32 @!p1 $0x0  }
0x14: {  	s2 =	sld [smem:$0x3F9B];
	s0 =	simm.s32 @p1 $0x1  }
0x15: {  	[smem:$0x3FB8] =	sst s0;
	s0 =	simm.s32 @!p2 $0x0  }
0x16: {  	s3 =	sld [smem:$0x3FDB];
	s0 =	simm.s32 @p2 $0x1  }
0x17: {  	s4 =	simm.s32 $0x1BF5;
	[smem:$0x3FBA] =	sst s0  }
0x18: {  	s0 =	sld [smem:$0x3F9D];
	_ =	swait.ge [sflag:s4], $0x0  }
0x19: {  	s7 =	sld [smem:$0x3F9E]  }
0x1a: {  	s8 =	sadd.s32 $0xFFFFE003, lr  }
0x1b: {  	s9 =	sadd.s32 $0xFFFFFEF7, lr;
	s5 =	simm.s32 $0xFFFFFFFF;
	p2 =	slt.u32 s8, $0xFFFFF086  }
0x1c: {  	p1 =	slt.u32 s9, $0xF7A;
	s5 =	simm.s32 @!p2 $0x0  }
0x1d: {  	s5 =	simm.s32 @p1 $0x1;
	p0 =	seq.s32 s7, s2  }
0x1e: {  	s7 =	smul.u32 @!p0 $0xF7A, s2;
	p2 =	seq.s32 @!p0 s5, $0x0  }
0x1f: {  	s9 =	smul.u32 $0xF7A, s1;
	s8 =	simm.s32 @!p0 $0x1BF5;
	p2 =	por !p2, p0  }
0x20: {  	[sflag:s8] =	ssyncset.s32 @!p0 $0xFFFFF086;
	s6 =	sadd.s32 @!p0 s3, s7;
	s7 =	simm.s32 @!p0 $0x108  }
0x21: {  	s3 =	sadd.s32 s3, s9;
	s6 =	sadd.s32 @!p0 $0x88, s6;
	s7 =	simm.s32 @p2 $0x1082  }
0x22: {  	[simem:s7], [sflag:s8] =	dma.local @!p0 [hbm:s6], $0xF7A  }
0x23: {  	s9 =	sor.u32 $0xD0000000, s2;
	s6 =	simm.s32 $0x108;
	_ =	swait.ge @!p0 [sflag:s8], $0x0  }
0x24: {  	s3 =	sadd.s32 $0x88, s3;
	s6 =	simm.s32 @!p1 $0x1082;
	[sflag:s4] =	ssyncset.s32 $0xFFFFF086  }
0x25: {  	[simem:s6], [sflag:s4] =	dma.local [hbm:s3], $0xF7A  }
0x26: {  	[smem:$0x3F9E] =	sst s1;
	(tag) =	ssettag s2;
	_ =	strace s9  }
0x27: {  	s1 =	sld [smem:$0x3FAE]  }
0x28: {  	s2 =	sld [smem:$0x3FAF]  }
0x29: {  	s4 =	sld [smem:$0x3FB1]  }
0x2a: {  	p0 =	seq.s32 s5, $0x0;
	s5 =	sld [smem:$0x3FB2]  }
0x2b: {  	s6 =	sld [smem:$0x3FB3]  }
0x2c: {  	s7 =	sld [smem:$0x3FB4]  }
0x2d: {  	s3 =	simm.s32 $0x108;
	s8 =	sld [smem:$0x3FB5]  }
0x2e: {  	s3 =	simm.s32 @!p0 $0x1082;
	s9 =	sld [smem:$0x3FB6]  }
0x2f: {  	lr =	sadd.s32 s0, s3;
	s0 =	sld [smem:$0x3FAD]  }
0x30: {  	s3 =	sld [smem:$0x3FB0]  }
0x31: {  	[smem:$0x3FB9] =	sst s10  }
0x32: {  	s10 =	sld [smem:$0x3FB7];
	_ =	sdelay $0x3  }
0x33: {  	p0 =	seq.s32 s10, $0x1;
	s10 =	sld [smem:$0x3FB9];
	_ =	sdelay $0x3  }
0x34: {  	[smem:$0x3FB9] =	sst s10  }
0x35: {  	s10 =	sld [smem:$0x3FB8];
	_ =	sdelay $0x3  }
0x36: {  	p1 =	seq.s32 s10, $0x1;
	s10 =	sld [smem:$0x3FB9];
	_ =	sdelay $0x3  }
0x37: {  	[smem:$0x3FB9] =	sst s10  }
0x38: {  	s10 =	sld [smem:$0x3FBA]  }
0x39: {  	_ = 	snop;
	(pc) =	sbr.ind lr, $3  }
0x3a: {  	_ = 	snop  }
0x3b: {  	_ = 	snop  }
0x3c: {  	p2 =	seq.s32 s10, $0x1;
	s10 =	sld [smem:$0x3FB9]  }
0x3d: {  	_ =	shalt  }
0x3e: {  	_ =	shalt  }
0x3f: {  	_ =	shalt  }
0x40: {  	_ =	shalt  }
0x41: {  	_ =	shalt  }
0x42: {  	_ =	shalt  }
0x43: {  	_ =	shalt  }
0x44: {  	_ =	shalt  }
0x45: {  	_ =	shalt  }
0x46: {  	_ =	shalt  }
0x47: {  	_ =	shalt  }
0x48: {  	_ =	shalt  }
0x49: {  	_ =	shalt  }
0x4a: {  	_ =	shalt  }
0x4b: {  	_ =	shalt  }
0x4c: {  	_ =	shalt  }
0x4d: {  	_ =	shalt  }
0x4e: {  	_ =	shalt  }
0x4f: {  	_ =	shalt  }
0x50: {  	_ =	shalt  }
0x51: {  	_ =	shalt  }
0x52: {  	_ =	shalt  }
0x53: {  	_ =	shalt  }
0x54: {  	_ =	shalt  }
0x55: {  	_ =	shalt  }
0x56: {  	_ =	shalt  }
0x57: {  	_ =	shalt  }
0x58: {  	_ =	shalt  }
0x59: {  	_ =	shalt  }
0x5a: {  	_ =	shalt  }
0x5b: {  	_ =	shalt  }
0x5c: {  	_ =	shalt  }
0x5d: {  	_ =	shalt  }
0x5e: {  	_ =	shalt  }
0x5f: {  	_ =	shalt  }
0x60: {  	_ =	shalt  }
0x61: {  	_ =	shalt  }
0x62: {  	_ =	shalt  }
0x63: {  	_ =	shalt  }
0x64: {  	_ =	shalt  }
0x65: {  	_ =	shalt  }
0x66: {  	_ =	shalt  }
0x67: {  	_ =	shalt  }
0x68: {  	_ =	shalt  }
0x69: {  	_ =	shalt  }
0x6a: {  	_ =	shalt  }
0x6b: {  	_ =	shalt  }
0x6c: {  	_ =	shalt  }
0x6d: {  	_ =	shalt  }
0x6e: {  	_ =	shalt  }
0x6f: {  	_ =	shalt  }
0x70: {  	_ =	shalt  }
0x71: {  	_ =	shalt  }
0x72: {  	_ =	shalt  }
0x73: {  	_ =	shalt  }
0x74: {  	_ =	shalt  }
0x75: {  	_ =	shalt  }
0x76: {  	_ =	shalt  }
0x77: {  	_ =	shalt  }
0x78: {  	_ =	shalt  }
0x79: {  	_ =	shalt  }
0x7a: {  	_ =	shalt  }
0x7b: {  	_ =	shalt  }
0x7c: {  	_ =	shalt  }
0x7d: {  	_ =	shalt  }
0x7e: {  	_ =	shalt  }
0x7f: {  	_ =	shalt  }
0x80: {  	_ =	shalt  }
0x81: {  	_ =	shalt  }
0x82: {  	_ =	shalt  }
0x83: {  	_ =	shalt  }
0x84: {  	_ =	shalt  }
0x85: {  	_ =	shalt  }
0x86: {  	_ =	shalt  }
0x87: {  	_ =	shalt  }
.Lfunc_end0:
.L_simem_size_0:
called_computation_lowered:
.L_overlay_start_0:
0x88: {  	s2 =	sld [smem:$0x3FD9]  }
0x89: {  	s3 =	sld [smem:$0x3FFE];
	_ =	sdelay $0x1  }
0x8a: {  	s1 =	srdreg.scid  }
0x8b: {  	s0 =	sand.u32 $0x1, s1  }
0x8c: {  	s14 =	sshll.u32 s0, $0xA;
	s2 =	sadd.s32 s3, s2  }
0x8d: {  	s2 =	sadd.s32 s2, s14  }
0x8e: {  	[smem:$0x3FC5] =	sst s2  }
0x8f: {  	_ = 	snop  }
0x90: {  	s2 =	sld [smem:$0x3FD0];
	_ =	sdelay $0x1  }
0x91: {  	s15 =	sld [smem:$0x3FC8]  }
0x92: {  	s5 =	simm.s32 $0xA;
	s6 =	simm.s32 $0x10;
	s4 =	sld [smem:$0x3FC7]  }
0x93: {  	[smem:s6], [sflag:s5] =	dma.local [hbm:s2], $0x1  }
0x94: {  	_ =	swait.eq [sflag:s5], $0x1  }
0x95: {  	[sflag:s5] =	ssyncset.done $0x0  }
0x96: {  	s16 =	sld [smem:$0x10];
	[sflag:s5] =	ssyncadd.s32 $0xFFFFFFFF  }
0x97: {  	s17 =	sld [smem:$0x13];
	(tm) =	ssettm $0x1  }
0x98: {  	s18 =	sld [smem:$0x3FFB];
	_ =	sdelay $0x3  }
0x99: {  	_ =	strace s18  }
0x9a: {  	s6 =	sld [smem:$0x3FFC];
	_ =	sdelay $0x3  }
0x9b: {  	_ =	strace s6  }
0x9c: {  	s6 =	sld [smem:$0x3FFD];
	_ =	sdelay $0x3  }
0x9d: {  	_ =	strace s6  }
0x9e: {  	_ =	strace $0x8FFFFFFF  }
0x9f: {  	s19 =	sld [smem:$0x3FDB];
	_ =	sdelay $0x1  }
0xa0: {  	s7 =	simm.s32 $_scs_section_size  }
0xa1: {  	s8 =	simm.s32 $_size__tile_overlayer_lowered;
	s9 =	simm.s32 $_tile_overlayer_lowered  }
0xa2: {  	s22 =	simm.s32 $0x1BFF;
	s21 =	sshll.u32 s9, $0x1;
	s6 =	sadd.s32 s7, s19  }
0xa3: {  	s10 =	simm.s32 $0x0;
	s20 =	sshll.u32 s8, $0x1;
	s8 =	sadd.s32 s21, s6  }
0xa4: {  	[timem:s10], [sflag:s22] =	dma.local [hbm:s8], s20  }
0xa5: {  	_ =	swait.ge [sflag:s22], s20  }
0xa6: {  	s7 =	ssub.s32 $0x0, s20;
	[sflag:s22] =	ssyncset.done $0x0  }
0xa7: {  	[sflag:s22] =	ssyncadd.s32 s7;
	_ =	sdelay $0x1  }
0xa8: {  	s23 =	simm.s32 $0x1B8B  }
0xa9: {  	_ =	swait.ge [sflag:s23], $0x1  }
0xaa: {  	[sflag:s23] =	ssyncset.done $0x0  }
0xab: {  	s25 =	simm.s32 $0x1B8E;
	s24 =	sld [smem:$0x3FFE];
	[sflag:s23] =	ssyncadd.s32 $0xFFFFFFFF  }
0xac: {  	s26 =	simm.s32 $execute0_lowered;
	[smem:$0x3FD2] =	sst s25  }
0xad: {  	s8 =	sshll.u32 s26, $0x1;
	_ =	strace $0x80000046;
	[dreg:$0x1] =	wrdreg $0xFFFFFFFF  }
0xae: {  	s28 =	simm.s32 $_size_execute0_lowered;
	s6 =	sadd.s32 s6, s8;
	[dreg:$0x0] =	wrdreg $0x0  }
0xaf: {  	s8 =	sshll.u32 s28, $0x1;
	[dreg:$0x2] =	wrdreg s6  }
0xb0: {  	[dreg:$0x3] =	wrdreg s8  }
0xb1: {  	[dreg:$0x4] =	wrdreg $0xC0  }
0xb2: {  	_ =	task [dreg:s10], $0x5FFFF  }
0xb3: {  	[dreg:$0x1] =	wrdreg $0xFFFFFFFF  }
0xb4: {  	[dreg:$0x0] =	wrdreg $0x60  }
0xb5: {  	[dreg:$0x2] =	wrdreg s17  }
0xb6: {  	[dreg:$0x3] =	wrdreg s15  }
0xb7: {  	[dreg:$0x4] =	wrdreg s4  }
0xb8: {  	[dreg:$0x5] =	wrdreg s16  }
0xb9: {  	[dreg:$0x6] =	wrdreg s24  }
0xba: {  	[dreg:$0x7] =	wrdreg $0x113800  }
0xbb: {  	[dreg:$0x8] =	wrdreg $0x9  }
0xbc: {  	_ =	task.clear_ibuf [dreg:s10], $0x9FFFF;
	_ =	strace $0x90000046  }
0xbd: {  	s29 =	simm.s32 $0x9;
	_ =	strace $0x80000048  }
0xbe: {  	_ =	swait.ge [sflag:s29], $0x1  }
0xbf: {  	[sflag:s29] =	ssyncadd.s32 $0xFFFFFFFF  }
0xc0: {  	_ =	strace $0x90000048  }
0xc1: {  	_ =	sfence  }
0xc2: {  	s30 =	sld [smem:$0x0];
	_ =	sdelay $0x2  }
0xc3: {  	s31 =	sshll.u32 s1, $0xD;
	s1 =	sshrl.u32 s1, $0x2  }
0xc4: {  	s3 =	sand.u32 $0x4000, s31;
	s1 =	sadd.s32 s1, s30  }
0xc5: {  	s0 =	sor.u32 s3, s0;
	s1 =	sshll.u32 s1, $0x11  }
0xc6: {  	s0 =	sor.u32 s1, s0  }
0xc7: {  	s0 =	sadd.s32 $0x8F2B, s0  }
0xc8: {  	[sflag:s0] =	ssyncadd.remote.s32 $0x1  }
0xc9: {  	_ =	sfence.sel $0xFFFF  }
0xca: {  	[dreg:$0x0] =	wrdreg $0xFFFFFFFF;
	(pc) =	sbr.abs _section_cstart, $3  }
0xcb: {  	[dreg:$0x1] =	wrdreg $0xFFFFFFFF  }
0xcc: {  	_ =	task.clear_ibuf [dreg:s10], $0x2FFFF;
	_ =	strace $0x9FFFFFFF  }
0xcd: {  	(tm) =	ssettm $0x7FFFFFFF  }
tec
execute0_lowered:
.L_overlay_start_1:
0x0: {  	(tag) =	ssettag $0x1  }
0x1: {  	s2 =	rddreg [dreg:$0x0]  }
0x2: {  	s5 =	rddreg [dreg:$0x1]  }
0x3: {  	s1 =	rddreg [dreg:$0x2]  }
0x4: {  	s6 =	rddreg [dreg:$0x3]  }
0x5: {  	s7 =	rddreg [dreg:$0x4]  }
0x6: {  	s4 =	srdreg.scid;
	s0 =	stileid.u32  }
0x7: {  	s3 =	rddreg [dreg:$0x5];
	s12 =	simm.s32 $0x2380;
	s13 =	simm.s32 $0x2B80  }
0x8: {  	s14 =	simm.s32 $0x3380;
	s15 =	simm.s32 $0x3B80;
	s17 =	simm.s32 $0x4380  }
0x9: {  	s19 =	simm.s32 $0x4B80;
	s20 =	simm.s32 $0x5380;
	s22 =	simm.s32 $0x5B80  }
0xa: {  	s23 =	simm.s32 $0x6380;
	s8 =	sand.u32 $0x1, s4;
	s4 =	simm.s32 $0x0  }
0xb: {  	s28 =	simm.s32 $0x80;
	s29 =	simm.s32 $0x200;
	[smem:$0x7FF] =	sst s4  }
0xc: {  	s30 =	simm.s32 $0x300;
	_ =	strace $0x80000047;
	[dreg:$0xe] =	wrdreg s12  }
0xd: {  	s31 =	simm.s32 $0x280;
	s9 =	sshll.u32 s0, $0x1;
	[dreg:$0xf] =	wrdreg s13  }
0xe: {  	s26 =	sshll.u32 s0, $0xA;
	s21 =	sshll.u32 s0, $0xC;
	[dreg:$0x10] =	wrdreg s14  }
0xf: {  	s9 =	sor.u32 s8, s9;
	s11 =	sshll.u32 s8, $0x4;
	[dreg:$0x11] =	wrdreg s15  }
0x10: {  	s16 =	ssub.s32 $0x2, s8;
	s8 =	simm.s32 $0x100;
	[dreg:$0x12] =	wrdreg s17  }
0x11: {  	s10 =	sshll.u32 s9, $0x5;
	s7 =	sadd.s32 s11, s7;
	[dreg:$0x13] =	wrdreg s19  }
0x12: {  	s25 =	sshll.u32 s9, $0xD;
	s9 =	simm.s32 $0xB80;
	[dreg:$0x14] =	wrdreg s20  }
0x13: {  	s11 =	simm.s32 $0x1B80;
	s18 =	sshrl.u32 s16, $0x1;
	[dreg:$0x15] =	wrdreg s22  }
0x14: {  	[dreg:$0x16] =	wrdreg s23;
	s12 =	simm.s32 $0x9380;
	s13 =	simm.s32 $0x9B80  }
0x15: {  	s14 =	simm.s32 $0xA380;
	s15 =	simm.s32 $0xAB80;
	s17 =	simm.s32 $0xBB80  }
0x16: {  	s19 =	simm.s32 $0xCB80;
	s20 =	simm.s32 $0xD380;
	s22 =	simm.s32 $0xE380  }
0x17: {  	s23 =	simm.s32 $0xEB80;
	s2 =	sadd.s32 s2, s10;
	[dreg:$0xb] =	wrdreg s9  }
0x18: {  	s24 =	sadd.s32 s5, s10;
	s5 =	sadd.s32 s6, s25;
	[dreg:$0xd] =	wrdreg s11  }
0x19: {  	s6 =	sadd.s32 s26, s7;
	s10 =	simm.s32 $0x1380;
	[dreg:$0x7] =	wrdreg s2  }
0x1a: {  	s25 =	simm.s32 $0x7380;
	s26 =	simm.s32 $0x7B80;
	[dreg:$0x8] =	wrdreg s24  }
0x1b: {  	s9 =	simm.s32 $0x380;
	s11 =	simm.s32 $0x8B80;
	[dreg:$0x9] =	wrdreg s5  }
0x1c: {  	s7 =	sadd.s32 $0x600, s6;
	[dreg:$0xc] =	wrdreg s10;
	s6 =	ssub.s32 s16, s18  }
0x1d: {  	s5 =	sadd.s32 s21, s3;
	s24 =	simm.s32 $0x6B80;
	[dreg:$0x18] =	wrdreg s25  }
0x1e: {  	[dreg:$0x19] =	wrdreg s26;
	s16 =	simm.s32 $0xB380;
	s18 =	simm.s32 $0xC380  }
0x1f: {  	v2 =	vlaneseq.u32;
	vm0 =	vmmov $0xffff;
	s21 =	simm.s32 $0xDB80;
	s25 =	simm.s32 $0xFB80;
	s26 =	simm.s32 $0x10380  }
0x20: {  	v3 =	vimm.f32 $1.000000000e+00;
	v4 =	vimm.f32 $0.0e+00;
	v1 =	vshrl.u32 v2, $0x3;
	s2 =	simm.s32 $0x1;
	[dreg:$0xa] =	wrdreg s7;
	s6 =	smax.u32 s6, $0x1  }
0x21: {  	v0 =	vand.u32 $0x7, v2;
	v2 =	vor.u32 $0x8, v2;
	v1 =	vmul.u32 $0x8, v1;
	s7 =	simm.s32 $0x2;
	[dreg:$0x17] =	wrdreg s24;
	s24 =	simm.s32 $0xF380  }
.LBB2_1:
0x22: {  	s0 =	rddreg [dreg:$0x7]  }
0x23: {  	[tilespmem:s4], [sflag:$0x2] =	stream.linear.gather [hbm4b:s0+s4], $0x100, $0x38;
	[tilespmem:$0x12380] =	vst v63  }
0x24: {  	_ =	swait.ge [sflag:s7], $0x100  }
0x25: {  	[sflag:s7] =	ssyncset.done $0x0  }
0x26: {  	s10 =	rddreg [dreg:$0x8];
	[sflag:s7] =	ssyncadd.s32 $0xFFFFFF00  }
0x27: {  	[tilespmem:s8], [sflag:$0x2] =	stream.linear.gather [hbm4b:s10+s4], $0x100, $0x38;
	[tilespmem:$0x12380] =	vst v63  }
0x28: {  	_ =	swait.ge [sflag:s7], $0x100  }
0x29: {  	[sflag:s7] =	ssyncset.done $0x0  }
0x2a: {  	[sflag:s7] =	ssyncadd.s32 $0xFFFFFF00  }
0x2b: {  	v5 =	vld [tilespmem:$0x0];
	_ =	sdelay $0x4  }
0x2c: {  	v6 =	vshll.u32 v5, $0x1  }
0x2d: {  	v5 =	vand.u32 $0x7, v5;
	v6 =	vand.u32 $0xFFFFFFF0, v6  }
0x2e: {  	v5 =	vor.u32 v5, v6  }
0x2f: {  	v6 =	vperm.xlane v5, v0;
	_ =	sdelay $0x1  }
0x30: {  	v5 =	vperm.xlane v5, v2;
	v6 =	vadd.s32 v1, v6;
	_ =	sdelay $0x1  }
0x31: {  	v5 =	vadd.s32 v1, v5;
	_ =	sdelay $0x2  }
0x32: {  	[tilespmem:s9], [sflag:$0x1] =	stream.indirect_vreg.gather [hbm4b:s1+s4], $0x80, v6, vm0, $0xb8;
	[tilespmem:$0x12380] =	vst v63  }
0x33: {  	s10 =	rddreg [dreg:$0xb]  }
0x34: {  	[tilespmem:s10], [sflag:$0x1] =	stream.indirect_vreg.gather [hbm4b:s1+s4], $0x80, v5, vm0, $0xb8;
	[tilespmem:$0x12380] =	vst v63  }
0x35: {  	v5 =	vld [tilespmem:$0x10];
	_ =	sdelay $0x4  }
0x36: {  	v6 =	vshll.u32 v5, $0x1  }
0x37: {  	v5 =	vand.u32 $0x7, v5;
	v6 =	vand.u32 $0xFFFFFFF0, v6  }
0x38: {  	v5 =	vor.u32 v5, v6  }
0x39: {  	v6 =	vperm.xlane v5, v0;
	_ =	sdelay $0x1  }
0x3a: {  	v5 =	vperm.xlane v5, v2;
	v6 =	vadd.s32 v1, v6;
	_ =	sdelay $0x1  }
0x3b: {  	v5 =	vadd.s32 v1, v5;
	_ =	sdelay $0x1  }
0x3c: {  	s0 =	rddreg [dreg:$0xc]  }
0x3d: {  	[tilespmem:s0], [sflag:$0x1] =	stream.indirect_vreg.gather [hbm4b:s1+s4], $0x80, v6, vm0, $0xb8;
	[tilespmem:$0x12380] =	vst v63  }
0x3e: {  	s10 =	rddreg [dreg:$0xd]  }
0x3f: {  	[tilespmem:s10], [sflag:$0x1] =	stream.indirect_vreg.gather [hbm4b:s1+s4], $0x80, v5, vm0, $0xb8;
	[tilespmem:$0x12380] =	vst v63  }
0x40: {  	v5 =	vld [tilespmem:$0x20];
	_ =	sdelay $0x4  }
0x41: {  	v6 =	vshll.u32 v5, $0x1  }
0x42: {  	v5 =	vand.u32 $0x7, v5;
	v6 =	vand.u32 $0xFFFFFFF0, v6  }
0x43: {  	v5 =	vor.u32 v5, v6  }
0x44: {  	v6 =	vperm.xlane v5, v0;
	_ =	sdelay $0x1  }
0x45: {  	v5 =	vperm.xlane v5, v2;
	v6 =	vadd.s32 v1, v6;
	_ =	sdelay $0x1  }
0x46: {  	v5 =	vadd.s32 v1, v5;
	_ =	sdelay $0x1  }
0x47: {  	s0 =	rddreg [dreg:$0xe]  }
0x48: {  	[tilespmem:s0], [sflag:$0x1] =	stream.indirect_vreg.gather [hbm4b:s1+s4], $0x80, v6, vm0, $0xb8;
	[tilespmem:$0x12380] =	vst v63  }
0x49: {  	s10 =	rddreg [dreg:$0xf]  }
0x4a: {  	[tilespmem:s10], [sflag:$0x1] =	stream.indirect_vreg.gather [hbm4b:s1+s4], $0x80, v5, vm0, $0xb8;
	[tilespmem:$0x12380] =	vst v63  }
0x4b: {  	v5 =	vld [tilespmem:$0x30];
	_ =	sdelay $0x4  }
0x4c: {  	v6 =	vshll.u32 v5, $0x1  }
0x4d: {  	v5 =	vand.u32 $0x7, v5;
	v6 =	vand.u32 $0xFFFFFFF0, v6  }
0x4e: {  	v5 =	vor.u32 v5, v6  }
0x4f: {  	v6 =	vperm.xlane v5, v0;
	_ =	sdelay $0x1  }
0x50: {  	v5 =	vperm.xlane v5, v2;
	v6 =	vadd.s32 v1, v6;
	_ =	sdelay $0x1  }
0x51: {  	v5 =	vadd.s32 v1, v5;
	_ =	sdelay $0x1  }
0x52: {  	s0 =	rddreg [dreg:$0x10]  }
0x53: {  	[tilespmem:s0], [sflag:$0x1] =	stream.indirect_vreg.gather [hbm4b:s1+s4], $0x80, v6, vm0, $0xb8;
	[tilespmem:$0x12380] =	vst v63  }
0x54: {  	s10 =	rddreg [dreg:$0x11]  }
0x55: {  	[tilespmem:s10], [sflag:$0x1] =	stream.indirect_vreg.gather [hbm4b:s1+s4], $0x80, v5, vm0, $0xb8;
	[tilespmem:$0x12380] =	vst v63  }
0x56: {  	v5 =	vld [tilespmem:$0x40];
	_ =	sdelay $0x4  }
0x57: {  	v6 =	vshll.u32 v5, $0x1  }
0x58: {  	v5 =	vand.u32 $0x7, v5;
	v6 =	vand.u32 $0xFFFFFFF0, v6  }
0x59: {  	v5 =	vor.u32 v5, v6  }
0x5a: {  	v6 =	vperm.xlane v5, v0;
	_ =	sdelay $0x1  }
0x5b: {  	v5 =	vperm.xlane v5, v2;
	v6 =	vadd.s32 v1, v6;
	_ =	sdelay $0x1  }
0x5c: {  	v5 =	vadd.s32 v1, v5;
	_ =	sdelay $0x1  }
0x5d: {  	s0 =	rddreg [dreg:$0x12]  }
0x5e: {  	[tilespmem:s0], [sflag:$0x1] =	stream.indirect_vreg.gather [hbm4b:s1+s4], $0x80, v6, vm0, $0xb8;
	[tilespmem:$0x12380] =	vst v63  }
0x5f: {  	s10 =	rddreg [dreg:$0x13]  }
0x60: {  	[tilespmem:s10], [sflag:$0x1] =	stream.indirect_vreg.gather [hbm4b:s1+s4], $0x80, v5, vm0, $0xb8;
	[tilespmem:$0x12380] =	vst v63  }
0x61: {  	v5 =	vld [tilespmem:$0x50];
	_ =	sdelay $0x4  }
0x62: {  	v6 =	vshll.u32 v5, $0x1  }
0x63: {  	v5 =	vand.u32 $0x7, v5;
	v6 =	vand.u32 $0xFFFFFFF0, v6  }
0x64: {  	v5 =	vor.u32 v5, v6  }
0x65: {  	v6 =	vperm.xlane v5, v0;
	_ =	sdelay $0x1  }
0x66: {  	v5 =	vperm.xlane v5, v2;
	v6 =	vadd.s32 v1, v6;
	_ =	sdelay $0x1  }
0x67: {  	v5 =	vadd.s32 v1, v5;
	_ =	sdelay $0x1  }
0x68: {  	s0 =	rddreg [dreg:$0x14]  }
0x69: {  	[tilespmem:s0], [sflag:$0x1] =	stream.indirect_vreg.gather [hbm4b:s1+s4], $0x80, v6, vm0, $0xb8;
	[tilespmem:$0x12380] =	vst v63  }
0x6a: {  	s10 =	rddreg [dreg:$0x15]  }
0x6b: {  	[tilespmem:s10], [sflag:$0x1] =	stream.indirect_vreg.gather [hbm4b:s1+s4], $0x80, v5, vm0, $0xb8;
	[tilespmem:$0x12380] =	vst v63  }
0x6c: {  	v5 =	vld [tilespmem:$0x60];
	_ =	sdelay $0x4  }
0x6d: {  	v6 =	vshll.u32 v5, $0x1  }
0x6e: {  	v5 =	vand.u32 $0x7, v5;
	v6 =	vand.u32 $0xFFFFFFF0, v6  }
0x6f: {  	v5 =	vor.u32 v5, v6  }
0x70: {  	v6 =	vperm.xlane v5, v0;
	_ =	sdelay $0x1  }
0x71: {  	v5 =	vperm.xlane v5, v2;
	v6 =	vadd.s32 v1, v6;
	_ =	sdelay $0x1  }
0x72: {  	v5 =	vadd.s32 v1, v5;
	_ =	sdelay $0x1  }
0x73: {  	s0 =	rddreg [dreg:$0x16]  }
0x74: {  	[tilespmem:s0], [sflag:$0x1] =	stream.indirect_vreg.gather [hbm4b:s1+s4], $0x80, v6, vm0, $0xb8;
	[tilespmem:$0x12380] =	vst v63  }
0x75: {  	s10 =	rddreg [dreg:$0x17]  }
0x76: {  	[tilespmem:s10], [sflag:$0x1] =	stream.indirect_vreg.gather [hbm4b:s1+s4], $0x80, v5, vm0, $0xb8;
	[tilespmem:$0x12380] =	vst v63  }
0x77: {  	v5 =	vld [tilespmem:$0x70];
	_ =	sdelay $0x4  }
0x78: {  	v6 =	vshll.u32 v5, $0x1  }
0x79: {  	v5 =	vand.u32 $0x7, v5;
	v6 =	vand.u32 $0xFFFFFFF0, v6  }
0x7a: {  	v5 =	vor.u32 v5, v6  }
0x7b: {  	v6 =	vperm.xlane v5, v0;
	_ =	sdelay $0x1  }
0x7c: {  	v5 =	vperm.xlane v5, v2;
	v6 =	vadd.s32 v1, v6;
	_ =	sdelay $0x1  }
0x7d: {  	v5 =	vadd.s32 v1, v5;
	_ =	sdelay $0x1  }
0x7e: {  	s0 =	rddreg [dreg:$0x18]  }
0x7f: {  	[tilespmem:s0], [sflag:$0x1] =	stream.indirect_vreg.gather [hbm4b:s1+s4], $0x80, v6, vm0, $0xb8;
	[tilespmem:$0x12380] =	vst v63  }
0x80: {  	s10 =	rddreg [dreg:$0x19]  }
0x81: {  	[tilespmem:s10], [sflag:$0x1] =	stream.indirect_vreg.gather [hbm4b:s1+s4], $0x80, v5, vm0, $0xb8;
	[tilespmem:$0x12380] =	vst v63  }
0x82: {  	v5 =	vld [tilespmem:$0x80];
	_ =	sdelay $0x4  }
0x83: {  	v6 =	vshll.u32 v5, $0x1  }
0x84: {  	v5 =	vand.u32 $0x7, v5;
	v6 =	vand.u32 $0xFFFFFFF0, v6  }
0x85: {  	v5 =	vor.u32 v5, v6  }
0x86: {  	v6 =	vperm.xlane v5, v0;
	_ =	sdelay $0x1  }
0x87: {  	v5 =	vperm.xlane v5, v2;
	v6 =	vadd.s32 v1, v6;
	_ =	sdelay $0x1  }
0x88: {  	v5 =	vadd.s32 v1, v5;
	_ =	sdelay $0x1  }
0x89: {  	s10 =	simm.s32 $0x8380  }
0x8a: {  	[tilespmem:s10], [sflag:$0x1] =	stream.indirect_vreg.gather [hbm4b:s1+s4], $0x80, v6, vm0, $0xb8;
	[tilespmem:$0x12380] =	vst v63  }
0x8b: {  	_ = 	snop  }
0x8c: {  	[tilespmem:s11], [sflag:$0x1] =	stream.indirect_vreg.gather [hbm4b:s1+s4], $0x80, v5, vm0, $0xb8;
	[tilespmem:$0x12380] =	vst v63  }
0x8d: {  	v5 =	vld [tilespmem:$0x90];
	_ =	sdelay $0x4  }
0x8e: {  	v6 =	vshll.u32 v5, $0x1  }
0x8f: {  	v5 =	vand.u32 $0x7, v5;
	v6 =	vand.u32 $0xFFFFFFF0, v6  }
0x90: {  	v5 =	vor.u32 v5, v6  }
0x91: {  	v6 =	vperm.xlane v5, v0;
	_ =	sdelay $0x1  }
0x92: {  	v5 =	vperm.xlane v5, v2;
	v6 =	vadd.s32 v1, v6;
	_ =	sdelay $0x1  }
0x93: {  	v5 =	vadd.s32 v1, v5;
	_ =	sdelay $0x2  }
0x94: {  	[tilespmem:s12], [sflag:$0x1] =	stream.indirect_vreg.gather [hbm4b:s1+s4], $0x80, v6, vm0, $0xb8;
	[tilespmem:$0x12380] =	vst v63  }
0x95: {  	_ = 	snop  }
0x96: {  	[tilespmem:s13], [sflag:$0x1] =	stream.indirect_vreg.gather [hbm4b:s1+s4], $0x80, v5, vm0, $0xb8;
	[tilespmem:$0x12380] =	vst v63  }
0x97: {  	v5 =	vld [tilespmem:$0xA0];
	_ =	sdelay $0x4  }
0x98: {  	v6 =	vshll.u32 v5, $0x1  }
0x99: {  	v5 =	vand.u32 $0x7, v5;
	v6 =	vand.u32 $0xFFFFFFF0, v6  }
0x9a: {  	v5 =	vor.u32 v5, v6  }
0x9b: {  	v6 =	vperm.xlane v5, v0;
	_ =	sdelay $0x1  }
0x9c: {  	v5 =	vperm.xlane v5, v2;
	v6 =	vadd.s32 v1, v6;
	_ =	sdelay $0x1  }
0x9d: {  	v5 =	vadd.s32 v1, v5;
	_ =	sdelay $0x2  }
0x9e: {  	[tilespmem:s14], [sflag:$0x1] =	stream.indirect_vreg.gather [hbm4b:s1+s4], $0x80, v6, vm0, $0xb8;
	[tilespmem:$0x12380] =	vst v63  }
0x9f: {  	_ = 	snop  }
0xa0: {  	[tilespmem:s15], [sflag:$0x1] =	stream.indirect_vreg.gather [hbm4b:s1+s4], $0x80, v5, vm0, $0xb8;
	[tilespmem:$0x12380] =	vst v63  }
0xa1: {  	v5 =	vld [tilespmem:$0xB0];
	_ =	sdelay $0x4  }
0xa2: {  	v6 =	vshll.u32 v5, $0x1  }
0xa3: {  	v5 =	vand.u32 $0x7, v5;
	v6 =	vand.u32 $0xFFFFFFF0, v6  }
0xa4: {  	v5 =	vor.u32 v5, v6  }
0xa5: {  	v6 =	vperm.xlane v5, v0;
	_ =	sdelay $0x1  }
0xa6: {  	v5 =	vperm.xlane v5, v2;
	v6 =	vadd.s32 v1, v6;
	_ =	sdelay $0x1  }
0xa7: {  	v5 =	vadd.s32 v1, v5;
	_ =	sdelay $0x2  }
0xa8: {  	[tilespmem:s16], [sflag:$0x1] =	stream.indirect_vreg.gather [hbm4b:s1+s4], $0x80, v6, vm0, $0xb8;
	[tilespmem:$0x12380] =	vst v63  }
0xa9: {  	_ = 	snop  }
0xaa: {  	[tilespmem:s17], [sflag:$0x1] =	stream.indirect_vreg.gather [hbm4b:s1+s4], $0x80, v5, vm0, $0xb8;
	[tilespmem:$0x12380] =	vst v63  }
0xab: {  	v5 =	vld [tilespmem:$0xC0];
	_ =	sdelay $0x4  }
0xac: {  	v6 =	vshll.u32 v5, $0x1  }
0xad: {  	v5 =	vand.u32 $0x7, v5;
	v6 =	vand.u32 $0xFFFFFFF0, v6  }
0xae: {  	v5 =	vor.u32 v5, v6  }
0xaf: {  	v6 =	vperm.xlane v5, v0;
	_ =	sdelay $0x1  }
0xb0: {  	v5 =	vperm.xlane v5, v2;
	v6 =	vadd.s32 v1, v6;
	_ =	sdelay $0x1  }
0xb1: {  	v5 =	vadd.s32 v1, v5;
	_ =	sdelay $0x2  }
0xb2: {  	[tilespmem:s18], [sflag:$0x1] =	stream.indirect_vreg.gather [hbm4b:s1+s4], $0x80, v6, vm0, $0xb8;
	[tilespmem:$0x12380] =	vst v63  }
0xb3: {  	_ = 	snop  }
0xb4: {  	[tilespmem:s19], [sflag:$0x1] =	stream.indirect_vreg.gather [hbm4b:s1+s4], $0x80, v5, vm0, $0xb8;
	[tilespmem:$0x12380] =	vst v63  }
0xb5: {  	v5 =	vld [tilespmem:$0xD0];
	_ =	sdelay $0x4  }
0xb6: {  	v6 =	vshll.u32 v5, $0x1  }
0xb7: {  	v5 =	vand.u32 $0x7, v5;
	v6 =	vand.u32 $0xFFFFFFF0, v6  }
0xb8: {  	v5 =	vor.u32 v5, v6  }
0xb9: {  	v6 =	vperm.xlane v5, v0;
	_ =	sdelay $0x1  }
0xba: {  	v5 =	vperm.xlane v5, v2;
	v6 =	vadd.s32 v1, v6;
	_ =	sdelay $0x1  }
0xbb: {  	v5 =	vadd.s32 v1, v5;
	_ =	sdelay $0x2  }
0xbc: {  	[tilespmem:s20], [sflag:$0x1] =	stream.indirect_vreg.gather [hbm4b:s1+s4], $0x80, v6, vm0, $0xb8;
	[tilespmem:$0x12380] =	vst v63  }
0xbd: {  	_ = 	snop  }
0xbe: {  	[tilespmem:s21], [sflag:$0x1] =	stream.indirect_vreg.gather [hbm4b:s1+s4], $0x80, v5, vm0, $0xb8;
	[tilespmem:$0x12380] =	vst v63  }
0xbf: {  	v5 =	vld [tilespmem:$0xE0];
	_ =	sdelay $0x4  }
0xc0: {  	v6 =	vshll.u32 v5, $0x1  }
0xc1: {  	v5 =	vand.u32 $0x7, v5;
	v6 =	vand.u32 $0xFFFFFFF0, v6  }
0xc2: {  	v5 =	vor.u32 v5, v6  }
0xc3: {  	v6 =	vperm.xlane v5, v0;
	_ =	sdelay $0x1  }
0xc4: {  	v5 =	vperm.xlane v5, v2;
	v6 =	vadd.s32 v1, v6;
	_ =	sdelay $0x1  }
0xc5: {  	v5 =	vadd.s32 v1, v5;
	_ =	sdelay $0x2  }
0xc6: {  	[tilespmem:s22], [sflag:$0x1] =	stream.indirect_vreg.gather [hbm4b:s1+s4], $0x80, v6, vm0, $0xb8;
	[tilespmem:$0x12380] =	vst v63  }
0xc7: {  	_ = 	snop  }
0xc8: {  	[tilespmem:s23], [sflag:$0x1] =	stream.indirect_vreg.gather [hbm4b:s1+s4], $0x80, v5, vm0, $0xb8;
	[tilespmem:$0x12380] =	vst v63  }
0xc9: {  	v5 =	vld [tilespmem:$0xF0];
	_ =	sdelay $0x4  }
0xca: {  	v6 =	vshll.u32 v5, $0x1  }
0xcb: {  	v5 =	vand.u32 $0x7, v5;
	v6 =	vand.u32 $0xFFFFFFF0, v6  }
0xcc: {  	v5 =	vor.u32 v5, v6  }
0xcd: {  	v6 =	vperm.xlane v5, v0;
	_ =	sdelay $0x1  }
0xce: {  	v5 =	vperm.xlane v5, v2;
	v6 =	vadd.s32 v1, v6;
	_ =	sdelay $0x1  }
0xcf: {  	v5 =	vadd.s32 v1, v5;
	_ =	sdelay $0x2  }
0xd0: {  	[tilespmem:s24], [sflag:$0x1] =	stream.indirect_vreg.gather [hbm4b:s1+s4], $0x80, v6, vm0, $0xb8;
	[tilespmem:$0x12380] =	vst v63  }
0xd1: {  	_ = 	snop  }
0xd2: {  	[tilespmem:s25], [sflag:$0x1] =	stream.indirect_vreg.gather [hbm4b:s1+s4], $0x80, v5, vm0, $0xb8;
	[tilespmem:$0x12380] =	vst v63  }
0xd3: {  	[tilespmem:$0x300] =	vst v3  }
0xd4: {  	[tilespmem:$0x310] =	vst v3  }
0xd5: {  	[tilespmem:$0x320] =	vst v3  }
0xd6: {  	[tilespmem:$0x330] =	vst v3  }
0xd7: {  	[tilespmem:$0x340] =	vst v3  }
0xd8: {  	[tilespmem:$0x350] =	vst v3  }
0xd9: {  	[tilespmem:$0x360] =	vst v3  }
0xda: {  	[tilespmem:$0x370] =	vst v3  }
0xdb: {  	[tilespmem:$0x10380] =	vst v4  }
0xdc: {  	[tilespmem:$0x10390] =	vst v4  }
0xdd: {  	[tilespmem:$0x103A0] =	vst v4  }
0xde: {  	[tilespmem:$0x103B0] =	vst v4  }
0xdf: {  	[tilespmem:$0x103C0] =	vst v4  }
0xe0: {  	[tilespmem:$0x103D0] =	vst v4  }
0xe1: {  	[tilespmem:$0x103E0] =	vst v4  }
0xe2: {  	[tilespmem:$0x103F0] =	vst v4  }
0xe3: {  	[tilespmem:$0x10400] =	vst v4  }
0xe4: {  	[tilespmem:$0x10410] =	vst v4  }
0xe5: {  	[tilespmem:$0x10420] =	vst v4  }
0xe6: {  	[tilespmem:$0x10430] =	vst v4  }
0xe7: {  	[tilespmem:$0x10440] =	vst v4  }
0xe8: {  	[tilespmem:$0x10450] =	vst v4  }
0xe9: {  	[tilespmem:$0x10460] =	vst v4  }
0xea: {  	[tilespmem:$0x10470] =	vst v4  }
0xeb: {  	[tilespmem:$0x10480] =	vst v4  }
0xec: {  	[tilespmem:$0x10490] =	vst v4  }
0xed: {  	[tilespmem:$0x104A0] =	vst v4  }
0xee: {  	[tilespmem:$0x104B0] =	vst v4  }
0xef: {  	[tilespmem:$0x104C0] =	vst v4  }
0xf0: {  	[tilespmem:$0x104D0] =	vst v4  }
0xf1: {  	[tilespmem:$0x104E0] =	vst v4  }
0xf2: {  	[tilespmem:$0x104F0] =	vst v4  }
0xf3: {  	[tilespmem:$0x10500] =	vst v4  }
0xf4: {  	[tilespmem:$0x10510] =	vst v4  }
0xf5: {  	[tilespmem:$0x10520] =	vst v4  }
0xf6: {  	[tilespmem:$0x10530] =	vst v4  }
0xf7: {  	[tilespmem:$0x10540] =	vst v4  }
0xf8: {  	[tilespmem:$0x10550] =	vst v4  }
0xf9: {  	[tilespmem:$0x10560] =	vst v4  }
0xfa: {  	[tilespmem:$0x10570] =	vst v4  }
0xfb: {  	[tilespmem:$0x10580] =	vst v4  }
0xfc: {  	[tilespmem:$0x10590] =	vst v4  }
0xfd: {  	[tilespmem:$0x105A0] =	vst v4  }
0xfe: {  	[tilespmem:$0x105B0] =	vst v4  }
0xff: {  	[tilespmem:$0x105C0] =	vst v4  }
0x100: {  	[tilespmem:$0x105D0] =	vst v4  }
0x101: {  	[tilespmem:$0x105E0] =	vst v4  }
0x102: {  	[tilespmem:$0x105F0] =	vst v4  }
0x103: {  	[tilespmem:$0x10600] =	vst v4  }
0x104: {  	[tilespmem:$0x10610] =	vst v4  }
0x105: {  	[tilespmem:$0x10620] =	vst v4  }
0x106: {  	[tilespmem:$0x10630] =	vst v4  }
0x107: {  	[tilespmem:$0x10640] =	vst v4  }
0x108: {  	[tilespmem:$0x10650] =	vst v4  }
0x109: {  	[tilespmem:$0x10660] =	vst v4  }
0x10a: {  	[tilespmem:$0x10670] =	vst v4  }
0x10b: {  	[tilespmem:$0x10680] =	vst v4  }
0x10c: {  	[tilespmem:$0x10690] =	vst v4  }
0x10d: {  	[tilespmem:$0x106A0] =	vst v4  }
0x10e: {  	[tilespmem:$0x106B0] =	vst v4  }
0x10f: {  	[tilespmem:$0x106C0] =	vst v4  }
0x110: {  	[tilespmem:$0x106D0] =	vst v4  }
0x111: {  	[tilespmem:$0x106E0] =	vst v4  }
0x112: {  	[tilespmem:$0x106F0] =	vst v4  }
0x113: {  	[tilespmem:$0x10700] =	vst v4  }
0x114: {  	[tilespmem:$0x10710] =	vst v4  }
0x115: {  	[tilespmem:$0x10720] =	vst v4  }
0x116: {  	[tilespmem:$0x10730] =	vst v4  }
0x117: {  	[tilespmem:$0x10740] =	vst v4  }
0x118: {  	[tilespmem:$0x10750] =	vst v4  }
0x119: {  	[tilespmem:$0x10760] =	vst v4  }
0x11a: {  	[tilespmem:$0x10770] =	vst v4  }
0x11b: {  	[tilespmem:$0x10780] =	vst v4  }
0x11c: {  	[tilespmem:$0x10790] =	vst v4  }
0x11d: {  	[tilespmem:$0x107A0] =	vst v4  }
0x11e: {  	[tilespmem:$0x107B0] =	vst v4  }
0x11f: {  	[tilespmem:$0x107C0] =	vst v4  }
0x120: {  	[tilespmem:$0x107D0] =	vst v4  }
0x121: {  	[tilespmem:$0x107E0] =	vst v4  }
0x122: {  	[tilespmem:$0x107F0] =	vst v4  }
0x123: {  	[tilespmem:$0x10800] =	vst v4  }
0x124: {  	[tilespmem:$0x10810] =	vst v4  }
0x125: {  	[tilespmem:$0x10820] =	vst v4  }
0x126: {  	[tilespmem:$0x10830] =	vst v4  }
0x127: {  	[tilespmem:$0x10840] =	vst v4  }
0x128: {  	[tilespmem:$0x10850] =	vst v4  }
0x129: {  	[tilespmem:$0x10860] =	vst v4  }
0x12a: {  	[tilespmem:$0x10870] =	vst v4  }
0x12b: {  	[tilespmem:$0x10880] =	vst v4  }
0x12c: {  	[tilespmem:$0x10890] =	vst v4  }
0x12d: {  	[tilespmem:$0x108A0] =	vst v4  }
0x12e: {  	[tilespmem:$0x108B0] =	vst v4  }
0x12f: {  	[tilespmem:$0x108C0] =	vst v4  }
0x130: {  	[tilespmem:$0x108D0] =	vst v4  }
0x131: {  	[tilespmem:$0x108E0] =	vst v4  }
0x132: {  	[tilespmem:$0x108F0] =	vst v4  }
0x133: {  	[tilespmem:$0x10900] =	vst v4  }
0x134: {  	[tilespmem:$0x10910] =	vst v4  }
0x135: {  	[tilespmem:$0x10920] =	vst v4  }
0x136: {  	[tilespmem:$0x10930] =	vst v4  }
0x137: {  	[tilespmem:$0x10940] =	vst v4  }
0x138: {  	[tilespmem:$0x10950] =	vst v4  }
0x139: {  	[tilespmem:$0x10960] =	vst v4  }
0x13a: {  	[tilespmem:$0x10970] =	vst v4  }
0x13b: {  	[tilespmem:$0x10980] =	vst v4  }
0x13c: {  	[tilespmem:$0x10990] =	vst v4  }
0x13d: {  	[tilespmem:$0x109A0] =	vst v4  }
0x13e: {  	[tilespmem:$0x109B0] =	vst v4  }
0x13f: {  	[tilespmem:$0x109C0] =	vst v4  }
0x140: {  	[tilespmem:$0x109D0] =	vst v4  }
0x141: {  	[tilespmem:$0x109E0] =	vst v4  }
0x142: {  	[tilespmem:$0x109F0] =	vst v4  }
0x143: {  	[tilespmem:$0x10A00] =	vst v4  }
0x144: {  	[tilespmem:$0x10A10] =	vst v4  }
0x145: {  	[tilespmem:$0x10A20] =	vst v4  }
0x146: {  	[tilespmem:$0x10A30] =	vst v4  }
0x147: {  	[tilespmem:$0x10A40] =	vst v4  }
0x148: {  	[tilespmem:$0x10A50] =	vst v4  }
0x149: {  	[tilespmem:$0x10A60] =	vst v4  }
0x14a: {  	[tilespmem:$0x10A70] =	vst v4  }
0x14b: {  	[tilespmem:$0x10A80] =	vst v4  }
0x14c: {  	[tilespmem:$0x10A90] =	vst v4  }
0x14d: {  	[tilespmem:$0x10AA0] =	vst v4  }
0x14e: {  	[tilespmem:$0x10AB0] =	vst v4  }
0x14f: {  	[tilespmem:$0x10AC0] =	vst v4  }
0x150: {  	[tilespmem:$0x10AD0] =	vst v4  }
0x151: {  	[tilespmem:$0x10AE0] =	vst v4  }
0x152: {  	[tilespmem:$0x10AF0] =	vst v4  }
0x153: {  	[tilespmem:$0x10B00] =	vst v4  }
0x154: {  	[tilespmem:$0x10B10] =	vst v4  }
0x155: {  	[tilespmem:$0x10B20] =	vst v4  }
0x156: {  	[tilespmem:$0x10B30] =	vst v4  }
0x157: {  	[tilespmem:$0x10B40] =	vst v4  }
0x158: {  	[tilespmem:$0x10B50] =	vst v4  }
0x159: {  	[tilespmem:$0x10B60] =	vst v4  }
0x15a: {  	[tilespmem:$0x10B70] =	vst v4  }
0x15b: {  	[tilespmem:$0x10B80] =	vst v4  }
0x15c: {  	[tilespmem:$0x10B90] =	vst v4  }
0x15d: {  	[tilespmem:$0x10BA0] =	vst v4  }
0x15e: {  	[tilespmem:$0x10BB0] =	vst v4  }
0x15f: {  	[tilespmem:$0x10BC0] =	vst v4  }
0x160: {  	[tilespmem:$0x10BD0] =	vst v4  }
0x161: {  	[tilespmem:$0x10BE0] =	vst v4  }
0x162: {  	[tilespmem:$0x10BF0] =	vst v4  }
0x163: {  	[tilespmem:$0x10C00] =	vst v4  }
0x164: {  	[tilespmem:$0x10C10] =	vst v4  }
0x165: {  	[tilespmem:$0x10C20] =	vst v4  }
0x166: {  	[tilespmem:$0x10C30] =	vst v4  }
0x167: {  	[tilespmem:$0x10C40] =	vst v4  }
0x168: {  	[tilespmem:$0x10C50] =	vst v4  }
0x169: {  	[tilespmem:$0x10C60] =	vst v4  }
0x16a: {  	[tilespmem:$0x10C70] =	vst v4  }
0x16b: {  	[tilespmem:$0x10C80] =	vst v4  }
0x16c: {  	[tilespmem:$0x10C90] =	vst v4  }
0x16d: {  	[tilespmem:$0x10CA0] =	vst v4  }
0x16e: {  	[tilespmem:$0x10CB0] =	vst v4  }
0x16f: {  	[tilespmem:$0x10CC0] =	vst v4  }
0x170: {  	[tilespmem:$0x10CD0] =	vst v4  }
0x171: {  	[tilespmem:$0x10CE0] =	vst v4  }
0x172: {  	[tilespmem:$0x10CF0] =	vst v4  }
0x173: {  	[tilespmem:$0x10D00] =	vst v4  }
0x174: {  	[tilespmem:$0x10D10] =	vst v4  }
0x175: {  	[tilespmem:$0x10D20] =	vst v4  }
0x176: {  	[tilespmem:$0x10D30] =	vst v4  }
0x177: {  	[tilespmem:$0x10D40] =	vst v4  }
0x178: {  	[tilespmem:$0x10D50] =	vst v4  }
0x179: {  	[tilespmem:$0x10D60] =	vst v4  }
0x17a: {  	[tilespmem:$0x10D70] =	vst v4  }
0x17b: {  	[tilespmem:$0x10D80] =	vst v4  }
0x17c: {  	[tilespmem:$0x10D90] =	vst v4  }
0x17d: {  	[tilespmem:$0x10DA0] =	vst v4  }
0x17e: {  	[tilespmem:$0x10DB0] =	vst v4  }
0x17f: {  	[tilespmem:$0x10DC0] =	vst v4  }
0x180: {  	[tilespmem:$0x10DD0] =	vst v4  }
0x181: {  	[tilespmem:$0x10DE0] =	vst v4  }
0x182: {  	[tilespmem:$0x10DF0] =	vst v4  }
0x183: {  	[tilespmem:$0x10E00] =	vst v4  }
0x184: {  	[tilespmem:$0x10E10] =	vst v4  }
0x185: {  	[tilespmem:$0x10E20] =	vst v4  }
0x186: {  	[tilespmem:$0x10E30] =	vst v4  }
0x187: {  	[tilespmem:$0x10E40] =	vst v4  }
0x188: {  	[tilespmem:$0x10E50] =	vst v4  }
0x189: {  	[tilespmem:$0x10E60] =	vst v4  }
0x18a: {  	[tilespmem:$0x10E70] =	vst v4  }
0x18b: {  	[tilespmem:$0x10E80] =	vst v4  }
0x18c: {  	[tilespmem:$0x10E90] =	vst v4  }
0x18d: {  	[tilespmem:$0x10EA0] =	vst v4  }
0x18e: {  	[tilespmem:$0x10EB0] =	vst v4  }
0x18f: {  	[tilespmem:$0x10EC0] =	vst v4  }
0x190: {  	[tilespmem:$0x10ED0] =	vst v4  }
0x191: {  	[tilespmem:$0x10EE0] =	vst v4  }
0x192: {  	[tilespmem:$0x10EF0] =	vst v4  }
0x193: {  	[tilespmem:$0x10F00] =	vst v4  }
0x194: {  	[tilespmem:$0x10F10] =	vst v4  }
0x195: {  	[tilespmem:$0x10F20] =	vst v4  }
0x196: {  	[tilespmem:$0x10F30] =	vst v4  }
0x197: {  	[tilespmem:$0x10F40] =	vst v4  }
0x198: {  	[tilespmem:$0x10F50] =	vst v4  }
0x199: {  	[tilespmem:$0x10F60] =	vst v4  }
0x19a: {  	[tilespmem:$0x10F70] =	vst v4  }
0x19b: {  	[tilespmem:$0x10F80] =	vst v4  }
0x19c: {  	[tilespmem:$0x10F90] =	vst v4  }
0x19d: {  	[tilespmem:$0x10FA0] =	vst v4  }
0x19e: {  	[tilespmem:$0x10FB0] =	vst v4  }
0x19f: {  	[tilespmem:$0x10FC0] =	vst v4  }
0x1a0: {  	[tilespmem:$0x10FD0] =	vst v4  }
0x1a1: {  	[tilespmem:$0x10FE0] =	vst v4  }
0x1a2: {  	[tilespmem:$0x10FF0] =	vst v4  }
0x1a3: {  	[tilespmem:$0x11000] =	vst v4  }
0x1a4: {  	[tilespmem:$0x11010] =	vst v4  }
0x1a5: {  	[tilespmem:$0x11020] =	vst v4  }
0x1a6: {  	[tilespmem:$0x11030] =	vst v4  }
0x1a7: {  	[tilespmem:$0x11040] =	vst v4  }
0x1a8: {  	[tilespmem:$0x11050] =	vst v4  }
0x1a9: {  	[tilespmem:$0x11060] =	vst v4  }
0x1aa: {  	[tilespmem:$0x11070] =	vst v4  }
0x1ab: {  	[tilespmem:$0x11080] =	vst v4  }
0x1ac: {  	[tilespmem:$0x11090] =	vst v4  }
0x1ad: {  	[tilespmem:$0x110A0] =	vst v4  }
0x1ae: {  	[tilespmem:$0x110B0] =	vst v4  }
0x1af: {  	[tilespmem:$0x110C0] =	vst v4  }
0x1b0: {  	[tilespmem:$0x110D0] =	vst v4  }
0x1b1: {  	[tilespmem:$0x110E0] =	vst v4  }
0x1b2: {  	[tilespmem:$0x110F0] =	vst v4  }
0x1b3: {  	[tilespmem:$0x11100] =	vst v4  }
0x1b4: {  	[tilespmem:$0x11110] =	vst v4  }
0x1b5: {  	[tilespmem:$0x11120] =	vst v4  }
0x1b6: {  	[tilespmem:$0x11130] =	vst v4  }
0x1b7: {  	[tilespmem:$0x11140] =	vst v4  }
0x1b8: {  	[tilespmem:$0x11150] =	vst v4  }
0x1b9: {  	[tilespmem:$0x11160] =	vst v4  }
0x1ba: {  	[tilespmem:$0x11170] =	vst v4  }
0x1bb: {  	[tilespmem:$0x11180] =	vst v4  }
0x1bc: {  	[tilespmem:$0x11190] =	vst v4  }
0x1bd: {  	[tilespmem:$0x111A0] =	vst v4  }
0x1be: {  	[tilespmem:$0x111B0] =	vst v4  }
0x1bf: {  	[tilespmem:$0x111C0] =	vst v4  }
0x1c0: {  	[tilespmem:$0x111D0] =	vst v4  }
0x1c1: {  	[tilespmem:$0x111E0] =	vst v4  }
0x1c2: {  	[tilespmem:$0x11360] =	vst v4  }
0x1c3: {  	[tilespmem:$0x11350] =	vst v4  }
0x1c4: {  	[tilespmem:$0x11340] =	vst v4  }
0x1c5: {  	v5 =	vld [tilespmem:$0x100];
	[tilespmem:$0x11330] =	vst v4  }
0x1c6: {  	v6 =	vld [tilespmem:$0x0];
	[tilespmem:$0x11320] =	vst v4  }
0x1c7: {  	v7 =	vld [tilespmem:$0x110];
	[tilespmem:$0x11310] =	vst v4  }
0x1c8: {  	v8 =	vld [tilespmem:$0x10];
	[tilespmem:$0x11300] =	vst v4  }
0x1c9: {  	v9 =	vld [tilespmem:$0x120];
	[tilespmem:$0x112F0] =	vst v4  }
0x1ca: {  	v10 =	vld [tilespmem:$0x20];
	[tilespmem:$0x112E0] =	vst v4  }
0x1cb: {  	v11 =	vld [tilespmem:$0x130];
	[tilespmem:$0x11250] =	vst v4  }
0x1cc: {  	v12 =	vld [tilespmem:$0x30];
	[tilespmem:$0x112D0] =	vst v4  }
0x1cd: {  	v13 =	vld [tilespmem:$0x140];
	[tilespmem:$0x11280] =	vst v4  }
0x1ce: {  	v14 =	vld [tilespmem:$0x40];
	[tilespmem:$0x11270] =	vst v4  }
0x1cf: {  	v15 =	vld [tilespmem:$0x150];
	[tilespmem:$0x11260] =	vst v4  }
0x1d0: {  	v16 =	vld [tilespmem:$0x50];
	[tilespmem:$0x11200] =	vst v4  }
0x1d1: {  	v17 =	vld [tilespmem:$0x160];
	[tilespmem:$0x112C0] =	vst v4;
	v5 =	vshll.u32 v5, $0xD  }
0x1d2: {  	v18 =	vld [tilespmem:$0x60];
	[tilespmem:$0x112B0] =	vst v4;
	v5 =	vadd.s32 v6, v5  }
0x1d3: {  	v19 =	vld [tilespmem:$0x170];
	v6 =	vshll.u32 v7, $0xD;
	[tilespmem:$0x200] =	vst v5  }
0x1d4: {  	v20 =	vld [tilespmem:$0x70];
	v5 =	vadd.s32 v8, v6;
	v6 =	vshll.u32 v9, $0xD;
	[tilespmem:$0x112A0] =	vst v4  }
0x1d5: {  	v21 =	vld [tilespmem:$0x180];
	[tilespmem:$0x210] =	vst v5;
	v5 =	vadd.s32 v10, v6  }
0x1d6: {  	v22 =	vld [tilespmem:$0x80];
	v6 =	vshll.u32 v11, $0xD;
	[tilespmem:$0x220] =	vst v5  }
0x1d7: {  	v23 =	vld [tilespmem:$0x190];
	v5 =	vadd.s32 v12, v6;
	v6 =	vshll.u32 v13, $0xD;
	[tilespmem:$0x11290] =	vst v4  }
0x1d8: {  	v24 =	vld [tilespmem:$0x90];
	[tilespmem:$0x230] =	vst v5;
	v5 =	vadd.s32 v14, v6  }
0x1d9: {  	v25 =	vld [tilespmem:$0x1A0];
	v6 =	vshll.u32 v15, $0xD;
	[tilespmem:$0x240] =	vst v5  }
0x1da: {  	v55 =	vld [tilespmem:$0x1B0];
	v5 =	vadd.s32 v16, v6;
	v6 =	vshll.u32 v17, $0xD;
	[tilespmem:$0x11240] =	vst v4  }
0x1db: {  	v56 =	vld [tilespmem:$0xB0];
	[tilespmem:$0x250] =	vst v5;
	v5 =	vadd.s32 v18, v6  }
0x1dc: {  	v7 =	vld [tilespmem:$0xA0];
	v6 =	vshll.u32 v19, $0xD;
	[tilespmem:$0x260] =	vst v5  }
0x1dd: {  	v57 =	vld [tilespmem:$0x1C0];
	v5 =	vadd.s32 v20, v6;
	v6 =	vshll.u32 v21, $0xD;
	[tilespmem:$0x11230] =	vst v4  }
0x1de: {  	v58 =	vld [tilespmem:$0xC0];
	[tilespmem:$0x270] =	vst v5;
	v5 =	vadd.s32 v22, v6  }
0x1df: {  	v59 =	vld [tilespmem:$0x1D0];
	v6 =	vshll.u32 v23, $0xD;
	[tilespmem:$0x280] =	vst v5  }
0x1e0: {  	v60 =	vld [tilespmem:$0xD0];
	v5 =	vadd.s32 v24, v6;
	v6 =	vshll.u32 v25, $0xD;
	[tilespmem:$0x11220] =	vst v4  }
0x1e1: {  	v61 =	vld [tilespmem:$0x1E0];
	[tilespmem:$0x290] =	vst v5;
	v5 =	vadd.s32 v7, v6  }
0x1e2: {  	v62 =	vld [tilespmem:$0xE0];
	v6 =	vshll.u32 v55, $0xD;
	[tilespmem:$0x2A0] =	vst v5  }
0x1e3: {  	v63 =	vld [tilespmem:$0x1F0];
	v5 =	vadd.s32 v56, v6;
	v6 =	vshll.u32 v57, $0xD;
	[tilespmem:$0x11210] =	vst v4  }
0x1e4: {  	v7 =	vld [tilespmem:$0xF0];
	[tilespmem:$0x2B0] =	vst v5;
	v5 =	vadd.s32 v58, v6  }
0x1e5: {  	v6 =	vshll.u32 v59, $0xD;
	[tilespmem:$0x2C0] =	vst v5  }
0x1e6: {  	v5 =	vadd.s32 v60, v6;
	v6 =	vshll.u32 v61, $0xD;
	[tilespmem:$0x111F0] =	vst v4  }
0x1e7: {  	[tilespmem:$0x2D0] =	vst v5;
	v5 =	vadd.s32 v62, v6  }
0x1e8: {  	v6 =	vshll.u32 v63, $0xD;
	[tilespmem:$0x2E0] =	vst v5  }
0x1e9: {  	v5 =	vadd.s32 v7, v6;
	[tilespmem:$0x11370] =	vst v4  }
0x1ea: {  	[tilespmem:$0x2F0] =	vst v5  }
0x1eb: {  	[spmem:s5] =	stream.linear.scatter [tilespmem:s26], [sflag:$0x2], $0x1000, $0x38;
	[tilespmem:$0x12380] =	vst v63  }
0x1ec: {  	_ =	swait.ge [sflag:s7], $0x1000  }
0x1ed: {  	[sflag:s7] =	ssyncset.done $0x0  }
0x1ee: {  	[sflag:s7] =	ssyncadd.s32 $0xFFFFF000  }
0x1ef: {  	[bflag:$0x0] =	sbarrier.arrive $0xFFFF  }
0x1f0: {  	[spmem:s3] =	stream.indirect.scatter.add.f32 [tilespmem:s30], [sflag:$0x2], $0x1, s29, s28, $0xb8;
	[tilespmem:$0x12380] =	vst v63  }
0x1f1: {  	_ =	swait.ge [sflag:s7], $0x80  }
0x1f2: {  	[sflag:s7] =	ssyncset.done $0x0  }
0x1f3: {  	[sflag:s7] =	ssyncadd.s32 $0xFFFFFF80  }
0x1f4: {  	[spmem:s3] =	stream.indirect.scatter.add.f32 [tilespmem:s30], [sflag:$0x2], $0x1, s31, s28, $0xb8;
	[tilespmem:$0x12380] =	vst v63  }
0x1f5: {  	_ =	swait.ge [sflag:s7], $0x80  }
0x1f6: {  	[sflag:s7] =	ssyncset.done $0x0  }
0x1f7: {  	[sflag:s7] =	ssyncadd.s32 $0xFFFFFF80  }
0x1f8: {  	_ =	swait.ge [sflag:s2], $0x8000  }
0x1f9: {  	[sflag:s2] =	ssyncset.done $0x0  }
0x1fa: {  	[sflag:s2] =	ssyncadd.s32 $0xFFFF8000  }
0x1fb: {  	_ =	swait.ge [sflag:s2], $0x8000  }
0x1fc: {  	[sflag:s2] =	ssyncset.done $0x0  }
0x1fd: {  	s10 =	rddreg [dreg:$0x9];
	[sflag:s2] =	ssyncadd.s32 $0xFFFF8000  }
0x1fe: {  	[hbm4b:s10+s4] =	stream.linear.scatter [tilespmem:s9], [sflag:$0x2], $0x10000, $0x38;
	[tilespmem:$0x12380] =	vst v63  }
0x1ff: {  	_ =	swait.ge [sflag:s7], $0x10000  }
0x200: {  	[sflag:s7] =	ssyncset.done $0x0  }
0x201: {  	[sflag:s7] =	ssyncadd.s32 $0xFFFF0000  }
0x202: {  	[bflag:$0x0] =	sbarrier.arrive $0xFFFF  }
0x203: {  	[tilespmem:s26], [sflag:$0x2] =	stream.linear.gather [spmem:s5], $0x1000, $0x38;
	[tilespmem:$0x12380] =	vst v63  }
0x204: {  	_ =	swait.ge [sflag:s7], $0x1000  }
0x205: {  	p0 =	sne.s32 s6, $0x1;
	[sflag:s7] =	ssyncset.done $0x0  }
.Ltmp0:
0x206: {  	s10 =	rddreg [dreg:$0xa];
	[sflag:s7] =	ssyncadd.s32 $0xFFFFF000;
	(pc) =	sbr.rel @p0 .LBB2_1-.Ltmp0, $4  }
0x207: {  	[hbm4b:s10+s28] =	stream.strided.scatter [tilespmem:s26], [sflag:$0x2], $0x1000, s8, s28, $0x38;
	[tilespmem:$0x12380] =	vst v63  }
0x208: {  	_ =	swait.ge [sflag:s7], $0x1000  }
0x209: {  	[sflag:s7] =	ssyncset.done $0x0  }
0x20a: {  	s6 =	sadd.s32 $0xFFFFFFFF, s6;
	[sflag:s7] =	ssyncadd.s32 $0xFFFFF000  }
0x20b: {  	_ =	sfence.sel $0x180000  }
0x20c: {  	[bflag:$0x0] =	sbarrier.arrive $0xFFFF  }
0x20d: {  	_ =	strace $0x90000047  }
0x20e: {  	s0 =	stileid.u32;
	[bflag:$0x2] =	sbarrier.arrive $0xFFFF  }
0x20f: {  	p0 =	sne.s32 s0, $0x0;
	s0 =	rddreg [dreg:$0x6]  }
0x210: {  	s0 =	sadd.s32 @!p0 $0x100000, s0  }
0x211: {  	[sflag:s0] =	ssyncadd.tile.s32 @!p0 $0x1;
	_ =	shalt  }
.Lfunc_end2:
_tile_overlayer_lowered:
.L_overlay_start_2:
0x212: {  	(tag) =	ssettag $0x2  }
0x213: {  	s0 =	rddreg [dreg:$0x0];
	s2 =	stileid.u32  }
0x214: {  	s1 =	rddreg [dreg:$0x1];
	p0 =	sne.s32 s2, $0x0  }
0x215: {  	s3 =	rddreg [dreg:$0x2];
	[bflag:$0x3] =	sbarrier.arrive $0xFFFF;
	s2 =	simm.s32 @!p0 $0x1C02  }
0x216: {  	[timem:s3], [sflag:s2] =	dma.local @!p0 [hbm:s0], s1  }
0x217: {  	s0 =	simm.s32 @!p0 $0x2  }
0x218: {  	_ =	swait.ge @!p0 [sflag:s0], s1  }
0x219: {  	s1 =	ssub.s32 @!p0 $0x0, s1;
	[sflag:s0] =	ssyncset.done @!p0 $0x0  }
0x21a: {  	[sflag:s0] =	ssyncadd.s32 @!p0 s1  }
0x21b: {  	[bflag:$0x3] =	sbarrier.arrive $0xFFFF  }
0x21c: {  	_ =	shalt  }

</sc_bundles>
